<compile_context>
chip_gen: v7x
topology: tpu7x:2x2x1
jax: 0.10.2.dev20260603
libtpu: 0.0.44.dev20260713+nightly
codegen_flags: <defaults>
</compile_context>

<pallas_src>
import functools

import jax
import jax.numpy as jnp
from jax import lax
from jax.experimental import pallas as pl
from jax.experimental.pallas import tpu as pltpu
from jax.experimental.pallas import tpu_sc as plsc

N = 10000
E = 320000
D_IN = 128
HID = 128
N_ACT = 16
B = 1024

NC = 2
NS = 16
NW = NC * NS
K = 128
RWP = 80
HALF = RWP // 2
NROWS = NW * RWP
EPAD = NROWS * K - E
NACC = N + 16
SB = 624
ZR = 128

_mesh = plsc.VectorSubcoreMesh(core_axis_name="c", subcore_axis_name="s")


def _zero_fill(zbuf, nrows, d):
    zv = jnp.zeros((16,), jnp.float32)

    def body(r, _):
        for c in range(d // 16):
            zbuf[r, pl.ds(c * 16, 16)] = zv
        return 0

    lax.fori_loop(0, nrows, body, 0)


def _zero_acc(zbuf, acc, sid):
    sbase = sid * SB
    for z in range(4):
        pltpu.sync_copy(zbuf, acc.at[pl.ds(sbase + z * ZR, ZR), :])

    @pl.when(sid < NS - 1)
    def _():
        pltpu.sync_copy(zbuf.at[pl.ds(0, SB - 4 * ZR)],
                        acc.at[pl.ds(sbase + 4 * ZR, SB - 4 * ZR), :])

    @pl.when(sid == NS - 1)
    def _():
        pltpu.sync_copy(zbuf, acc.at[pl.ds(sbase + 4 * ZR, ZR), :])


def _writeout(acc, out_hbm, cid, sid):
    sbase = sid * SB

    @pl.when(sid < NS - 1)
    def _():
        pltpu.sync_copy(acc.at[pl.ds(sbase, SB), :],
                        out_hbm.at[cid, pl.ds(sbase, SB), :])

    @pl.when(sid == NS - 1)
    def _():
        pltpu.sync_copy(acc.at[pl.ds(sbase, SB + 16), :],
                        out_hbm.at[cid, pl.ds(sbase, SB + 16), :])


@functools.partial(
    pl.kernel,
    out_type=jax.ShapeDtypeStruct((NC, N, HID), jnp.float32),
    mesh=_mesh,
    scratch_types=[
        pltpu.VMEM((HALF, K), jnp.int32),
        pltpu.VMEM((HALF, K), jnp.int32),
        pltpu.VMEM((2, K, HID), jnp.float32),
        pltpu.VMEM_SHARED((NACC, HID), jnp.float32),
        pltpu.SemaphoreType.DMA,
        pltpu.SemaphoreType.DMA,
    ],
)
def _sc_agg(g_hbm, src_hbm, dst_hbm, out_hbm, sidx, didx, rows, acc, gsem,
            ssem):
    cid = lax.axis_index("c")
    sid = lax.axis_index("s")
    rbase = (cid * NS + sid) * RWP

    _zero_fill(rows.at[0], ZR, HID)
    _zero_acc(rows.at[0], acc, sid)
    plsc.subcore_barrier()

    for h in range(2):
        pltpu.sync_copy(src_hbm.at[pl.ds(rbase + h * HALF, HALF)], sidx)
        pltpu.sync_copy(dst_hbm.at[pl.ds(rbase + h * HALF, HALF)], didx)
        pltpu.async_copy(g_hbm.at[sidx.at[0]], rows.at[0], gsem)

        def body(i, _):
            slot = lax.rem(i, 2)
            pltpu.make_async_copy(g_hbm.at[sidx.at[i]], rows.at[slot],
                                  gsem).wait()

            @pl.when(i + 1 < HALF)
            def _():
                pltpu.async_copy(g_hbm.at[sidx.at[i + 1]], rows.at[1 - slot],
                                 gsem)

            pltpu.sync_copy(rows.at[slot], acc.at[didx.at[i]], add=True)
            return 0

        lax.fori_loop(0, HALF, body, 0)

    plsc.subcore_barrier()
    _writeout(acc, out_hbm, cid, sid)


_HD = 16


@functools.partial(
    pl.kernel,
    out_type=jax.ShapeDtypeStruct((NC, N, _HD), jnp.float32),
    mesh=_mesh,
    scratch_types=[
        pltpu.VMEM((RWP, K), jnp.int32),
        pltpu.VMEM((K, _HD), jnp.float32),
        pltpu.VMEM((ZR, _HD), jnp.float32),
        pltpu.VMEM_SHARED((NACC, _HD), jnp.float32),
    ],
)
def _sc_hist(dst_hbm, out_hbm, didx, ones, zbuf, acc):
    cid = lax.axis_index("c")
    sid = lax.axis_index("s")
    rbase = (cid * NS + sid) * RWP

    pltpu.sync_copy(dst_hbm.at[pl.ds(rbase, RWP)], didx)

    e0 = jnp.where(lax.iota(jnp.int32, 16) == 0, 1.0, 0.0).astype(jnp.float32)

    def fill(r, _):
        ones[r, pl.ds(0, 16)] = e0
        return 0

    lax.fori_loop(0, K, fill, 0)

    _zero_fill(zbuf, ZR, _HD)
    _zero_acc(zbuf, acc, sid)
    plsc.subcore_barrier()

    def body(i, _):
        pltpu.sync_copy(ones, acc.at[didx.at[i]], add=True)
        return 0

    lax.fori_loop(0, RWP, body, 0)

    plsc.subcore_barrier()
    _writeout(acc, out_hbm, cid, sid)


def _tc_g1_body(x_ref, w1_ref, degp_ref, g1_ref, dinv_ref):
    h = lax.dot_general(x_ref[...], w1_ref[...], (((0,), (0,)), ((), ())),
                        preferred_element_type=jnp.float32)
    dp = degp_ref[...]
    deg = dp[0][:, 0:1] + dp[1][:, 0:1] + 1.0
    dv = lax.rsqrt(deg)
    g1_ref[...] = h * dv
    dinv_ref[...] = dv


def _tc_g1(x, w1, degp):
    return pl.pallas_call(
        _tc_g1_body,
        out_shape=[
            jax.ShapeDtypeStruct((N, HID), jnp.float32),
            jax.ShapeDtypeStruct((N, 1), jnp.float32),
        ],
    )(x, w1, degp)


_CB = 2000
_GB = N // _CB


def _tc_g1p_body(p_ref, g1_ref, dinv_ref, b1_ref, g1p_ref):
    dv = dinv_ref[...]
    h1 = (p_ref[0] + p_ref[1] + g1_ref[...]) * dv + b1_ref[...]
    g1p_ref[...] = jnp.maximum(h1, 0.0) * dv


def _tc_g1p(p, g1, dinv, b1):
    return pl.pallas_call(
        _tc_g1p_body,
        grid=(_GB,),
        in_specs=[
            pl.BlockSpec((NC, _CB, HID), lambda i: (0, i, 0)),
            pl.BlockSpec((_CB, HID), lambda i: (i, 0)),
            pl.BlockSpec((_CB, 1), lambda i: (i, 0)),
            pl.BlockSpec((1, HID), lambda i: (0, 0)),
        ],
        out_specs=pl.BlockSpec((_CB, HID), lambda i: (i, 0)),
        out_shape=jax.ShapeDtypeStruct((N, HID), jnp.float32),
    )(p, g1, dinv, b1)


def _tc_h2_body(q_ref, g1p_ref, dinv_ref, w2_ref, b2_ref, h2_ref):
    t = (q_ref[0] + q_ref[1] + g1p_ref[...]) * dinv_ref[...]
    h2_ref[...] = lax.dot_general(
        t, w2_ref[...], (((1,), (0,)), ((), ())),
        preferred_element_type=jnp.float32) + b2_ref[...]


def _tc_h2(q, g1p, dinv, w2, b2):
    return pl.pallas_call(
        _tc_h2_body,
        grid=(_GB,),
        in_specs=[
            pl.BlockSpec((NC, _CB, HID), lambda i: (0, i, 0)),
            pl.BlockSpec((_CB, HID), lambda i: (i, 0)),
            pl.BlockSpec((_CB, 1), lambda i: (i, 0)),
            pl.BlockSpec((HID, N_ACT), lambda i: (0, 0)),
            pl.BlockSpec((1, N_ACT), lambda i: (0, 0)),
        ],
        out_specs=pl.BlockSpec((_CB, N_ACT), lambda i: (i, 0)),
        out_shape=jax.ShapeDtypeStruct((N, N_ACT), jnp.float32),
    )(q, g1p, dinv, w2, b2)


_OB = 256
_OGB = B // _OB


def _tc_out_body(oh_ref, h2_ref, out_ref):
    out_ref[...] = jnp.dot(oh_ref[...], h2_ref[...],
                           preferred_element_type=jnp.float32)


def _tc_out(oh, h2):
    return pl.pallas_call(
        _tc_out_body,
        grid=(_OGB,),
        in_specs=[
            pl.BlockSpec((_OB, N), lambda i: (i, 0)),
            pl.BlockSpec((N, N_ACT), lambda i: (0, 0)),
        ],
        out_specs=pl.BlockSpec((_OB, N_ACT), lambda i: (i, 0)),
        out_shape=jax.ShapeDtypeStruct((B, N_ACT), jnp.float32),
    )(oh, h2)


@jax.jit
def kernel(x, edge_index, onehot_values, W1, b1, W2, b2):
    src = jnp.concatenate(
        [edge_index[0], jnp.zeros((EPAD,), jnp.int32)]).reshape(NROWS, K)
    dst = jnp.concatenate(
        [edge_index[1], jnp.full((EPAD,), N, jnp.int32)]).reshape(NROWS, K)

    degp = _sc_hist(dst)
    g1, dinv = _tc_g1(x, W1, degp)
    p = _sc_agg(g1, src, dst)
    g1p = _tc_g1p(p, g1, dinv, b1.reshape(1, HID))
    q = _sc_agg(g1p, src, dst)
    h2 = _tc_h2(q, g1p, dinv, W2, b2.reshape(1, N_ACT))
    return _tc_out(onehot_values, h2)

# --- scband reference (transcript-rebuilt; emitter-appended) ---
"""Pipeline reference for scband-gcn-62466004353421 (READ-ONLY COPY).

The authoritative reference and input builder live on the scoring server;
editing this copy changes nothing except your own understanding.
"""

import jax, jax.numpy as jnp
import numpy as np

N = 10000
E = 320000
D_IN = 128
HID = 128
N_ACT = 16
B = 1024


def setup_inputs(seed: int = 0) -> dict:
    key = jax.random.key(seed)
    k1, k2, k3, k4, k5 = jax.random.split(key, 5)
    x = jax.random.normal(k1, (D_IN, N), dtype=jnp.float32)
    edge_index = jax.random.randint(k2, (2, E), 0, N, dtype=jnp.int32)
    onehot_values = jax.random.uniform(k3, (B, N), dtype=jnp.float32)
    W1 = jax.random.normal(k4, (D_IN, HID), dtype=jnp.float32) * 0.05
    b1 = jnp.zeros((HID,), dtype=jnp.float32)
    W2 = jax.random.normal(k5, (HID, N_ACT), dtype=jnp.float32) * 0.05
    b2 = jnp.zeros((N_ACT,), dtype=jnp.float32)
    return {"x": x, "edge_index": edge_index, "onehot_values": onehot_values,
            "W1": W1, "b1": b1, "W2": W2, "b2": b2}


def _gcn_conv(x, src, dst, W, b, n):
    # PyG GCNConv (normalize=True): linear transform, add self-loops,
    # symmetric normalization D^-1/2 (A+I) D^-1/2, aggregate at dst.
    h = x @ W
    loop = jnp.arange(n, dtype=src.dtype)
    s = jnp.concatenate([src, loop])
    d = jnp.concatenate([dst, loop])
    deg = jnp.zeros((n,), dtype=h.dtype).at[d].add(jnp.ones_like(d, dtype=h.dtype))
    dinv = jnp.where(deg > 0, jax.lax.rsqrt(deg), 0.0)
    norm = dinv[s] * dinv[d]
    msgs = h[s] * norm[:, None]
    out = jnp.zeros_like(h).at[d].add(msgs)
    return out + b


def reference(x, edge_index, onehot_values, W1, b1, W2, b2):
    # graph.x.T  -> node features [N, D_IN]; dropout is identity in eval mode
    xt = x.T
    src = edge_index[0]
    dst = edge_index[1]
    h = jax.nn.relu(_gcn_conv(xt, src, dst, W1, b1, N))
    h = _gcn_conv(h, src, dst, W2, b2, N)
    return onehot_values @ h

if __name__ == "__main__":
    import jax
    _d = setup_inputs()
    print(jax.jit(kernel)(*tuple(_d.values())))

</pallas_src>

<mosaic_0001>
#map = affine_map<(d0, d1) -> (0, 0)>
#map1 = affine_map<(d0, d1) -> (0, 0, 0)>
module attributes {stable_mosaic.version = 14 : i64} {
  func.func @_sc_agg(%arg0: i32, %arg1: i32, %arg2: memref<10000x128xf32, #tpu.memory_space<hbm>>, %arg3: memref<2560x128xi32, #tpu.memory_space<hbm>>, %arg4: memref<2560x128xi32, #tpu.memory_space<hbm>>, %arg5: memref<2x10000x128xf32, #tpu.memory_space<hbm>>, %arg6: memref<40x128xi32, #tpu.memory_space<vmem>>, %arg7: memref<40x128xi32, #tpu.memory_space<vmem>>, %arg8: memref<2x128x128xf32, #tpu.memory_space<vmem>>, %arg9: memref<10016x128xf32, #tpu.memory_space<vmem_shared>>, %arg10: memref<!tpu.dma_semaphore, #tpu.memory_space<semaphore_mem>>, %arg11: memref<!tpu.dma_semaphore, #tpu.memory_space<semaphore_mem>>) attributes {dimension_semantics = [#tpu.dimension_semantics<core_parallel>, #tpu.dimension_semantics<subcore_parallel>], iteration_bounds = array<i64: 2, 16>, scalar_prefetch = 0 : i64, scratch_operands = 6 : i64, tpu.core_type = #tpu.core_type<sc_vector_subcore>, window_params = [{transform_indices = #map}, {transform_indices = #map}, {transform_indices = #map}, {transform_indices = #map1}]} {
    %mul3A = arith.constant 16 : i32
    %mul3A_0 = arith.muli %arg0, %mul3A : i32
    %add3A = arith.addi %mul3A_0, %arg1 : i32
    %mul3A_1 = arith.constant 80 : i32
    %mul3A_2 = arith.muli %add3A, %mul3A_1 : i32
    %broadcast_in_dim3A = arith.constant 0.000000e+00 : f32
    %broadcast_in_dim3A_3 = vector.broadcast %broadcast_in_dim3A : f32 to vector<16xf32>
    %scan3A = arith.constant 0 : i32
    %scan3A_4 = arith.constant 0 : i32
    %scan3A_5 = arith.constant 0 : i32
    %scan3A_6 = arith.constant 128 : i32
    %scan3A_7 = arith.addi %scan3A_5, %scan3A_6 : i32
    %scan3A_8 = arith.constant 1 : i32
    %scan3A_9 = scf.for %scan3A_90 = %scan3A_5 to %scan3A_7 step %scan3A_8 iter_args(%scan3A_91 = %scan3A_4) -> (i32)  : i32 {
      %swap3A = arith.constant 0 : i32
      %swap3A_92 = arith.constant 0 : i32
      %swap3A_93 = tpu.memref_slice %arg8[%scan3A, %swap3A, %swap3A_92] : memref<2x128x128xf32, #tpu.memory_space<vmem>> -> memref<1x128x128xf32, #tpu.memory_space<vmem>>
      %swap3A_94 = tpu.memref_squeeze %swap3A_93 : memref<1x128x128xf32, #tpu.memory_space<vmem>> -> memref<128x128xf32, #tpu.memory_space<vmem>>
      %swap3A_95 = arith.index_cast %scan3A_90 : i32 to index
      %swap3A_96 = arith.constant 0 : index
      %swap3A_97 = tpu.vector_load %swap3A_94[%swap3A_95, %swap3A_96] {strides = array<i32>} : memref<128x128xf32, #tpu.memory_space<vmem>>, vector<1x16xf32>,
      %swap3A_98 = vector.shape_cast %swap3A_97 : vector<1x16xf32> to vector<16xf32>
      %swap3A_99 = vector.shape_cast %broadcast_in_dim3A_3 : vector<16xf32> to vector<1x16xf32>
      tpu.vector_store %swap3A_94[%swap3A_95, %swap3A_96], %swap3A_99 {strides = array<i32>} : memref<128x128xf32, #tpu.memory_space<vmem>>, vector<1x16xf32>,
      %swap3A_100 = arith.constant 0 : i32
      %swap3A_101 = arith.constant 0 : i32
      %swap3A_102 = tpu.memref_slice %arg8[%scan3A, %swap3A_100, %swap3A_101] : memref<2x128x128xf32, #tpu.memory_space<vmem>> -> memref<1x128x128xf32, #tpu.memory_space<vmem>>
      %swap3A_103 = tpu.memref_squeeze %swap3A_102 : memref<1x128x128xf32, #tpu.memory_space<vmem>> -> memref<128x128xf32, #tpu.memory_space<vmem>>
      %swap3A_104 = arith.index_cast %scan3A_90 : i32 to index
      %swap3A_105 = arith.constant 16 : index
      %swap3A_106 = tpu.vector_load %swap3A_103[%swap3A_104, %swap3A_105] {strides = array<i32>} : memref<128x128xf32, #tpu.memory_space<vmem>>, vector<1x16xf32>,
      %swap3A_107 = vector.shape_cast %swap3A_106 : vector<1x16xf32> to vector<16xf32>
      %swap3A_108 = vector.shape_cast %broadcast_in_dim3A_3 : vector<16xf32> to vector<1x16xf32>
      tpu.vector_store %swap3A_103[%swap3A_104, %swap3A_105], %swap3A_108 {strides = array<i32>} : memref<128x128xf32, #tpu.memory_space<vmem>>, vector<1x16xf32>,
      %swap3A_109 = arith.constant 0 : i32
      %swap3A_110 = arith.constant 0 : i32
      %swap3A_111 = tpu.memref_slice %arg8[%scan3A, %swap3A_109, %swap3A_110] : memref<2x128x128xf32, #tpu.memory_space<vmem>> -> memref<1x128x128xf32, #tpu.memory_space<vmem>>
      %swap3A_112 = tpu.memref_squeeze %swap3A_111 : memref<1x128x128xf32, #tpu.memory_space<vmem>> -> memref<128x128xf32, #tpu.memory_space<vmem>>
      %swap3A_113 = arith.index_cast %scan3A_90 : i32 to index
      %swap3A_114 = arith.constant 32 : index
      %swap3A_115 = tpu.vector_load %swap3A_112[%swap3A_113, %swap3A_114] {strides = array<i32>} : memref<128x128xf32, #tpu.memory_space<vmem>>, vector<1x16xf32>,
      %swap3A_116 = vector.shape_cast %swap3A_115 : vector<1x16xf32> to vector<16xf32>
      %swap3A_117 = vector.shape_cast %broadcast_in_dim3A_3 : vector<16xf32> to vector<1x16xf32>
      tpu.vector_store %swap3A_112[%swap3A_113, %swap3A_114], %swap3A_117 {strides = array<i32>} : memref<128x128xf32, #tpu.memory_space<vmem>>, vector<1x16xf32>,
      %swap3A_118 = arith.constant 0 : i32
      %swap3A_119 = arith.constant 0 : i32
      %swap3A_120 = tpu.memref_slice %arg8[%scan3A, %swap3A_118, %swap3A_119] : memref<2x128x128xf32, #tpu.memory_space<vmem>> -> memref<1x128x128xf32, #tpu.memory_space<vmem>>
      %swap3A_121 = tpu.memref_squeeze %swap3A_120 : memref<1x128x128xf32, #tpu.memory_space<vmem>> -> memref<128x128xf32, #tpu.memory_space<vmem>>
      %swap3A_122 = arith.index_cast %scan3A_90 : i32 to index
      %swap3A_123 = arith.constant 48 : index
      %swap3A_124 = tpu.vector_load %swap3A_121[%swap3A_122, %swap3A_123] {strides = array<i32>} : memref<128x128xf32, #tpu.memory_space<vmem>>, vector<1x16xf32>,
      %swap3A_125 = vector.shape_cast %swap3A_124 : vector<1x16xf32> to vector<16xf32>
      %swap3A_126 = vector.shape_cast %broadcast_in_dim3A_3 : vector<16xf32> to vector<1x16xf32>
      tpu.vector_store %swap3A_121[%swap3A_122, %swap3A_123], %swap3A_126 {strides = array<i32>} : memref<128x128xf32, #tpu.memory_space<vmem>>, vector<1x16xf32>,
      %swap3A_127 = arith.constant 0 : i32
      %swap3A_128 = arith.constant 0 : i32
      %swap3A_129 = tpu.memref_slice %arg8[%scan3A, %swap3A_127, %swap3A_128] : memref<2x128x128xf32, #tpu.memory_space<vmem>> -> memref<1x128x128xf32, #tpu.memory_space<vmem>>
      %swap3A_130 = tpu.memref_squeeze %swap3A_129 : memref<1x128x128xf32, #tpu.memory_space<vmem>> -> memref<128x128xf32, #tpu.memory_space<vmem>>
      %swap3A_131 = arith.index_cast %scan3A_90 : i32 to index
      %swap3A_132 = arith.constant 64 : index
      %swap3A_133 = tpu.vector_load %swap3A_130[%swap3A_131, %swap3A_132] {strides = array<i32>} : memref<128x128xf32, #tpu.memory_space<vmem>>, vector<1x16xf32>,
      %swap3A_134 = vector.shape_cast %swap3A_133 : vector<1x16xf32> to vector<16xf32>
      %swap3A_135 = vector.shape_cast %broadcast_in_dim3A_3 : vector<16xf32> to vector<1x16xf32>
      tpu.vector_store %swap3A_130[%swap3A_131, %swap3A_132], %swap3A_135 {strides = array<i32>} : memref<128x128xf32, #tpu.memory_space<vmem>>, vector<1x16xf32>,
      %swap3A_136 = arith.constant 0 : i32
      %swap3A_137 = arith.constant 0 : i32
      %swap3A_138 = tpu.memref_slice %arg8[%scan3A, %swap3A_136, %swap3A_137] : memref<2x128x128xf32, #tpu.memory_space<vmem>> -> memref<1x128x128xf32, #tpu.memory_space<vmem>>
      %swap3A_139 = tpu.memref_squeeze %swap3A_138 : memref<1x128x128xf32, #tpu.memory_space<vmem>> -> memref<128x128xf32, #tpu.memory_space<vmem>>
      %swap3A_140 = arith.index_cast %scan3A_90 : i32 to index
      %swap3A_141 = arith.constant 80 : index
      %swap3A_142 = tpu.vector_load %swap3A_139[%swap3A_140, %swap3A_141] {strides = array<i32>} : memref<128x128xf32, #tpu.memory_space<vmem>>, vector<1x16xf32>,
      %swap3A_143 = vector.shape_cast %swap3A_142 : vector<1x16xf32> to vector<16xf32>
      %swap3A_144 = vector.shape_cast %broadcast_in_dim3A_3 : vector<16xf32> to vector<1x16xf32>
      tpu.vector_store %swap3A_139[%swap3A_140, %swap3A_141], %swap3A_144 {strides = array<i32>} : memref<128x128xf32, #tpu.memory_space<vmem>>, vector<1x16xf32>,
      %swap3A_145 = arith.constant 0 : i32
      %swap3A_146 = arith.constant 0 : i32
      %swap3A_147 = tpu.memref_slice %arg8[%scan3A, %swap3A_145, %swap3A_146] : memref<2x128x128xf32, #tpu.memory_space<vmem>> -> memref<1x128x128xf32, #tpu.memory_space<vmem>>
      %swap3A_148 = tpu.memref_squeeze %swap3A_147 : memref<1x128x128xf32, #tpu.memory_space<vmem>> -> memref<128x128xf32, #tpu.memory_space<vmem>>
      %swap3A_149 = arith.index_cast %scan3A_90 : i32 to index
      %swap3A_150 = arith.constant 96 : index
      %swap3A_151 = tpu.vector_load %swap3A_148[%swap3A_149, %swap3A_150] {strides = array<i32>} : memref<128x128xf32, #tpu.memory_space<vmem>>, vector<1x16xf32>,
      %swap3A_152 = vector.shape_cast %swap3A_151 : vector<1x16xf32> to vector<16xf32>
      %swap3A_153 = vector.shape_cast %broadcast_in_dim3A_3 : vector<16xf32> to vector<1x16xf32>
      tpu.vector_store %swap3A_148[%swap3A_149, %swap3A_150], %swap3A_153 {strides = array<i32>} : memref<128x128xf32, #tpu.memory_space<vmem>>, vector<1x16xf32>,
      %swap3A_154 = arith.constant 0 : i32
      %swap3A_155 = arith.constant 0 : i32
      %swap3A_156 = tpu.memref_slice %arg8[%scan3A, %swap3A_154, %swap3A_155] : memref<2x128x128xf32, #tpu.memory_space<vmem>> -> memref<1x128x128xf32, #tpu.memory_space<vmem>>
      %swap3A_157 = tpu.memref_squeeze %swap3A_156 : memref<1x128x128xf32, #tpu.memory_space<vmem>> -> memref<128x128xf32, #tpu.memory_space<vmem>>
      %swap3A_158 = arith.index_cast %scan3A_90 : i32 to index
      %swap3A_159 = arith.constant 112 : index
      %swap3A_160 = tpu.vector_load %swap3A_157[%swap3A_158, %swap3A_159] {strides = array<i32>} : memref<128x128xf32, #tpu.memory_space<vmem>>, vector<1x16xf32>,
      %swap3A_161 = vector.shape_cast %swap3A_160 : vector<1x16xf32> to vector<16xf32>
      %swap3A_162 = vector.shape_cast %broadcast_in_dim3A_3 : vector<16xf32> to vector<1x16xf32>
      tpu.vector_store %swap3A_157[%swap3A_158, %swap3A_159], %swap3A_162 {strides = array<i32>} : memref<128x128xf32, #tpu.memory_space<vmem>>, vector<1x16xf32>,
      %scan3A_163 = arith.constant 0 : i32
      scf.yield %scan3A_163 : i32
    }
    %scan3A_10 = arith.constant 128 : i32
    %mul3A_11 = arith.constant 624 : i32
    %mul3A_12 = arith.muli %arg1, %mul3A_11 : i32
    %add3A_13 = arith.constant 0 : i32
    %add3A_14 = arith.addi %mul3A_12, %add3A_13 : i32
    %run_scoped3A = arith.constant 0 : i32
    "tpu.region"() ({
      %run_scoped3A_90 = tpu.sem_alloc : memref<!tpu.dma_semaphore, #tpu.memory_space<semaphore_mem>>
      %dma_start3A_91 = arith.constant 0 : i32
      %dma_start3A_92 = arith.constant 0 : i32
      %dma_start3A_93 = tpu.memref_slice %arg8[%run_scoped3A, %dma_start3A_91, %dma_start3A_92] : memref<2x128x128xf32, #tpu.memory_space<vmem>> -> memref<1x128x128xf32, #tpu.memory_space<vmem>>
      %dma_start3A_94 = tpu.memref_squeeze %dma_start3A_93 : memref<1x128x128xf32, #tpu.memory_space<vmem>> -> memref<128x128xf32, #tpu.memory_space<vmem>>
      %dma_start3A_95 = arith.constant 0 : i32
      %dma_start3A_96 = tpu.memref_slice %arg9[%add3A_14, %dma_start3A_95] : memref<10016x128xf32, #tpu.memory_space<vmem_shared>> -> memref<128x128xf32, #tpu.memory_space<vmem_shared>>
      %dma_start3A_97 = arith.constant 0 : i32
      %dma_start3A_98 = tpu.memref_slice %arg9[%add3A_14, %dma_start3A_97] : memref<10016x128xf32, #tpu.memory_space<vmem_shared>> -> memref<128x128xf32, #tpu.memory_space<vmem_shared>>
      %dma_start3A_99 = arith.constant 0 : i32
      %dma_start3A_100 = arith.constant 0 : i32
      %dma_start3A_101 = tpu.memref_slice %arg8[%run_scoped3A, %dma_start3A_99, %dma_start3A_100] : memref<2x128x128xf32, #tpu.memory_space<vmem>> -> memref<1x128x128xf32, #tpu.memory_space<vmem>>
      %dma_start3A_102 = tpu.memref_squeeze %dma_start3A_101 : memref<1x128x128xf32, #tpu.memory_space<vmem>> -> memref<128x128xf32, #tpu.memory_space<vmem>>
      tpu.enqueue_dma source(%dma_start3A_102 : memref<128x128xf32, #tpu.memory_space<vmem>>) target(%dma_start3A_98 : memref<128x128xf32, #tpu.memory_space<vmem_shared>>) target_semaphore(%run_scoped3A_90 : memref<!tpu.dma_semaphore, #tpu.memory_space<semaphore_mem>>)
      %dma_wait3A = arith.constant 0 : i32
      %dma_wait3A_103 = arith.constant 0 : i32
      %dma_wait3A_104 = tpu.memref_slice %arg8[%run_scoped3A, %dma_wait3A, %dma_wait3A_103] : memref<2x128x128xf32, #tpu.memory_space<vmem>> -> memref<1x128x128xf32, #tpu.memory_space<vmem>>
      %dma_wait3A_105 = tpu.memref_squeeze %dma_wait3A_104 : memref<1x128x128xf32, #tpu.memory_space<vmem>> -> memref<128x128xf32, #tpu.memory_space<vmem>>
      %dma_wait3A_106 = arith.constant 0 : i32
      %dma_wait3A_107 = tpu.memref_slice %arg9[%add3A_14, %dma_wait3A_106] : memref<10016x128xf32, #tpu.memory_space<vmem_shared>> -> memref<128x128xf32, #tpu.memory_space<vmem_shared>>
      %dma_wait3A_108 = arith.constant 0 : i32
      %dma_wait3A_109 = tpu.memref_slice %arg9[%add3A_14, %dma_wait3A_108] : memref<10016x128xf32, #tpu.memory_space<vmem_shared>> -> memref<128x128xf32, #tpu.memory_space<vmem_shared>>
      %dma_wait3A_110 = arith.constant 0 : i32
      %dma_wait3A_111 = arith.constant 0 : i32
      %dma_wait3A_112 = tpu.memref_slice %arg8[%run_scoped3A, %dma_wait3A_110, %dma_wait3A_111] : memref<2x128x128xf32, #tpu.memory_space<vmem>> -> memref<1x128x128xf32, #tpu.memory_space<vmem>>
      %dma_wait3A_113 = tpu.memref_squeeze %dma_wait3A_112 : memref<1x128x128xf32, #tpu.memory_space<vmem>> -> memref<128x128xf32, #tpu.memory_space<vmem>>
      tpu.wait_dma2 semaphore(%run_scoped3A_90 : memref<!tpu.dma_semaphore, #tpu.memory_space<semaphore_mem>>) src(%dma_wait3A_113 : memref<128x128xf32, #tpu.memory_space<vmem>>) dst(%dma_wait3A_109 : memref<128x128xf32, #tpu.memory_space<vmem_shared>>)
      tpu.yield
    }) : () -> ()
    %add3A_15 = arith.constant 128 : i32
    %add3A_16 = arith.addi %mul3A_12, %add3A_15 : i32
    %run_scoped3A_17 = arith.constant 0 : i32
    "tpu.region"() ({
      %run_scoped3A_90 = tpu.sem_alloc : memref<!tpu.dma_semaphore, #tpu.memory_space<semaphore_mem>>
      %dma_start3A_91 = arith.constant 0 : i32
      %dma_start3A_92 = arith.constant 0 : i32
      %dma_start3A_93 = tpu.memref_slice %arg8[%run_scoped3A_17, %dma_start3A_91, %dma_start3A_92] : memref<2x128x128xf32, #tpu.memory_space<vmem>> -> memref<1x128x128xf32, #tpu.memory_space<vmem>>
      %dma_start3A_94 = tpu.memref_squeeze %dma_start3A_93 : memref<1x128x128xf32, #tpu.memory_space<vmem>> -> memref<128x128xf32, #tpu.memory_space<vmem>>
      %dma_start3A_95 = arith.constant 0 : i32
      %dma_start3A_96 = tpu.memref_slice %arg9[%add3A_16, %dma_start3A_95] : memref<10016x128xf32, #tpu.memory_space<vmem_shared>> -> memref<128x128xf32, #tpu.memory_space<vmem_shared>>
      %dma_start3A_97 = arith.constant 0 : i32
      %dma_start3A_98 = tpu.memref_slice %arg9[%add3A_16, %dma_start3A_97] : memref<10016x128xf32, #tpu.memory_space<vmem_shared>> -> memref<128x128xf32, #tpu.memory_space<vmem_shared>>
      %dma_start3A_99 = arith.constant 0 : i32
      %dma_start3A_100 = arith.constant 0 : i32
      %dma_start3A_101 = tpu.memref_slice %arg8[%run_scoped3A_17, %dma_start3A_99, %dma_start3A_100] : memref<2x128x128xf32, #tpu.memory_space<vmem>> -> memref<1x128x128xf32, #tpu.memory_space<vmem>>
      %dma_start3A_102 = tpu.memref_squeeze %dma_start3A_101 : memref<1x128x128xf32, #tpu.memory_space<vmem>> -> memref<128x128xf32, #tpu.memory_space<vmem>>
      tpu.enqueue_dma source(%dma_start3A_102 : memref<128x128xf32, #tpu.memory_space<vmem>>) target(%dma_start3A_98 : memref<128x128xf32, #tpu.memory_space<vmem_shared>>) target_semaphore(%run_scoped3A_90 : memref<!tpu.dma_semaphore, #tpu.memory_space<semaphore_mem>>)
      %dma_wait3A = arith.constant 0 : i32
      %dma_wait3A_103 = arith.constant 0 : i32
      %dma_wait3A_104 = tpu.memref_slice %arg8[%run_scoped3A_17, %dma_wait3A, %dma_wait3A_103] : memref<2x128x128xf32, #tpu.memory_space<vmem>> -> memref<1x128x128xf32, #tpu.memory_space<vmem>>
      %dma_wait3A_105 = tpu.memref_squeeze %dma_wait3A_104 : memref<1x128x128xf32, #tpu.memory_space<vmem>> -> memref<128x128xf32, #tpu.memory_space<vmem>>
      %dma_wait3A_106 = arith.constant 0 : i32
      %dma_wait3A_107 = tpu.memref_slice %arg9[%add3A_16, %dma_wait3A_106] : memref<10016x128xf32, #tpu.memory_space<vmem_shared>> -> memref<128x128xf32, #tpu.memory_space<vmem_shared>>
      %dma_wait3A_108 = arith.constant 0 : i32
      %dma_wait3A_109 = tpu.memref_slice %arg9[%add3A_16, %dma_wait3A_108] : memref<10016x128xf32, #tpu.memory_space<vmem_shared>> -> memref<128x128xf32, #tpu.memory_space<vmem_shared>>
      %dma_wait3A_110 = arith.constant 0 : i32
      %dma_wait3A_111 = arith.constant 0 : i32
      %dma_wait3A_112 = tpu.memref_slice %arg8[%run_scoped3A_17, %dma_wait3A_110, %dma_wait3A_111] : memref<2x128x128xf32, #tpu.memory_space<vmem>> -> memref<1x128x128xf32, #tpu.memory_space<vmem>>
      %dma_wait3A_113 = tpu.memref_squeeze %dma_wait3A_112 : memref<1x128x128xf32, #tpu.memory_space<vmem>> -> memref<128x128xf32, #tpu.memory_space<vmem>>
      tpu.wait_dma2 semaphore(%run_scoped3A_90 : memref<!tpu.dma_semaphore, #tpu.memory_space<semaphore_mem>>) src(%dma_wait3A_113 : memref<128x128xf32, #tpu.memory_space<vmem>>) dst(%dma_wait3A_109 : memref<128x128xf32, #tpu.memory_space<vmem_shared>>)
      tpu.yield
    }) : () -> ()
    %add3A_18 = arith.constant 256 : i32
    %add3A_19 = arith.addi %mul3A_12, %add3A_18 : i32
    %run_scoped3A_20 = arith.constant 0 : i32
    "tpu.region"() ({
      %run_scoped3A_90 = tpu.sem_alloc : memref<!tpu.dma_semaphore, #tpu.memory_space<semaphore_mem>>
      %dma_start3A_91 = arith.constant 0 : i32
      %dma_start3A_92 = arith.constant 0 : i32
      %dma_start3A_93 = tpu.memref_slice %arg8[%run_scoped3A_20, %dma_start3A_91, %dma_start3A_92] : memref<2x128x128xf32, #tpu.memory_space<vmem>> -> memref<1x128x128xf32, #tpu.memory_space<vmem>>
      %dma_start3A_94 = tpu.memref_squeeze %dma_start3A_93 : memref<1x128x128xf32, #tpu.memory_space<vmem>> -> memref<128x128xf32, #tpu.memory_space<vmem>>
      %dma_start3A_95 = arith.constant 0 : i32
      %dma_start3A_96 = tpu.memref_slice %arg9[%add3A_19, %dma_start3A_95] : memref<10016x128xf32, #tpu.memory_space<vmem_shared>> -> memref<128x128xf32, #tpu.memory_space<vmem_shared>>
      %dma_start3A_97 = arith.constant 0 : i32
      %dma_start3A_98 = tpu.memref_slice %arg9[%add3A_19, %dma_start3A_97] : memref<10016x128xf32, #tpu.memory_space<vmem_shared>> -> memref<128x128xf32, #tpu.memory_space<vmem_shared>>
      %dma_start3A_99 = arith.constant 0 : i32
      %dma_start3A_100 = arith.constant 0 : i32
      %dma_start3A_101 = tpu.memref_slice %arg8[%run_scoped3A_20, %dma_start3A_99, %dma_start3A_100] : memref<2x128x128xf32, #tpu.memory_space<vmem>> -> memref<1x128x128xf32, #tpu.memory_space<vmem>>
      %dma_start3A_102 = tpu.memref_squeeze %dma_start3A_101 : memref<1x128x128xf32, #tpu.memory_space<vmem>> -> memref<128x128xf32, #tpu.memory_space<vmem>>
      tpu.enqueue_dma source(%dma_start3A_102 : memref<128x128xf32, #tpu.memory_space<vmem>>) target(%dma_start3A_98 : memref<128x128xf32, #tpu.memory_space<vmem_shared>>) target_semaphore(%run_scoped3A_90 : memref<!tpu.dma_semaphore, #tpu.memory_space<semaphore_mem>>)
      %dma_wait3A = arith.constant 0 : i32
      %dma_wait3A_103 = arith.constant 0 : i32
      %dma_wait3A_104 = tpu.memref_slice %arg8[%run_scoped3A_20, %dma_wait3A, %dma_wait3A_103] : memref<2x128x128xf32, #tpu.memory_space<vmem>> -> memref<1x128x128xf32, #tpu.memory_space<vmem>>
      %dma_wait3A_105 = tpu.memref_squeeze %dma_wait3A_104 : memref<1x128x128xf32, #tpu.memory_space<vmem>> -> memref<128x128xf32, #tpu.memory_space<vmem>>
      %dma_wait3A_106 = arith.constant 0 : i32
      %dma_wait3A_107 = tpu.memref_slice %arg9[%add3A_19, %dma_wait3A_106] : memref<10016x128xf32, #tpu.memory_space<vmem_shared>> -> memref<128x128xf32, #tpu.memory_space<vmem_shared>>
      %dma_wait3A_108 = arith.constant 0 : i32
      %dma_wait3A_109 = tpu.memref_slice %arg9[%add3A_19, %dma_wait3A_108] : memref<10016x128xf32, #tpu.memory_space<vmem_shared>> -> memref<128x128xf32, #tpu.memory_space<vmem_shared>>
      %dma_wait3A_110 = arith.constant 0 : i32
      %dma_wait3A_111 = arith.constant 0 : i32
      %dma_wait3A_112 = tpu.memref_slice %arg8[%run_scoped3A_20, %dma_wait3A_110, %dma_wait3A_111] : memref<2x128x128xf32, #tpu.memory_space<vmem>> -> memref<1x128x128xf32, #tpu.memory_space<vmem>>
      %dma_wait3A_113 = tpu.memref_squeeze %dma_wait3A_112 : memref<1x128x128xf32, #tpu.memory_space<vmem>> -> memref<128x128xf32, #tpu.memory_space<vmem>>
      tpu.wait_dma2 semaphore(%run_scoped3A_90 : memref<!tpu.dma_semaphore, #tpu.memory_space<semaphore_mem>>) src(%dma_wait3A_113 : memref<128x128xf32, #tpu.memory_space<vmem>>) dst(%dma_wait3A_109 : memref<128x128xf32, #tpu.memory_space<vmem_shared>>)
      tpu.yield
    }) : () -> ()
    %add3A_21 = arith.constant 384 : i32
    %add3A_22 = arith.addi %mul3A_12, %add3A_21 : i32
    %run_scoped3A_23 = arith.constant 0 : i32
    "tpu.region"() ({
      %run_scoped3A_90 = tpu.sem_alloc : memref<!tpu.dma_semaphore, #tpu.memory_space<semaphore_mem>>
      %dma_start3A_91 = arith.constant 0 : i32
      %dma_start3A_92 = arith.constant 0 : i32
      %dma_start3A_93 = tpu.memref_slice %arg8[%run_scoped3A_23, %dma_start3A_91, %dma_start3A_92] : memref<2x128x128xf32, #tpu.memory_space<vmem>> -> memref<1x128x128xf32, #tpu.memory_space<vmem>>
      %dma_start3A_94 = tpu.memref_squeeze %dma_start3A_93 : memref<1x128x128xf32, #tpu.memory_space<vmem>> -> memref<128x128xf32, #tpu.memory_space<vmem>>
      %dma_start3A_95 = arith.constant 0 : i32
      %dma_start3A_96 = tpu.memref_slice %arg9[%add3A_22, %dma_start3A_95] : memref<10016x128xf32, #tpu.memory_space<vmem_shared>> -> memref<128x128xf32, #tpu.memory_space<vmem_shared>>
      %dma_start3A_97 = arith.constant 0 : i32
      %dma_start3A_98 = tpu.memref_slice %arg9[%add3A_22, %dma_start3A_97] : memref<10016x128xf32, #tpu.memory_space<vmem_shared>> -> memref<128x128xf32, #tpu.memory_space<vmem_shared>>
      %dma_start3A_99 = arith.constant 0 : i32
      %dma_start3A_100 = arith.constant 0 : i32
      %dma_start3A_101 = tpu.memref_slice %arg8[%run_scoped3A_23, %dma_start3A_99, %dma_start3A_100] : memref<2x128x128xf32, #tpu.memory_space<vmem>> -> memref<1x128x128xf32, #tpu.memory_space<vmem>>
      %dma_start3A_102 = tpu.memref_squeeze %dma_start3A_101 : memref<1x128x128xf32, #tpu.memory_space<vmem>> -> memref<128x128xf32, #tpu.memory_space<vmem>>
      tpu.enqueue_dma source(%dma_start3A_102 : memref<128x128xf32, #tpu.memory_space<vmem>>) target(%dma_start3A_98 : memref<128x128xf32, #tpu.memory_space<vmem_shared>>) target_semaphore(%run_scoped3A_90 : memref<!tpu.dma_semaphore, #tpu.memory_space<semaphore_mem>>)
      %dma_wait3A = arith.constant 0 : i32
      %dma_wait3A_103 = arith.constant 0 : i32
      %dma_wait3A_104 = tpu.memref_slice %arg8[%run_scoped3A_23, %dma_wait3A, %dma_wait3A_103] : memref<2x128x128xf32, #tpu.memory_space<vmem>> -> memref<1x128x128xf32, #tpu.memory_space<vmem>>
      %dma_wait3A_105 = tpu.memref_squeeze %dma_wait3A_104 : memref<1x128x128xf32, #tpu.memory_space<vmem>> -> memref<128x128xf32, #tpu.memory_space<vmem>>
      %dma_wait3A_106 = arith.constant 0 : i32
      %dma_wait3A_107 = tpu.memref_slice %arg9[%add3A_22, %dma_wait3A_106] : memref<10016x128xf32, #tpu.memory_space<vmem_shared>> -> memref<128x128xf32, #tpu.memory_space<vmem_shared>>
      %dma_wait3A_108 = arith.constant 0 : i32
      %dma_wait3A_109 = tpu.memref_slice %arg9[%add3A_22, %dma_wait3A_108] : memref<10016x128xf32, #tpu.memory_space<vmem_shared>> -> memref<128x128xf32, #tpu.memory_space<vmem_shared>>
      %dma_wait3A_110 = arith.constant 0 : i32
      %dma_wait3A_111 = arith.constant 0 : i32
      %dma_wait3A_112 = tpu.memref_slice %arg8[%run_scoped3A_23, %dma_wait3A_110, %dma_wait3A_111] : memref<2x128x128xf32, #tpu.memory_space<vmem>> -> memref<1x128x128xf32, #tpu.memory_space<vmem>>
      %dma_wait3A_113 = tpu.memref_squeeze %dma_wait3A_112 : memref<1x128x128xf32, #tpu.memory_space<vmem>> -> memref<128x128xf32, #tpu.memory_space<vmem>>
      tpu.wait_dma2 semaphore(%run_scoped3A_90 : memref<!tpu.dma_semaphore, #tpu.memory_space<semaphore_mem>>) src(%dma_wait3A_113 : memref<128x128xf32, #tpu.memory_space<vmem>>) dst(%dma_wait3A_109 : memref<128x128xf32, #tpu.memory_space<vmem_shared>>)
      tpu.yield
    }) : () -> ()
    %lt3A = arith.constant 15 : i32
    %lt3A_24 = arith.cmpi slt, %arg1, %lt3A : i32
    %convert_element_type3A = arith.extui %lt3A_24 : i1 to i32
    %cond3A = arith.constant 0 : i32
    %cond3A_25 = arith.constant 0 : i32
    %cond3A_26 = arith.cmpi ne, %convert_element_type3A, %cond3A_25 : i32
    scf.if %cond3A_26 {
      %add3A_90 = arith.constant 512 : i32
      %add3A_91 = arith.addi %mul3A_12, %add3A_90 : i32
      "tpu.region"() ({
        %run_scoped3A_92 = tpu.sem_alloc : memref<!tpu.dma_semaphore, #tpu.memory_space<semaphore_mem>>
        %dma_start3A_93 = arith.constant 0 : i32
        %dma_start3A_94 = arith.constant 0 : i32
        %dma_start3A_95 = tpu.memref_slice %arg8[%cond3A, %dma_start3A_93, %dma_start3A_94] : memref<2x128x128xf32, #tpu.memory_space<vmem>> -> memref<1x128x128xf32, #tpu.memory_space<vmem>>
        %dma_start3A_96 = tpu.memref_squeeze %dma_start3A_95 : memref<1x128x128xf32, #tpu.memory_space<vmem>> -> memref<128x128xf32, #tpu.memory_space<vmem>>
        %dma_start3A_97 = arith.constant 0 : i32
        %dma_start3A_98 = arith.constant 0 : i32
        %dma_start3A_99 = tpu.memref_slice %dma_start3A_96[%dma_start3A_97, %dma_start3A_98] : memref<128x128xf32, #tpu.memory_space<vmem>> -> memref<112x128xf32, #tpu.memory_space<vmem>>
        %dma_start3A_100 = arith.constant 0 : i32
        %dma_start3A_101 = tpu.memref_slice %arg9[%add3A_91, %dma_start3A_100] : memref<10016x128xf32, #tpu.memory_space<vmem_shared>> -> memref<112x128xf32, #tpu.memory_space<vmem_shared>>
        %dma_start3A_102 = arith.constant 0 : i32
        %dma_start3A_103 = tpu.memref_slice %arg9[%add3A_91, %dma_start3A_102] : memref<10016x128xf32, #tpu.memory_space<vmem_shared>> -> memref<112x128xf32, #tpu.memory_space<vmem_shared>>
        %dma_start3A_104 = arith.constant 0 : i32
        %dma_start3A_105 = arith.constant 0 : i32
        %dma_start3A_106 = tpu.memref_slice %arg8[%cond3A, %dma_start3A_104, %dma_start3A_105] : memref<2x128x128xf32, #tpu.memory_space<vmem>> -> memref<1x128x128xf32, #tpu.memory_space<vmem>>
        %dma_start3A_107 = tpu.memref_squeeze %dma_start3A_106 : memref<1x128x128xf32, #tpu.memory_space<vmem>> -> memref<128x128xf32, #tpu.memory_space<vmem>>
        %dma_start3A_108 = arith.constant 0 : i32
        %dma_start3A_109 = arith.constant 0 : i32
        %dma_start3A_110 = tpu.memref_slice %dma_start3A_107[%dma_start3A_108, %dma_start3A_109] : memref<128x128xf32, #tpu.memory_space<vmem>> -> memref<112x128xf32, #tpu.memory_space<vmem>>
        tpu.enqueue_dma source(%dma_start3A_110 : memref<112x128xf32, #tpu.memory_space<vmem>>) target(%dma_start3A_103 : memref<112x128xf32, #tpu.memory_space<vmem_shared>>) target_semaphore(%run_scoped3A_92 : memref<!tpu.dma_semaphore, #tpu.memory_space<semaphore_mem>>)
        %dma_wait3A = arith.constant 0 : i32
        %dma_wait3A_111 = arith.constant 0 : i32
        %dma_wait3A_112 = tpu.memref_slice %arg8[%cond3A, %dma_wait3A, %dma_wait3A_111] : memref<2x128x128xf32, #tpu.memory_space<vmem>> -> memref<1x128x128xf32, #tpu.memory_space<vmem>>
        %dma_wait3A_113 = tpu.memref_squeeze %dma_wait3A_112 : memref<1x128x128xf32, #tpu.memory_space<vmem>> -> memref<128x128xf32, #tpu.memory_space<vmem>>
        %dma_wait3A_114 = arith.constant 0 : i32
        %dma_wait3A_115 = arith.constant 0 : i32
        %dma_wait3A_116 = tpu.memref_slice %dma_wait3A_113[%dma_wait3A_114, %dma_wait3A_115] : memref<128x128xf32, #tpu.memory_space<vmem>> -> memref<112x128xf32, #tpu.memory_space<vmem>>
        %dma_wait3A_117 = arith.constant 0 : i32
        %dma_wait3A_118 = tpu.memref_slice %arg9[%add3A_91, %dma_wait3A_117] : memref<10016x128xf32, #tpu.memory_space<vmem_shared>> -> memref<112x128xf32, #tpu.memory_space<vmem_shared>>
        %dma_wait3A_119 = arith.constant 0 : i32
        %dma_wait3A_120 = tpu.memref_slice %arg9[%add3A_91, %dma_wait3A_119] : memref<10016x128xf32, #tpu.memory_space<vmem_shared>> -> memref<112x128xf32, #tpu.memory_space<vmem_shared>>
        %dma_wait3A_121 = arith.constant 0 : i32
        %dma_wait3A_122 = arith.constant 0 : i32
        %dma_wait3A_123 = tpu.memref_slice %arg8[%cond3A, %dma_wait3A_121, %dma_wait3A_122] : memref<2x128x128xf32, #tpu.memory_space<vmem>> -> memref<1x128x128xf32, #tpu.memory_space<vmem>>
        %dma_wait3A_124 = tpu.memref_squeeze %dma_wait3A_123 : memref<1x128x128xf32, #tpu.memory_space<vmem>> -> memref<128x128xf32, #tpu.memory_space<vmem>>
        %dma_wait3A_125 = arith.constant 0 : i32
        %dma_wait3A_126 = arith.constant 0 : i32
        %dma_wait3A_127 = tpu.memref_slice %dma_wait3A_124[%dma_wait3A_125, %dma_wait3A_126] : memref<128x128xf32, #tpu.memory_space<vmem>> -> memref<112x128xf32, #tpu.memory_space<vmem>>
        tpu.wait_dma2 semaphore(%run_scoped3A_92 : memref<!tpu.dma_semaphore, #tpu.memory_space<semaphore_mem>>) src(%dma_wait3A_127 : memref<112x128xf32, #tpu.memory_space<vmem>>) dst(%dma_wait3A_120 : memref<112x128xf32, #tpu.memory_space<vmem_shared>>)
        tpu.yield
      }) : () -> ()
    } else {
    }
    %eq3A = arith.constant 15 : i32
    %eq3A_27 = arith.cmpi eq, %arg1, %eq3A : i32
    %convert_element_type3A_28 = arith.extui %eq3A_27 : i1 to i32
    %cond3A_29 = arith.constant 0 : i32
    %cond3A_30 = arith.constant 0 : i32
    %cond3A_31 = arith.cmpi ne, %convert_element_type3A_28, %cond3A_30 : i32
    scf.if %cond3A_31 {
      %add3A_90 = arith.constant 512 : i32
      %add3A_91 = arith.addi %mul3A_12, %add3A_90 : i32
      "tpu.region"() ({
        %run_scoped3A_92 = tpu.sem_alloc : memref<!tpu.dma_semaphore, #tpu.memory_space<semaphore_mem>>
        %dma_start3A_93 = arith.constant 0 : i32
        %dma_start3A_94 = arith.constant 0 : i32
        %dma_start3A_95 = tpu.memref_slice %arg8[%cond3A_29, %dma_start3A_93, %dma_start3A_94] : memref<2x128x128xf32, #tpu.memory_space<vmem>> -> memref<1x128x128xf32, #tpu.memory_space<vmem>>
        %dma_start3A_96 = tpu.memref_squeeze %dma_start3A_95 : memref<1x128x128xf32, #tpu.memory_space<vmem>> -> memref<128x128xf32, #tpu.memory_space<vmem>>
        %dma_start3A_97 = arith.constant 0 : i32
        %dma_start3A_98 = tpu.memref_slice %arg9[%add3A_91, %dma_start3A_97] : memref<10016x128xf32, #tpu.memory_space<vmem_shared>> -> memref<128x128xf32, #tpu.memory_space<vmem_shared>>
        %dma_start3A_99 = arith.constant 0 : i32
        %dma_start3A_100 = tpu.memref_slice %arg9[%add3A_91, %dma_start3A_99] : memref<10016x128xf32, #tpu.memory_space<vmem_shared>> -> memref<128x128xf32, #tpu.memory_space<vmem_shared>>
        %dma_start3A_101 = arith.constant 0 : i32
        %dma_start3A_102 = arith.constant 0 : i32
        %dma_start3A_103 = tpu.memref_slice %arg8[%cond3A_29, %dma_start3A_101, %dma_start3A_102] : memref<2x128x128xf32, #tpu.memory_space<vmem>> -> memref<1x128x128xf32, #tpu.memory_space<vmem>>
        %dma_start3A_104 = tpu.memref_squeeze %dma_start3A_103 : memref<1x128x128xf32, #tpu.memory_space<vmem>> -> memref<128x128xf32, #tpu.memory_space<vmem>>
        tpu.enqueue_dma source(%dma_start3A_104 : memref<128x128xf32, #tpu.memory_space<vmem>>) target(%dma_start3A_100 : memref<128x128xf32, #tpu.memory_space<vmem_shared>>) target_semaphore(%run_scoped3A_92 : memref<!tpu.dma_semaphore, #tpu.memory_space<semaphore_mem>>)
        %dma_wait3A = arith.constant 0 : i32
        %dma_wait3A_105 = arith.constant 0 : i32
        %dma_wait3A_106 = tpu.memref_slice %arg8[%cond3A_29, %dma_wait3A, %dma_wait3A_105] : memref<2x128x128xf32, #tpu.memory_space<vmem>> -> memref<1x128x128xf32, #tpu.memory_space<vmem>>
        %dma_wait3A_107 = tpu.memref_squeeze %dma_wait3A_106 : memref<1x128x128xf32, #tpu.memory_space<vmem>> -> memref<128x128xf32, #tpu.memory_space<vmem>>
        %dma_wait3A_108 = arith.constant 0 : i32
        %dma_wait3A_109 = tpu.memref_slice %arg9[%add3A_91, %dma_wait3A_108] : memref<10016x128xf32, #tpu.memory_space<vmem_shared>> -> memref<128x128xf32, #tpu.memory_space<vmem_shared>>
        %dma_wait3A_110 = arith.constant 0 : i32
        %dma_wait3A_111 = tpu.memref_slice %arg9[%add3A_91, %dma_wait3A_110] : memref<10016x128xf32, #tpu.memory_space<vmem_shared>> -> memref<128x128xf32, #tpu.memory_space<vmem_shared>>
        %dma_wait3A_112 = arith.constant 0 : i32
        %dma_wait3A_113 = arith.constant 0 : i32
        %dma_wait3A_114 = tpu.memref_slice %arg8[%cond3A_29, %dma_wait3A_112, %dma_wait3A_113] : memref<2x128x128xf32, #tpu.memory_space<vmem>> -> memref<1x128x128xf32, #tpu.memory_space<vmem>>
        %dma_wait3A_115 = tpu.memref_squeeze %dma_wait3A_114 : memref<1x128x128xf32, #tpu.memory_space<vmem>> -> memref<128x128xf32, #tpu.memory_space<vmem>>
        tpu.wait_dma2 semaphore(%run_scoped3A_92 : memref<!tpu.dma_semaphore, #tpu.memory_space<semaphore_mem>>) src(%dma_wait3A_115 : memref<128x128xf32, #tpu.memory_space<vmem>>) dst(%dma_wait3A_111 : memref<128x128xf32, #tpu.memory_space<vmem_shared>>)
        tpu.yield
      }) : () -> ()
    } else {
    }
    %barrier3A = arith.constant 0 : index
    tpu.barrier barrier_id(%barrier3A)
    %add3A_32 = arith.constant 0 : i32
    %add3A_33 = arith.addi %mul3A_2, %add3A_32 : i32
    "tpu.region"() ({
      %run_scoped3A_90 = tpu.sem_alloc : memref<!tpu.dma_semaphore, #tpu.memory_space<semaphore_mem>>
      %dma_start3A_91 = arith.constant 0 : i32
      %dma_start3A_92 = tpu.memref_slice %arg3[%add3A_33, %dma_start3A_91] : memref<2560x128xi32, #tpu.memory_space<hbm>> -> memref<40x128xi32, #tpu.memory_space<hbm>>
      %dma_start3A_93 = arith.constant 0 : i32
      %dma_start3A_94 = tpu.memref_slice %arg3[%add3A_33, %dma_start3A_93] : memref<2560x128xi32, #tpu.memory_space<hbm>> -> memref<40x128xi32, #tpu.memory_space<hbm>>
      tpu.enqueue_dma source(%dma_start3A_94 : memref<40x128xi32, #tpu.memory_space<hbm>>) target(%arg6 : memref<40x128xi32, #tpu.memory_space<vmem>>) target_semaphore(%run_scoped3A_90 : memref<!tpu.dma_semaphore, #tpu.memory_space<semaphore_mem>>)
      %dma_wait3A = arith.constant 0 : i32
      %dma_wait3A_95 = tpu.memref_slice %arg3[%add3A_33, %dma_wait3A] : memref<2560x128xi32, #tpu.memory_space<hbm>> -> memref<40x128xi32, #tpu.memory_space<hbm>>
      %dma_wait3A_96 = arith.constant 0 : i32
      %dma_wait3A_97 = tpu.memref_slice %arg3[%add3A_33, %dma_wait3A_96] : memref<2560x128xi32, #tpu.memory_space<hbm>> -> memref<40x128xi32, #tpu.memory_space<hbm>>
      tpu.wait_dma2 semaphore(%run_scoped3A_90 : memref<!tpu.dma_semaphore, #tpu.memory_space<semaphore_mem>>) src(%dma_wait3A_97 : memref<40x128xi32, #tpu.memory_space<hbm>>) dst(%arg6 : memref<40x128xi32, #tpu.memory_space<vmem>>)
      tpu.yield
    }) : () -> ()
    %add3A_34 = arith.constant 0 : i32
    %add3A_35 = arith.addi %mul3A_2, %add3A_34 : i32
    "tpu.region"() ({
      %run_scoped3A_90 = tpu.sem_alloc : memref<!tpu.dma_semaphore, #tpu.memory_space<semaphore_mem>>
      %dma_start3A_91 = arith.constant 0 : i32
      %dma_start3A_92 = tpu.memref_slice %arg4[%add3A_35, %dma_start3A_91] : memref<2560x128xi32, #tpu.memory_space<hbm>> -> memref<40x128xi32, #tpu.memory_space<hbm>>
      %dma_start3A_93 = arith.constant 0 : i32
      %dma_start3A_94 = tpu.memref_slice %arg4[%add3A_35, %dma_start3A_93] : memref<2560x128xi32, #tpu.memory_space<hbm>> -> memref<40x128xi32, #tpu.memory_space<hbm>>
      tpu.enqueue_dma source(%dma_start3A_94 : memref<40x128xi32, #tpu.memory_space<hbm>>) target(%arg7 : memref<40x128xi32, #tpu.memory_space<vmem>>) target_semaphore(%run_scoped3A_90 : memref<!tpu.dma_semaphore, #tpu.memory_space<semaphore_mem>>)
      %dma_wait3A = arith.constant 0 : i32
      %dma_wait3A_95 = tpu.memref_slice %arg4[%add3A_35, %dma_wait3A] : memref<2560x128xi32, #tpu.memory_space<hbm>> -> memref<40x128xi32, #tpu.memory_space<hbm>>
      %dma_wait3A_96 = arith.constant 0 : i32
      %dma_wait3A_97 = tpu.memref_slice %arg4[%add3A_35, %dma_wait3A_96] : memref<2560x128xi32, #tpu.memory_space<hbm>> -> memref<40x128xi32, #tpu.memory_space<hbm>>
      tpu.wait_dma2 semaphore(%run_scoped3A_90 : memref<!tpu.dma_semaphore, #tpu.memory_space<semaphore_mem>>) src(%dma_wait3A_97 : memref<40x128xi32, #tpu.memory_space<hbm>>) dst(%arg7 : memref<40x128xi32, #tpu.memory_space<vmem>>)
      tpu.yield
    }) : () -> ()
    %dma_start3A = arith.constant 0 : i32
    %dma_start3A_36 = arith.constant 0 : i32
    %dma_start3A_37 = arith.constant 0 : i32
    %dma_start3A_38 = arith.constant 0 : i32
    %dma_start3A_39 = tpu.memref_slice %arg8[%dma_start3A_36, %dma_start3A_37, %dma_start3A_38] : memref<2x128x128xf32, #tpu.memory_space<vmem>> -> memref<1x128x128xf32, #tpu.memory_space<vmem>>
    %dma_start3A_40 = tpu.memref_squeeze %dma_start3A_39 : memref<1x128x128xf32, #tpu.memory_space<vmem>> -> memref<128x128xf32, #tpu.memory_space<vmem>>
    %dma_start3A_41 = arith.constant 0 : i32
    %dma_start3A_42 = tpu.memref_slice %arg6[%dma_start3A, %dma_start3A_41] : memref<40x128xi32, #tpu.memory_space<vmem>> -> memref<1x128xi32, #tpu.memory_space<vmem>>
    %dma_start3A_43 = tpu.memref_squeeze %dma_start3A_42 : memref<1x128xi32, #tpu.memory_space<vmem>> -> memref<128xi32, #tpu.memory_space<vmem>>
    %dma_start3A_44 = arith.constant 0 : i32
    %dma_start3A_45 = arith.constant 0 : i32
    %dma_start3A_46 = tpu.memref_slice %arg2[%dma_start3A_44, %dma_start3A_45] : memref<10000x128xf32, #tpu.memory_space<hbm>> -> memref<10000x128xf32, #tpu.memory_space<hbm>>
    tpu.enqueue_indirect_dma source(%dma_start3A_46 : memref<10000x128xf32, #tpu.memory_space<hbm>>) target(%dma_start3A_40 : memref<128x128xf32, #tpu.memory_space<vmem>>) offsets(%dma_start3A_43 : memref<128xi32, #tpu.memory_space<vmem>>) semaphore(%arg10 : memref<!tpu.dma_semaphore, #tpu.memory_space<semaphore_mem>>)
    %scan3A_47 = arith.constant 0 : i32
    %scan3A_48 = arith.constant 0 : i32
    %scan3A_49 = arith.constant 40 : i32
    %scan3A_50 = arith.addi %scan3A_48, %scan3A_49 : i32
    %scan3A_51 = arith.constant 1 : i32
    %scan3A_52 = scf.for %scan3A_90 = %scan3A_48 to %scan3A_50 step %scan3A_51 iter_args(%scan3A_91 = %scan3A_47) -> (i32)  : i32 {
      %rem3A = arith.constant 2 : i32
      %rem3A_92 = arith.remsi %scan3A_90, %rem3A : i32
      %dma_wait3A = arith.constant 0 : i32
      %dma_wait3A_93 = arith.constant 0 : i32
      %dma_wait3A_94 = tpu.memref_slice %arg8[%rem3A_92, %dma_wait3A, %dma_wait3A_93] : memref<2x128x128xf32, #tpu.memory_space<vmem>> -> memref<1x128x128xf32, #tpu.memory_space<vmem>>
      %dma_wait3A_95 = tpu.memref_squeeze %dma_wait3A_94 : memref<1x128x128xf32, #tpu.memory_space<vmem>> -> memref<128x128xf32, #tpu.memory_space<vmem>>
      %dma_wait3A_96 = arith.constant 0 : i32
      %dma_wait3A_97 = tpu.memref_slice %arg6[%scan3A_90, %dma_wait3A_96] : memref<40x128xi32, #tpu.memory_space<vmem>> -> memref<1x128xi32, #tpu.memory_space<vmem>>
      %dma_wait3A_98 = tpu.memref_squeeze %dma_wait3A_97 : memref<1x128xi32, #tpu.memory_space<vmem>> -> memref<128xi32, #tpu.memory_space<vmem>>
      %dma_wait3A_99 = arith.constant 0 : i32
      %dma_wait3A_100 = arith.constant 0 : i32
      %dma_wait3A_101 = tpu.memref_slice %arg2[%dma_wait3A_99, %dma_wait3A_100] : memref<10000x128xf32, #tpu.memory_space<hbm>> -> memref<10000x128xf32, #tpu.memory_space<hbm>>
      tpu.wait_indirect_dma semaphore(%arg10 : memref<!tpu.dma_semaphore, #tpu.memory_space<semaphore_mem>>) src(%dma_wait3A_101 : memref<10000x128xf32, #tpu.memory_space<hbm>>) dst(%dma_wait3A_95 : memref<128x128xf32, #tpu.memory_space<vmem>>)
      %add3A_102 = arith.constant 1 : i32
      %add3A_103 = arith.addi %scan3A_90, %add3A_102 : i32
      %lt3A_104 = arith.constant 40 : i32
      %lt3A_105 = arith.cmpi slt, %add3A_103, %lt3A_104 : i32
      %convert_element_type3A_106 = arith.extui %lt3A_105 : i1 to i32
      %cond3A_107 = arith.constant 0 : i32
      %cond3A_108 = arith.cmpi ne, %convert_element_type3A_106, %cond3A_107 : i32
      scf.if %cond3A_108 {
        %add3A_110 = arith.constant 1 : i32
        %add3A_111 = arith.addi %scan3A_90, %add3A_110 : i32
        %sub3A = arith.constant 1 : i32
        %sub3A_112 = arith.subi %sub3A, %rem3A_92 : i32
        %dma_start3A_113 = arith.constant 0 : i32
        %dma_start3A_114 = arith.constant 0 : i32
        %dma_start3A_115 = tpu.memref_slice %arg8[%sub3A_112, %dma_start3A_113, %dma_start3A_114] : memref<2x128x128xf32, #tpu.memory_space<vmem>> -> memref<1x128x128xf32, #tpu.memory_space<vmem>>
        %dma_start3A_116 = tpu.memref_squeeze %dma_start3A_115 : memref<1x128x128xf32, #tpu.memory_space<vmem>> -> memref<128x128xf32, #tpu.memory_space<vmem>>
        %dma_start3A_117 = arith.constant 0 : i32
        %dma_start3A_118 = tpu.memref_slice %arg6[%add3A_111, %dma_start3A_117] : memref<40x128xi32, #tpu.memory_space<vmem>> -> memref<1x128xi32, #tpu.memory_space<vmem>>
        %dma_start3A_119 = tpu.memref_squeeze %dma_start3A_118 : memref<1x128xi32, #tpu.memory_space<vmem>> -> memref<128xi32, #tpu.memory_space<vmem>>
        %dma_start3A_120 = arith.constant 0 : i32
        %dma_start3A_121 = arith.constant 0 : i32
        %dma_start3A_122 = tpu.memref_slice %arg2[%dma_start3A_120, %dma_start3A_121] : memref<10000x128xf32, #tpu.memory_space<hbm>> -> memref<10000x128xf32, #tpu.memory_space<hbm>>
        tpu.enqueue_indirect_dma source(%dma_start3A_122 : memref<10000x128xf32, #tpu.memory_space<hbm>>) target(%dma_start3A_116 : memref<128x128xf32, #tpu.memory_space<vmem>>) offsets(%dma_start3A_119 : memref<128xi32, #tpu.memory_space<vmem>>) semaphore(%arg10 : memref<!tpu.dma_semaphore, #tpu.memory_space<semaphore_mem>>)
      } else {
      }
      "tpu.region"() ({
        %run_scoped3A_110 = tpu.sem_alloc : memref<!tpu.dma_semaphore, #tpu.memory_space<semaphore_mem>>
        %dma_start3A_111 = arith.constant 0 : i32
        %dma_start3A_112 = arith.constant 0 : i32
        %dma_start3A_113 = tpu.memref_slice %arg8[%rem3A_92, %dma_start3A_111, %dma_start3A_112] : memref<2x128x128xf32, #tpu.memory_space<vmem>> -> memref<1x128x128xf32, #tpu.memory_space<vmem>>
        %dma_start3A_114 = tpu.memref_squeeze %dma_start3A_113 : memref<1x128x128xf32, #tpu.memory_space<vmem>> -> memref<128x128xf32, #tpu.memory_space<vmem>>
        %dma_start3A_115 = arith.constant 0 : i32
        %dma_start3A_116 = tpu.memref_slice %arg7[%scan3A_90, %dma_start3A_115] : memref<40x128xi32, #tpu.memory_space<vmem>> -> memref<1x128xi32, #tpu.memory_space<vmem>>
        %dma_start3A_117 = tpu.memref_squeeze %dma_start3A_116 : memref<1x128xi32, #tpu.memory_space<vmem>> -> memref<128xi32, #tpu.memory_space<vmem>>
        %dma_start3A_118 = arith.constant 0 : i32
        %dma_start3A_119 = arith.constant 0 : i32
        %dma_start3A_120 = tpu.memref_slice %arg9[%dma_start3A_118, %dma_start3A_119] : memref<10016x128xf32, #tpu.memory_space<vmem_shared>> -> memref<10016x128xf32, #tpu.memory_space<vmem_shared>>
        tpu.enqueue_indirect_dma source(%dma_start3A_114 : memref<128x128xf32, #tpu.memory_space<vmem>>) target(%dma_start3A_120 : memref<10016x128xf32, #tpu.memory_space<vmem_shared>>) offsets(%dma_start3A_117 : memref<128xi32, #tpu.memory_space<vmem>>) semaphore(%run_scoped3A_110 : memref<!tpu.dma_semaphore, #tpu.memory_space<semaphore_mem>>) {add = true}
        %dma_wait3A_121 = arith.constant 0 : i32
        %dma_wait3A_122 = arith.constant 0 : i32
        %dma_wait3A_123 = tpu.memref_slice %arg8[%rem3A_92, %dma_wait3A_121, %dma_wait3A_122] : memref<2x128x128xf32, #tpu.memory_space<vmem>> -> memref<1x128x128xf32, #tpu.memory_space<vmem>>
        %dma_wait3A_124 = tpu.memref_squeeze %dma_wait3A_123 : memref<1x128x128xf32, #tpu.memory_space<vmem>> -> memref<128x128xf32, #tpu.memory_space<vmem>>
        %dma_wait3A_125 = arith.constant 0 : i32
        %dma_wait3A_126 = tpu.memref_slice %arg7[%scan3A_90, %dma_wait3A_125] : memref<40x128xi32, #tpu.memory_space<vmem>> -> memref<1x128xi32, #tpu.memory_space<vmem>>
        %dma_wait3A_127 = tpu.memref_squeeze %dma_wait3A_126 : memref<1x128xi32, #tpu.memory_space<vmem>> -> memref<128xi32, #tpu.memory_space<vmem>>
        %dma_wait3A_128 = arith.constant 0 : i32
        %dma_wait3A_129 = arith.constant 0 : i32
        %dma_wait3A_130 = tpu.memref_slice %arg9[%dma_wait3A_128, %dma_wait3A_129] : memref<10016x128xf32, #tpu.memory_space<vmem_shared>> -> memref<10016x128xf32, #tpu.memory_space<vmem_shared>>
        tpu.wait_indirect_dma semaphore(%run_scoped3A_110 : memref<!tpu.dma_semaphore, #tpu.memory_space<semaphore_mem>>) src(%dma_wait3A_124 : memref<128x128xf32, #tpu.memory_space<vmem>>) dst(%dma_wait3A_130 : memref<10016x128xf32, #tpu.memory_space<vmem_shared>>)
        tpu.yield
      }) : () -> ()
      %scan3A_109 = arith.constant 0 : i32
      scf.yield %scan3A_109 : i32
    }
    %scan3A_53 = arith.constant 40 : i32
    %add3A_54 = arith.constant 40 : i32
    %add3A_55 = arith.addi %mul3A_2, %add3A_54 : i32
    "tpu.region"() ({
      %run_scoped3A_90 = tpu.sem_alloc : memref<!tpu.dma_semaphore, #tpu.memory_space<semaphore_mem>>
      %dma_start3A_91 = arith.constant 0 : i32
      %dma_start3A_92 = tpu.memref_slice %arg3[%add3A_55, %dma_start3A_91] : memref<2560x128xi32, #tpu.memory_space<hbm>> -> memref<40x128xi32, #tpu.memory_space<hbm>>
      %dma_start3A_93 = arith.constant 0 : i32
      %dma_start3A_94 = tpu.memref_slice %arg3[%add3A_55, %dma_start3A_93] : memref<2560x128xi32, #tpu.memory_space<hbm>> -> memref<40x128xi32, #tpu.memory_space<hbm>>
      tpu.enqueue_dma source(%dma_start3A_94 : memref<40x128xi32, #tpu.memory_space<hbm>>) target(%arg6 : memref<40x128xi32, #tpu.memory_space<vmem>>) target_semaphore(%run_scoped3A_90 : memref<!tpu.dma_semaphore, #tpu.memory_space<semaphore_mem>>)
      %dma_wait3A = arith.constant 0 : i32
      %dma_wait3A_95 = tpu.memref_slice %arg3[%add3A_55, %dma_wait3A] : memref<2560x128xi32, #tpu.memory_space<hbm>> -> memref<40x128xi32, #tpu.memory_space<hbm>>
      %dma_wait3A_96 = arith.constant 0 : i32
      %dma_wait3A_97 = tpu.memref_slice %arg3[%add3A_55, %dma_wait3A_96] : memref<2560x128xi32, #tpu.memory_space<hbm>> -> memref<40x128xi32, #tpu.memory_space<hbm>>
      tpu.wait_dma2 semaphore(%run_scoped3A_90 : memref<!tpu.dma_semaphore, #tpu.memory_space<semaphore_mem>>) src(%dma_wait3A_97 : memref<40x128xi32, #tpu.memory_space<hbm>>) dst(%arg6 : memref<40x128xi32, #tpu.memory_space<vmem>>)
      tpu.yield
    }) : () -> ()
    %add3A_56 = arith.constant 40 : i32
    %add3A_57 = arith.addi %mul3A_2, %add3A_56 : i32
    "tpu.region"() ({
      %run_scoped3A_90 = tpu.sem_alloc : memref<!tpu.dma_semaphore, #tpu.memory_space<semaphore_mem>>
      %dma_start3A_91 = arith.constant 0 : i32
      %dma_start3A_92 = tpu.memref_slice %arg4[%add3A_57, %dma_start3A_91] : memref<2560x128xi32, #tpu.memory_space<hbm>> -> memref<40x128xi32, #tpu.memory_space<hbm>>
      %dma_start3A_93 = arith.constant 0 : i32
      %dma_start3A_94 = tpu.memref_slice %arg4[%add3A_57, %dma_start3A_93] : memref<2560x128xi32, #tpu.memory_space<hbm>> -> memref<40x128xi32, #tpu.memory_space<hbm>>
      tpu.enqueue_dma source(%dma_start3A_94 : memref<40x128xi32, #tpu.memory_space<hbm>>) target(%arg7 : memref<40x128xi32, #tpu.memory_space<vmem>>) target_semaphore(%run_scoped3A_90 : memref<!tpu.dma_semaphore, #tpu.memory_space<semaphore_mem>>)
      %dma_wait3A = arith.constant 0 : i32
      %dma_wait3A_95 = tpu.memref_slice %arg4[%add3A_57, %dma_wait3A] : memref<2560x128xi32, #tpu.memory_space<hbm>> -> memref<40x128xi32, #tpu.memory_space<hbm>>
      %dma_wait3A_96 = arith.constant 0 : i32
      %dma_wait3A_97 = tpu.memref_slice %arg4[%add3A_57, %dma_wait3A_96] : memref<2560x128xi32, #tpu.memory_space<hbm>> -> memref<40x128xi32, #tpu.memory_space<hbm>>
      tpu.wait_dma2 semaphore(%run_scoped3A_90 : memref<!tpu.dma_semaphore, #tpu.memory_space<semaphore_mem>>) src(%dma_wait3A_97 : memref<40x128xi32, #tpu.memory_space<hbm>>) dst(%arg7 : memref<40x128xi32, #tpu.memory_space<vmem>>)
      tpu.yield
    }) : () -> ()
    %dma_start3A_58 = arith.constant 0 : i32
    %dma_start3A_59 = arith.constant 0 : i32
    %dma_start3A_60 = arith.constant 0 : i32
    %dma_start3A_61 = arith.constant 0 : i32
    %dma_start3A_62 = tpu.memref_slice %arg8[%dma_start3A_59, %dma_start3A_60, %dma_start3A_61] : memref<2x128x128xf32, #tpu.memory_space<vmem>> -> memref<1x128x128xf32, #tpu.memory_space<vmem>>
    %dma_start3A_63 = tpu.memref_squeeze %dma_start3A_62 : memref<1x128x128xf32, #tpu.memory_space<vmem>> -> memref<128x128xf32, #tpu.memory_space<vmem>>
    %dma_start3A_64 = arith.constant 0 : i32
    %dma_start3A_65 = tpu.memref_slice %arg6[%dma_start3A_58, %dma_start3A_64] : memref<40x128xi32, #tpu.memory_space<vmem>> -> memref<1x128xi32, #tpu.memory_space<vmem>>
    %dma_start3A_66 = tpu.memref_squeeze %dma_start3A_65 : memref<1x128xi32, #tpu.memory_space<vmem>> -> memref<128xi32, #tpu.memory_space<vmem>>
    %dma_start3A_67 = arith.constant 0 : i32
    %dma_start3A_68 = arith.constant 0 : i32
    %dma_start3A_69 = tpu.memref_slice %arg2[%dma_start3A_67, %dma_start3A_68] : memref<10000x128xf32, #tpu.memory_space<hbm>> -> memref<10000x128xf32, #tpu.memory_space<hbm>>
    tpu.enqueue_indirect_dma source(%dma_start3A_69 : memref<10000x128xf32, #tpu.memory_space<hbm>>) target(%dma_start3A_63 : memref<128x128xf32, #tpu.memory_space<vmem>>) offsets(%dma_start3A_66 : memref<128xi32, #tpu.memory_space<vmem>>) semaphore(%arg10 : memref<!tpu.dma_semaphore, #tpu.memory_space<semaphore_mem>>)
    %scan3A_70 = arith.constant 0 : i32
    %scan3A_71 = arith.constant 0 : i32
    %scan3A_72 = arith.constant 40 : i32
    %scan3A_73 = arith.addi %scan3A_71, %scan3A_72 : i32
    %scan3A_74 = arith.constant 1 : i32
    %scan3A_75 = scf.for %scan3A_90 = %scan3A_71 to %scan3A_73 step %scan3A_74 iter_args(%scan3A_91 = %scan3A_70) -> (i32)  : i32 {
      %rem3A = arith.constant 2 : i32
      %rem3A_92 = arith.remsi %scan3A_90, %rem3A : i32
      %dma_wait3A = arith.constant 0 : i32
      %dma_wait3A_93 = arith.constant 0 : i32
      %dma_wait3A_94 = tpu.memref_slice %arg8[%rem3A_92, %dma_wait3A, %dma_wait3A_93] : memref<2x128x128xf32, #tpu.memory_space<vmem>> -> memref<1x128x128xf32, #tpu.memory_space<vmem>>
      %dma_wait3A_95 = tpu.memref_squeeze %dma_wait3A_94 : memref<1x128x128xf32, #tpu.memory_space<vmem>> -> memref<128x128xf32, #tpu.memory_space<vmem>>
      %dma_wait3A_96 = arith.constant 0 : i32
      %dma_wait3A_97 = tpu.memref_slice %arg6[%scan3A_90, %dma_wait3A_96] : memref<40x128xi32, #tpu.memory_space<vmem>> -> memref<1x128xi32, #tpu.memory_space<vmem>>
      %dma_wait3A_98 = tpu.memref_squeeze %dma_wait3A_97 : memref<1x128xi32, #tpu.memory_space<vmem>> -> memref<128xi32, #tpu.memory_space<vmem>>
      %dma_wait3A_99 = arith.constant 0 : i32
      %dma_wait3A_100 = arith.constant 0 : i32
      %dma_wait3A_101 = tpu.memref_slice %arg2[%dma_wait3A_99, %dma_wait3A_100] : memref<10000x128xf32, #tpu.memory_space<hbm>> -> memref<10000x128xf32, #tpu.memory_space<hbm>>
      tpu.wait_indirect_dma semaphore(%arg10 : memref<!tpu.dma_semaphore, #tpu.memory_space<semaphore_mem>>) src(%dma_wait3A_101 : memref<10000x128xf32, #tpu.memory_space<hbm>>) dst(%dma_wait3A_95 : memref<128x128xf32, #tpu.memory_space<vmem>>)
      %add3A_102 = arith.constant 1 : i32
      %add3A_103 = arith.addi %scan3A_90, %add3A_102 : i32
      %lt3A_104 = arith.constant 40 : i32
      %lt3A_105 = arith.cmpi slt, %add3A_103, %lt3A_104 : i32
      %convert_element_type3A_106 = arith.extui %lt3A_105 : i1 to i32
      %cond3A_107 = arith.constant 0 : i32
      %cond3A_108 = arith.cmpi ne, %convert_element_type3A_106, %cond3A_107 : i32
      scf.if %cond3A_108 {
        %add3A_110 = arith.constant 1 : i32
        %add3A_111 = arith.addi %scan3A_90, %add3A_110 : i32
        %sub3A = arith.constant 1 : i32
        %sub3A_112 = arith.subi %sub3A, %rem3A_92 : i32
        %dma_start3A_113 = arith.constant 0 : i32
        %dma_start3A_114 = arith.constant 0 : i32
        %dma_start3A_115 = tpu.memref_slice %arg8[%sub3A_112, %dma_start3A_113, %dma_start3A_114] : memref<2x128x128xf32, #tpu.memory_space<vmem>> -> memref<1x128x128xf32, #tpu.memory_space<vmem>>
        %dma_start3A_116 = tpu.memref_squeeze %dma_start3A_115 : memref<1x128x128xf32, #tpu.memory_space<vmem>> -> memref<128x128xf32, #tpu.memory_space<vmem>>
        %dma_start3A_117 = arith.constant 0 : i32
        %dma_start3A_118 = tpu.memref_slice %arg6[%add3A_111, %dma_start3A_117] : memref<40x128xi32, #tpu.memory_space<vmem>> -> memref<1x128xi32, #tpu.memory_space<vmem>>
        %dma_start3A_119 = tpu.memref_squeeze %dma_start3A_118 : memref<1x128xi32, #tpu.memory_space<vmem>> -> memref<128xi32, #tpu.memory_space<vmem>>
        %dma_start3A_120 = arith.constant 0 : i32
        %dma_start3A_121 = arith.constant 0 : i32
        %dma_start3A_122 = tpu.memref_slice %arg2[%dma_start3A_120, %dma_start3A_121] : memref<10000x128xf32, #tpu.memory_space<hbm>> -> memref<10000x128xf32, #tpu.memory_space<hbm>>
        tpu.enqueue_indirect_dma source(%dma_start3A_122 : memref<10000x128xf32, #tpu.memory_space<hbm>>) target(%dma_start3A_116 : memref<128x128xf32, #tpu.memory_space<vmem>>) offsets(%dma_start3A_119 : memref<128xi32, #tpu.memory_space<vmem>>) semaphore(%arg10 : memref<!tpu.dma_semaphore, #tpu.memory_space<semaphore_mem>>)
      } else {
      }
      "tpu.region"() ({
        %run_scoped3A_110 = tpu.sem_alloc : memref<!tpu.dma_semaphore, #tpu.memory_space<semaphore_mem>>
        %dma_start3A_111 = arith.constant 0 : i32
        %dma_start3A_112 = arith.constant 0 : i32
        %dma_start3A_113 = tpu.memref_slice %arg8[%rem3A_92, %dma_start3A_111, %dma_start3A_112] : memref<2x128x128xf32, #tpu.memory_space<vmem>> -> memref<1x128x128xf32, #tpu.memory_space<vmem>>
        %dma_start3A_114 = tpu.memref_squeeze %dma_start3A_113 : memref<1x128x128xf32, #tpu.memory_space<vmem>> -> memref<128x128xf32, #tpu.memory_space<vmem>>
        %dma_start3A_115 = arith.constant 0 : i32
        %dma_start3A_116 = tpu.memref_slice %arg7[%scan3A_90, %dma_start3A_115] : memref<40x128xi32, #tpu.memory_space<vmem>> -> memref<1x128xi32, #tpu.memory_space<vmem>>
        %dma_start3A_117 = tpu.memref_squeeze %dma_start3A_116 : memref<1x128xi32, #tpu.memory_space<vmem>> -> memref<128xi32, #tpu.memory_space<vmem>>
        %dma_start3A_118 = arith.constant 0 : i32
        %dma_start3A_119 = arith.constant 0 : i32
        %dma_start3A_120 = tpu.memref_slice %arg9[%dma_start3A_118, %dma_start3A_119] : memref<10016x128xf32, #tpu.memory_space<vmem_shared>> -> memref<10016x128xf32, #tpu.memory_space<vmem_shared>>
        tpu.enqueue_indirect_dma source(%dma_start3A_114 : memref<128x128xf32, #tpu.memory_space<vmem>>) target(%dma_start3A_120 : memref<10016x128xf32, #tpu.memory_space<vmem_shared>>) offsets(%dma_start3A_117 : memref<128xi32, #tpu.memory_space<vmem>>) semaphore(%run_scoped3A_110 : memref<!tpu.dma_semaphore, #tpu.memory_space<semaphore_mem>>) {add = true}
        %dma_wait3A_121 = arith.constant 0 : i32
        %dma_wait3A_122 = arith.constant 0 : i32
        %dma_wait3A_123 = tpu.memref_slice %arg8[%rem3A_92, %dma_wait3A_121, %dma_wait3A_122] : memref<2x128x128xf32, #tpu.memory_space<vmem>> -> memref<1x128x128xf32, #tpu.memory_space<vmem>>
        %dma_wait3A_124 = tpu.memref_squeeze %dma_wait3A_123 : memref<1x128x128xf32, #tpu.memory_space<vmem>> -> memref<128x128xf32, #tpu.memory_space<vmem>>
        %dma_wait3A_125 = arith.constant 0 : i32
        %dma_wait3A_126 = tpu.memref_slice %arg7[%scan3A_90, %dma_wait3A_125] : memref<40x128xi32, #tpu.memory_space<vmem>> -> memref<1x128xi32, #tpu.memory_space<vmem>>
        %dma_wait3A_127 = tpu.memref_squeeze %dma_wait3A_126 : memref<1x128xi32, #tpu.memory_space<vmem>> -> memref<128xi32, #tpu.memory_space<vmem>>
        %dma_wait3A_128 = arith.constant 0 : i32
        %dma_wait3A_129 = arith.constant 0 : i32
        %dma_wait3A_130 = tpu.memref_slice %arg9[%dma_wait3A_128, %dma_wait3A_129] : memref<10016x128xf32, #tpu.memory_space<vmem_shared>> -> memref<10016x128xf32, #tpu.memory_space<vmem_shared>>
        tpu.wait_indirect_dma semaphore(%run_scoped3A_110 : memref<!tpu.dma_semaphore, #tpu.memory_space<semaphore_mem>>) src(%dma_wait3A_124 : memref<128x128xf32, #tpu.memory_space<vmem>>) dst(%dma_wait3A_130 : memref<10016x128xf32, #tpu.memory_space<vmem_shared>>)
        tpu.yield
      }) : () -> ()
      %scan3A_109 = arith.constant 0 : i32
      scf.yield %scan3A_109 : i32
    }
    %scan3A_76 = arith.constant 40 : i32
    %barrier3A_77 = arith.constant 0 : index
    tpu.barrier barrier_id(%barrier3A_77)
    %mul3A_78 = arith.constant 624 : i32
    %mul3A_79 = arith.muli %arg1, %mul3A_78 : i32
    %lt3A_80 = arith.constant 15 : i32
    %lt3A_81 = arith.cmpi slt, %arg1, %lt3A_80 : i32
    %convert_element_type3A_82 = arith.extui %lt3A_81 : i1 to i32
    %cond3A_83 = arith.constant 0 : i32
    %cond3A_84 = arith.cmpi ne, %convert_element_type3A_82, %cond3A_83 : i32
    scf.if %cond3A_84 {
      "tpu.region"() ({
        %run_scoped3A_90 = tpu.sem_alloc : memref<!tpu.dma_semaphore, #tpu.memory_space<semaphore_mem>>
        %dma_start3A_91 = arith.constant 0 : i32
        %dma_start3A_92 = tpu.memref_slice %arg5[%arg0, %mul3A_79, %dma_start3A_91] : memref<2x10000x128xf32, #tpu.memory_space<hbm>> -> memref<1x624x128xf32, #tpu.memory_space<hbm>>
        %dma_start3A_93 = tpu.memref_squeeze %dma_start3A_92 : memref<1x624x128xf32, #tpu.memory_space<hbm>> -> memref<624x128xf32, #tpu.memory_space<hbm>>
        %dma_start3A_94 = arith.constant 0 : i32
        %dma_start3A_95 = tpu.memref_slice %arg9[%mul3A_79, %dma_start3A_94] : memref<10016x128xf32, #tpu.memory_space<vmem_shared>> -> memref<624x128xf32, #tpu.memory_space<vmem_shared>>
        tpu.enqueue_dma source(%dma_start3A_95 : memref<624x128xf32, #tpu.memory_space<vmem_shared>>) target(%dma_start3A_93 : memref<624x128xf32, #tpu.memory_space<hbm>>) target_semaphore(%run_scoped3A_90 : memref<!tpu.dma_semaphore, #tpu.memory_space<semaphore_mem>>)
        %dma_wait3A = arith.constant 0 : i32
        %dma_wait3A_96 = tpu.memref_slice %arg5[%arg0, %mul3A_79, %dma_wait3A] : memref<2x10000x128xf32, #tpu.memory_space<hbm>> -> memref<1x624x128xf32, #tpu.memory_space<hbm>>
        %dma_wait3A_97 = tpu.memref_squeeze %dma_wait3A_96 : memref<1x624x128xf32, #tpu.memory_space<hbm>> -> memref<624x128xf32, #tpu.memory_space<hbm>>
        %dma_wait3A_98 = arith.constant 0 : i32
        %dma_wait3A_99 = tpu.memref_slice %arg9[%mul3A_79, %dma_wait3A_98] : memref<10016x128xf32, #tpu.memory_space<vmem_shared>> -> memref<624x128xf32, #tpu.memory_space<vmem_shared>>
        tpu.wait_dma2 semaphore(%run_scoped3A_90 : memref<!tpu.dma_semaphore, #tpu.memory_space<semaphore_mem>>) src(%dma_wait3A_99 : memref<624x128xf32, #tpu.memory_space<vmem_shared>>) dst(%dma_wait3A_97 : memref<624x128xf32, #tpu.memory_space<hbm>>)
        tpu.yield
      }) : () -> ()
    } else {
    }
    %eq3A_85 = arith.constant 15 : i32
    %eq3A_86 = arith.cmpi eq, %arg1, %eq3A_85 : i32
    %convert_element_type3A_87 = arith.extui %eq3A_86 : i1 to i32
    %cond3A_88 = arith.constant 0 : i32
    %cond3A_89 = arith.cmpi ne, %convert_element_type3A_87, %cond3A_88 : i32
    scf.if %cond3A_89 {
      "tpu.region"() ({
        %run_scoped3A_90 = tpu.sem_alloc : memref<!tpu.dma_semaphore, #tpu.memory_space<semaphore_mem>>
        %dma_start3A_91 = arith.constant 0 : i32
        %dma_start3A_92 = tpu.memref_slice %arg5[%arg0, %mul3A_79, %dma_start3A_91] : memref<2x10000x128xf32, #tpu.memory_space<hbm>> -> memref<1x640x128xf32, #tpu.memory_space<hbm>>
        %dma_start3A_93 = tpu.memref_squeeze %dma_start3A_92 : memref<1x640x128xf32, #tpu.memory_space<hbm>> -> memref<640x128xf32, #tpu.memory_space<hbm>>
        %dma_start3A_94 = arith.constant 0 : i32
        %dma_start3A_95 = tpu.memref_slice %arg9[%mul3A_79, %dma_start3A_94] : memref<10016x128xf32, #tpu.memory_space<vmem_shared>> -> memref<640x128xf32, #tpu.memory_space<vmem_shared>>
        tpu.enqueue_dma source(%dma_start3A_95 : memref<640x128xf32, #tpu.memory_space<vmem_shared>>) target(%dma_start3A_93 : memref<640x128xf32, #tpu.memory_space<hbm>>) target_semaphore(%run_scoped3A_90 : memref<!tpu.dma_semaphore, #tpu.memory_space<semaphore_mem>>)
        %dma_wait3A = arith.constant 0 : i32
        %dma_wait3A_96 = tpu.memref_slice %arg5[%arg0, %mul3A_79, %dma_wait3A] : memref<2x10000x128xf32, #tpu.memory_space<hbm>> -> memref<1x640x128xf32, #tpu.memory_space<hbm>>
        %dma_wait3A_97 = tpu.memref_squeeze %dma_wait3A_96 : memref<1x640x128xf32, #tpu.memory_space<hbm>> -> memref<640x128xf32, #tpu.memory_space<hbm>>
        %dma_wait3A_98 = arith.constant 0 : i32
        %dma_wait3A_99 = tpu.memref_slice %arg9[%mul3A_79, %dma_wait3A_98] : memref<10016x128xf32, #tpu.memory_space<vmem_shared>> -> memref<640x128xf32, #tpu.memory_space<vmem_shared>>
        tpu.wait_dma2 semaphore(%run_scoped3A_90 : memref<!tpu.dma_semaphore, #tpu.memory_space<semaphore_mem>>) src(%dma_wait3A_99 : memref<640x128xf32, #tpu.memory_space<vmem_shared>>) dst(%dma_wait3A_97 : memref<640x128xf32, #tpu.memory_space<hbm>>)
        tpu.yield
      }) : () -> ()
    } else {
    }
    return
  }
}

#map = affine_map<(d0, d1) -> (0, 0)>
#map1 = affine_map<(d0, d1) -> (0, 0, 0)>
module attributes {stable_mosaic.version = 14 : i64} {
  func.func @_sc_agg(%arg0: i32, %arg1: i32, %arg2: memref<10000x128xf32, #tpu.memory_space<hbm>>, %arg3: memref<2560x128xi32, #tpu.memory_space<hbm>>, %arg4: memref<2560x128xi32, #tpu.memory_space<hbm>>, %arg5: memref<2x10000x128xf32, #tpu.memory_space<hbm>>, %arg6: memref<40x128xi32, #tpu.memory_space<vmem>>, %arg7: memref<40x128xi32, #tpu.memory_space<vmem>>, %arg8: memref<2x128x128xf32, #tpu.memory_space<vmem>>, %arg9: memref<10016x128xf32, #tpu.memory_space<vmem_shared>>, %arg10: memref<!tpu.dma_semaphore, #tpu.memory_space<semaphore_mem>>, %arg11: memref<!tpu.dma_semaphore, #tpu.memory_space<semaphore_mem>>) attributes {dimension_semantics = [#tpu.dimension_semantics<core_parallel>, #tpu.dimension_semantics<subcore_parallel>], iteration_bounds = array<i64: 2, 16>, scalar_prefetch = 0 : i64, scratch_operands = 6 : i64, tpu.core_type = #tpu.core_type<sc_vector_subcore>, window_params = [{transform_indices = #map}, {transform_indices = #map}, {transform_indices = #map}, {transform_indices = #map1}]} {
    %mul3A = arith.constant 16 : i32
    %mul3A_0 = arith.muli %arg0, %mul3A : i32
    %add3A = arith.addi %mul3A_0, %arg1 : i32
    %mul3A_1 = arith.constant 80 : i32
    %mul3A_2 = arith.muli %add3A, %mul3A_1 : i32
    %broadcast_in_dim3A = arith.constant 0.000000e+00 : f32
    %broadcast_in_dim3A_3 = vector.broadcast %broadcast_in_dim3A : f32 to vector<16xf32>
    %scan3A = arith.constant 0 : i32
    %scan3A_4 = arith.constant 0 : i32
    %scan3A_5 = arith.constant 0 : i32
    %scan3A_6 = arith.constant 128 : i32
    %scan3A_7 = arith.addi %scan3A_5, %scan3A_6 : i32
    %scan3A_8 = arith.constant 1 : i32
    %scan3A_9 = scf.for %scan3A_90 = %scan3A_5 to %scan3A_7 step %scan3A_8 iter_args(%scan3A_91 = %scan3A_4) -> (i32)  : i32 {
      %swap3A = arith.constant 0 : i32
      %swap3A_92 = arith.constant 0 : i32
      %swap3A_93 = tpu.memref_slice %arg8[%scan3A, %swap3A, %swap3A_92] : memref<2x128x128xf32, #tpu.memory_space<vmem>> -> memref<1x128x128xf32, #tpu.memory_space<vmem>>
      %swap3A_94 = tpu.memref_squeeze %swap3A_93 : memref<1x128x128xf32, #tpu.memory_space<vmem>> -> memref<128x128xf32, #tpu.memory_space<vmem>>
      %swap3A_95 = arith.index_cast %scan3A_90 : i32 to index
      %swap3A_96 = arith.constant 0 : index
      %swap3A_97 = tpu.vector_load %swap3A_94[%swap3A_95, %swap3A_96] {strides = array<i32>} : memref<128x128xf32, #tpu.memory_space<vmem>>, vector<1x16xf32>,
      %swap3A_98 = vector.shape_cast %swap3A_97 : vector<1x16xf32> to vector<16xf32>
      %swap3A_99 = vector.shape_cast %broadcast_in_dim3A_3 : vector<16xf32> to vector<1x16xf32>
      tpu.vector_store %swap3A_94[%swap3A_95, %swap3A_96], %swap3A_99 {strides = array<i32>} : memref<128x128xf32, #tpu.memory_space<vmem>>, vector<1x16xf32>,
      %swap3A_100 = arith.constant 0 : i32
      %swap3A_101 = arith.constant 0 : i32
      %swap3A_102 = tpu.memref_slice %arg8[%scan3A, %swap3A_100, %swap3A_101] : memref<2x128x128xf32, #tpu.memory_space<vmem>> -> memref<1x128x128xf32, #tpu.memory_space<vmem>>
      %swap3A_103 = tpu.memref_squeeze %swap3A_102 : memref<1x128x128xf32, #tpu.memory_space<vmem>> -> memref<128x128xf32, #tpu.memory_space<vmem>>
      %swap3A_104 = arith.index_cast %scan3A_90 : i32 to index
      %swap3A_105 = arith.constant 16 : index
      %swap3A_106 = tpu.vector_load %swap3A_103[%swap3A_104, %swap3A_105] {strides = array<i32>} : memref<128x128xf32, #tpu.memory_space<vmem>>, vector<1x16xf32>,
      %swap3A_107 = vector.shape_cast %swap3A_106 : vector<1x16xf32> to vector<16xf32>
      %swap3A_108 = vector.shape_cast %broadcast_in_dim3A_3 : vector<16xf32> to vector<1x16xf32>
      tpu.vector_store %swap3A_103[%swap3A_104, %swap3A_105], %swap3A_108 {strides = array<i32>} : memref<128x128xf32, #tpu.memory_space<vmem>>, vector<1x16xf32>,
      %swap3A_109 = arith.constant 0 : i32
      %swap3A_110 = arith.constant 0 : i32
      %swap3A_111 = tpu.memref_slice %arg8[%scan3A, %swap3A_109, %swap3A_110] : memref<2x128x128xf32, #tpu.memory_space<vmem>> -> memref<1x128x128xf32, #tpu.memory_space<vmem>>
      %swap3A_112 = tpu.memref_squeeze %swap3A_111 : memref<1x128x128xf32, #tpu.memory_space<vmem>> -> memref<128x128xf32, #tpu.memory_space<vmem>>
      %swap3A_113 = arith.index_cast %scan3A_90 : i32 to index
      %swap3A_114 = arith.constant 32 : index
      %swap3A_115 = tpu.vector_load %swap3A_112[%swap3A_113, %swap3A_114] {strides = array<i32>} : memref<128x128xf32, #tpu.memory_space<vmem>>, vector<1x16xf32>,
      %swap3A_116 = vector.shape_cast %swap3A_115 : vector<1x16xf32> to vector<16xf32>
      %swap3A_117 = vector.shape_cast %broadcast_in_dim3A_3 : vector<16xf32> to vector<1x16xf32>
      tpu.vector_store %swap3A_112[%swap3A_113, %swap3A_114], %swap3A_117 {strides = array<i32>} : memref<128x128xf32, #tpu.memory_space<vmem>>, vector<1x16xf32>,
      %swap3A_118 = arith.constant 0 : i32
      %swap3A_119 = arith.constant 0 : i32
      %swap3A_120 = tpu.memref_slice %arg8[%scan3A, %swap3A_118, %swap3A_119] : memref<2x128x128xf32, #tpu.memory_space<vmem>> -> memref<1x128x128xf32, #tpu.memory_space<vmem>>
      %swap3A_121 = tpu.memref_squeeze %swap3A_120 : memref<1x128x128xf32, #tpu.memory_space<vmem>> -> memref<128x128xf32, #tpu.memory_space<vmem>>
      %swap3A_122 = arith.index_cast %scan3A_90 : i32 to index
      %swap3A_123 = arith.constant 48 : index
      %swap3A_124 = tpu.vector_load %swap3A_121[%swap3A_122, %swap3A_123] {strides = array<i32>} : memref<128x128xf32, #tpu.memory_space<vmem>>, vector<1x16xf32>,
      %swap3A_125 = vector.shape_cast %swap3A_124 : vector<1x16xf32> to vector<16xf32>
      %swap3A_126 = vector.shape_cast %broadcast_in_dim3A_3 : vector<16xf32> to vector<1x16xf32>
      tpu.vector_store %swap3A_121[%swap3A_122, %swap3A_123], %swap3A_126 {strides = array<i32>} : memref<128x128xf32, #tpu.memory_space<vmem>>, vector<1x16xf32>,
      %swap3A_127 = arith.constant 0 : i32
      %swap3A_128 = arith.constant 0 : i32
      %swap3A_129 = tpu.memref_slice %arg8[%scan3A, %swap3A_127, %swap3A_128] : memref<2x128x128xf32, #tpu.memory_space<vmem>> -> memref<1x128x128xf32, #tpu.memory_space<vmem>>
      %swap3A_130 = tpu.memref_squeeze %swap3A_129 : memref<1x128x128xf32, #tpu.memory_space<vmem>> -> memref<128x128xf32, #tpu.memory_space<vmem>>
      %swap3A_131 = arith.index_cast %scan3A_90 : i32 to index
      %swap3A_132 = arith.constant 64 : index
      %swap3A_133 = tpu.vector_load %swap3A_130[%swap3A_131, %swap3A_132] {strides = array<i32>} : memref<128x128xf32, #tpu.memory_space<vmem>>, vector<1x16xf32>,
      %swap3A_134 = vector.shape_cast %swap3A_133 : vector<1x16xf32> to vector<16xf32>
      %swap3A_135 = vector.shape_cast %broadcast_in_dim3A_3 : vector<16xf32> to vector<1x16xf32>
      tpu.vector_store %swap3A_130[%swap3A_131, %swap3A_132], %swap3A_135 {strides = array<i32>} : memref<128x128xf32, #tpu.memory_space<vmem>>, vector<1x16xf32>,
      %swap3A_136 = arith.constant 0 : i32
      %swap3A_137 = arith.constant 0 : i32
      %swap3A_138 = tpu.memref_slice %arg8[%scan3A, %swap3A_136, %swap3A_137] : memref<2x128x128xf32, #tpu.memory_space<vmem>> -> memref<1x128x128xf32, #tpu.memory_space<vmem>>
      %swap3A_139 = tpu.memref_squeeze %swap3A_138 : memref<1x128x128xf32, #tpu.memory_space<vmem>> -> memref<128x128xf32, #tpu.memory_space<vmem>>
      %swap3A_140 = arith.index_cast %scan3A_90 : i32 to index
      %swap3A_141 = arith.constant 80 : index
      %swap3A_142 = tpu.vector_load %swap3A_139[%swap3A_140, %swap3A_141] {strides = array<i32>} : memref<128x128xf32, #tpu.memory_space<vmem>>, vector<1x16xf32>,
      %swap3A_143 = vector.shape_cast %swap3A_142 : vector<1x16xf32> to vector<16xf32>
      %swap3A_144 = vector.shape_cast %broadcast_in_dim3A_3 : vector<16xf32> to vector<1x16xf32>
      tpu.vector_store %swap3A_139[%swap3A_140, %swap3A_141], %swap3A_144 {strides = array<i32>} : memref<128x128xf32, #tpu.memory_space<vmem>>, vector<1x16xf32>,
      %swap3A_145 = arith.constant 0 : i32
      %swap3A_146 = arith.constant 0 : i32
      %swap3A_147 = tpu.memref_slice %arg8[%scan3A, %swap3A_145, %swap3A_146] : memref<2x128x128xf32, #tpu.memory_space<vmem>> -> memref<1x128x128xf32, #tpu.memory_space<vmem>>
      %swap3A_148 = tpu.memref_squeeze %swap3A_147 : memref<1x128x128xf32, #tpu.memory_space<vmem>> -> memref<128x128xf32, #tpu.memory_space<vmem>>
      %swap3A_149 = arith.index_cast %scan3A_90 : i32 to index
      %swap3A_150 = arith.constant 96 : index
      %swap3A_151 = tpu.vector_load %swap3A_148[%swap3A_149, %swap3A_150] {strides = array<i32>} : memref<128x128xf32, #tpu.memory_space<vmem>>, vector<1x16xf32>,
      %swap3A_152 = vector.shape_cast %swap3A_151 : vector<1x16xf32> to vector<16xf32>
      %swap3A_153 = vector.shape_cast %broadcast_in_dim3A_3 : vector<16xf32> to vector<1x16xf32>
      tpu.vector_store %swap3A_148[%swap3A_149, %swap3A_150], %swap3A_153 {strides = array<i32>} : memref<128x128xf32, #tpu.memory_space<vmem>>, vector<1x16xf32>,
      %swap3A_154 = arith.constant 0 : i32
      %swap3A_155 = arith.constant 0 : i32
      %swap3A_156 = tpu.memref_slice %arg8[%scan3A, %swap3A_154, %swap3A_155] : memref<2x128x128xf32, #tpu.memory_space<vmem>> -> memref<1x128x128xf32, #tpu.memory_space<vmem>>
      %swap3A_157 = tpu.memref_squeeze %swap3A_156 : memref<1x128x128xf32, #tpu.memory_space<vmem>> -> memref<128x128xf32, #tpu.memory_space<vmem>>
      %swap3A_158 = arith.index_cast %scan3A_90 : i32 to index
      %swap3A_159 = arith.constant 112 : index
      %swap3A_160 = tpu.vector_load %swap3A_157[%swap3A_158, %swap3A_159] {strides = array<i32>} : memref<128x128xf32, #tpu.memory_space<vmem>>, vector<1x16xf32>,
      %swap3A_161 = vector.shape_cast %swap3A_160 : vector<1x16xf32> to vector<16xf32>
      %swap3A_162 = vector.shape_cast %broadcast_in_dim3A_3 : vector<16xf32> to vector<1x16xf32>
      tpu.vector_store %swap3A_157[%swap3A_158, %swap3A_159], %swap3A_162 {strides = array<i32>} : memref<128x128xf32, #tpu.memory_space<vmem>>, vector<1x16xf32>,
      %scan3A_163 = arith.constant 0 : i32
      scf.yield %scan3A_163 : i32
    }
    %scan3A_10 = arith.constant 128 : i32
    %mul3A_11 = arith.constant 624 : i32
    %mul3A_12 = arith.muli %arg1, %mul3A_11 : i32
    %add3A_13 = arith.constant 0 : i32
    %add3A_14 = arith.addi %mul3A_12, %add3A_13 : i32
    %run_scoped3A = arith.constant 0 : i32
    "tpu.region"() ({
      %run_scoped3A_90 = tpu.sem_alloc : memref<!tpu.dma_semaphore, #tpu.memory_space<semaphore_mem>>
      %dma_start3A_91 = arith.constant 0 : i32
      %dma_start3A_92 = arith.constant 0 : i32
      %dma_start3A_93 = tpu.memref_slice %arg8[%run_scoped3A, %dma_start3A_91, %dma_start3A_92] : memref<2x128x128xf32, #tpu.memory_space<vmem>> -> memref<1x128x128xf32, #tpu.memory_space<vmem>>
      %dma_start3A_94 = tpu.memref_squeeze %dma_start3A_93 : memref<1x128x128xf32, #tpu.memory_space<vmem>> -> memref<128x128xf32, #tpu.memory_space<vmem>>
      %dma_start3A_95 = arith.constant 0 : i32
      %dma_start3A_96 = tpu.memref_slice %arg9[%add3A_14, %dma_start3A_95] : memref<10016x128xf32, #tpu.memory_space<vmem_shared>> -> memref<128x128xf32, #tpu.memory_space<vmem_shared>>
      %dma_start3A_97 = arith.constant 0 : i32
      %dma_start3A_98 = tpu.memref_slice %arg9[%add3A_14, %dma_start3A_97] : memref<10016x128xf32, #tpu.memory_space<vmem_shared>> -> memref<128x128xf32, #tpu.memory_space<vmem_shared>>
      %dma_start3A_99 = arith.constant 0 : i32
      %dma_start3A_100 = arith.constant 0 : i32
      %dma_start3A_101 = tpu.memref_slice %arg8[%run_scoped3A, %dma_start3A_99, %dma_start3A_100] : memref<2x128x128xf32, #tpu.memory_space<vmem>> -> memref<1x128x128xf32, #tpu.memory_space<vmem>>
      %dma_start3A_102 = tpu.memref_squeeze %dma_start3A_101 : memref<1x128x128xf32, #tpu.memory_space<vmem>> -> memref<128x128xf32, #tpu.memory_space<vmem>>
      tpu.enqueue_dma source(%dma_start3A_102 : memref<128x128xf32, #tpu.memory_space<vmem>>) target(%dma_start3A_98 : memref<128x128xf32, #tpu.memory_space<vmem_shared>>) target_semaphore(%run_scoped3A_90 : memref<!tpu.dma_semaphore, #tpu.memory_space<semaphore_mem>>)
      %dma_wait3A = arith.constant 0 : i32
      %dma_wait3A_103 = arith.constant 0 : i32
      %dma_wait3A_104 = tpu.memref_slice %arg8[%run_scoped3A, %dma_wait3A, %dma_wait3A_103] : memref<2x128x128xf32, #tpu.memory_space<vmem>> -> memref<1x128x128xf32, #tpu.memory_space<vmem>>
      %dma_wait3A_105 = tpu.memref_squeeze %dma_wait3A_104 : memref<1x128x128xf32, #tpu.memory_space<vmem>> -> memref<128x128xf32, #tpu.memory_space<vmem>>
      %dma_wait3A_106 = arith.constant 0 : i32
      %dma_wait3A_107 = tpu.memref_slice %arg9[%add3A_14, %dma_wait3A_106] : memref<10016x128xf32, #tpu.memory_space<vmem_shared>> -> memref<128x128xf32, #tpu.memory_space<vmem_shared>>
      %dma_wait3A_108 = arith.constant 0 : i32
      %dma_wait3A_109 = tpu.memref_slice %arg9[%add3A_14, %dma_wait3A_108] : memref<10016x128xf32, #tpu.memory_space<vmem_shared>> -> memref<128x128xf32, #tpu.memory_space<vmem_shared>>
      %dma_wait3A_110 = arith.constant 0 : i32
      %dma_wait3A_111 = arith.constant 0 : i32
      %dma_wait3A_112 = tpu.memref_slice %arg8[%run_scoped3A, %dma_wait3A_110, %dma_wait3A_111] : memref<2x128x128xf32, #tpu.memory_space<vmem>> -> memref<1x128x128xf32, #tpu.memory_space<vmem>>
      %dma_wait3A_113 = tpu.memref_squeeze %dma_wait3A_112 : memref<1x128x128xf32, #tpu.memory_space<vmem>> -> memref<128x128xf32, #tpu.memory_space<vmem>>
      tpu.wait_dma2 semaphore(%run_scoped3A_90 : memref<!tpu.dma_semaphore, #tpu.memory_space<semaphore_mem>>) src(%dma_wait3A_113 : memref<128x128xf32, #tpu.memory_space<vmem>>) dst(%dma_wait3A_109 : memref<128x128xf32, #tpu.memory_space<vmem_shared>>)
      tpu.yield
    }) : () -> ()
    %add3A_15 = arith.constant 128 : i32
    %add3A_16 = arith.addi %mul3A_12, %add3A_15 : i32
    %run_scoped3A_17 = arith.constant 0 : i32
    "tpu.region"() ({
      %run_scoped3A_90 = tpu.sem_alloc : memref<!tpu.dma_semaphore, #tpu.memory_space<semaphore_mem>>
      %dma_start3A_91 = arith.constant 0 : i32
      %dma_start3A_92 = arith.constant 0 : i32
      %dma_start3A_93 = tpu.memref_slice %arg8[%run_scoped3A_17, %dma_start3A_91, %dma_start3A_92] : memref<2x128x128xf32, #tpu.memory_space<vmem>> -> memref<1x128x128xf32, #tpu.memory_space<vmem>>
      %dma_start3A_94 = tpu.memref_squeeze %dma_start3A_93 : memref<1x128x128xf32, #tpu.memory_space<vmem>> -> memref<128x128xf32, #tpu.memory_space<vmem>>
      %dma_start3A_95 = arith.constant 0 : i32
      %dma_start3A_96 = tpu.memref_slice %arg9[%add3A_16, %dma_start3A_95] : memref<10016x128xf32, #tpu.memory_space<vmem_shared>> -> memref<128x128xf32, #tpu.memory_space<vmem_shared>>
      %dma_start3A_97 = arith.constant 0 : i32
      %dma_start3A_98 = tpu.memref_slice %arg9[%add3A_16, %dma_start3A_97] : memref<10016x128xf32, #tpu.memory_space<vmem_shared>> -> memref<128x128xf32, #tpu.memory_space<vmem_shared>>
      %dma_start3A_99 = arith.constant 0 : i32
      %dma_start3A_100 = arith.constant 0 : i32
      %dma_start3A_101 = tpu.memref_slice %arg8[%run_scoped3A_17, %dma_start3A_99, %dma_start3A_100] : memref<2x128x128xf32, #tpu.memory_space<vmem>> -> memref<1x128x128xf32, #tpu.memory_space<vmem>>
      %dma_start3A_102 = tpu.memref_squeeze %dma_start3A_101 : memref<1x128x128xf32, #tpu.memory_space<vmem>> -> memref<128x128xf32, #tpu.memory_space<vmem>>
      tpu.enqueue_dma source(%dma_start3A_102 : memref<128x128xf32, #tpu.memory_space<vmem>>) target(%dma_start3A_98 : memref<128x128xf32, #tpu.memory_space<vmem_shared>>) target_semaphore(%run_scoped3A_90 : memref<!tpu.dma_semaphore, #tpu.memory_space<semaphore_mem>>)
      %dma_wait3A = arith.constant 0 : i32
      %dma_wait3A_103 = arith.constant 0 : i32
      %dma_wait3A_104 = tpu.memref_slice %arg8[%run_scoped3A_17, %dma_wait3A, %dma_wait3A_103] : memref<2x128x128xf32, #tpu.memory_space<vmem>> -> memref<1x128x128xf32, #tpu.memory_space<vmem>>
      %dma_wait3A_105 = tpu.memref_squeeze %dma_wait3A_104 : memref<1x128x128xf32, #tpu.memory_space<vmem>> -> memref<128x128xf32, #tpu.memory_space<vmem>>
      %dma_wait3A_106 = arith.constant 0 : i32
      %dma_wait3A_107 = tpu.memref_slice %arg9[%add3A_16, %dma_wait3A_106] : memref<10016x128xf32, #tpu.memory_space<vmem_shared>> -> memref<128x128xf32, #tpu.memory_space<vmem_shared>>
      %dma_wait3A_108 = arith.constant 0 : i32
      %dma_wait3A_109 = tpu.memref_slice %arg9[%add3A_16, %dma_wait3A_108] : memref<10016x128xf32, #tpu.memory_space<vmem_shared>> -> memref<128x128xf32, #tpu.memory_space<vmem_shared>>
      %dma_wait3A_110 = arith.constant 0 : i32
      %dma_wait3A_111 = arith.constant 0 : i32
      %dma_wait3A_112 = tpu.memref_slice %arg8[%run_scoped3A_17, %dma_wait3A_110, %dma_wait3A_111] : memref<2x128x128xf32, #tpu.memory_space<vmem>> -> memref<1x128x128xf32, #tpu.memory_space<vmem>>
      %dma_wait3A_113 = tpu.memref_squeeze %dma_wait3A_112 : memref<1x128x128xf32, #tpu.memory_space<vmem>> -> memref<128x128xf32, #tpu.memory_space<vmem>>
      tpu.wait_dma2 semaphore(%run_scoped3A_90 : memref<!tpu.dma_semaphore, #tpu.memory_space<semaphore_mem>>) src(%dma_wait3A_113 : memref<128x128xf32, #tpu.memory_space<vmem>>) dst(%dma_wait3A_109 : memref<128x128xf32, #tpu.memory_space<vmem_shared>>)
      tpu.yield
    }) : () -> ()
    %add3A_18 = arith.constant 256 : i32
    %add3A_19 = arith.addi %mul3A_12, %add3A_18 : i32
    %run_scoped3A_20 = arith.constant 0 : i32
    "tpu.region"() ({
      %run_scoped3A_90 = tpu.sem_alloc : memref<!tpu.dma_semaphore, #tpu.memory_space<semaphore_mem>>
      %dma_start3A_91 = arith.constant 0 : i32
      %dma_start3A_92 = arith.constant 0 : i32
      %dma_start3A_93 = tpu.memref_slice %arg8[%run_scoped3A_20, %dma_start3A_91, %dma_start3A_92] : memref<2x128x128xf32, #tpu.memory_space<vmem>> -> memref<1x128x128xf32, #tpu.memory_space<vmem>>
      %dma_start3A_94 = tpu.memref_squeeze %dma_start3A_93 : memref<1x128x128xf32, #tpu.memory_space<vmem>> -> memref<128x128xf32, #tpu.memory_space<vmem>>
      %dma_start3A_95 = arith.constant 0 : i32
      %dma_start3A_96 = tpu.memref_slice %arg9[%add3A_19, %dma_start3A_95] : memref<10016x128xf32, #tpu.memory_space<vmem_shared>> -> memref<128x128xf32, #tpu.memory_space<vmem_shared>>
      %dma_start3A_97 = arith.constant 0 : i32
      %dma_start3A_98 = tpu.memref_slice %arg9[%add3A_19, %dma_start3A_97] : memref<10016x128xf32, #tpu.memory_space<vmem_shared>> -> memref<128x128xf32, #tpu.memory_space<vmem_shared>>
      %dma_start3A_99 = arith.constant 0 : i32
      %dma_start3A_100 = arith.constant 0 : i32
      %dma_start3A_101 = tpu.memref_slice %arg8[%run_scoped3A_20, %dma_start3A_99, %dma_start3A_100] : memref<2x128x128xf32, #tpu.memory_space<vmem>> -> memref<1x128x128xf32, #tpu.memory_space<vmem>>
      %dma_start3A_102 = tpu.memref_squeeze %dma_start3A_101 : memref<1x128x128xf32, #tpu.memory_space<vmem>> -> memref<128x128xf32, #tpu.memory_space<vmem>>
      tpu.enqueue_dma source(%dma_start3A_102 : memref<128x128xf32, #tpu.memory_space<vmem>>) target(%dma_start3A_98 : memref<128x128xf32, #tpu.memory_space<vmem_shared>>) target_semaphore(%run_scoped3A_90 : memref<!tpu.dma_semaphore, #tpu.memory_space<semaphore_mem>>)
      %dma_wait3A = arith.constant 0 : i32
      %dma_wait3A_103 = arith.constant 0 : i32
      %dma_wait3A_104 = tpu.memref_slice %arg8[%run_scoped3A_20, %dma_wait3A, %dma_wait3A_103] : memref<2x128x128xf32, #tpu.memory_space<vmem>> -> memref<1x128x128xf32, #tpu.memory_space<vmem>>
      %dma_wait3A_105 = tpu.memref_squeeze %dma_wait3A_104 : memref<1x128x128xf32, #tpu.memory_space<vmem>> -> memref<128x128xf32, #tpu.memory_space<vmem>>
      %dma_wait3A_106 = arith.constant 0 : i32
      %dma_wait3A_107 = tpu.memref_slice %arg9[%add3A_19, %dma_wait3A_106] : memref<10016x128xf32, #tpu.memory_space<vmem_shared>> -> memref<128x128xf32, #tpu.memory_space<vmem_shared>>
      %dma_wait3A_108 = arith.constant 0 : i32
      %dma_wait3A_109 = tpu.memref_slice %arg9[%add3A_19, %dma_wait3A_108] : memref<10016x128xf32, #tpu.memory_space<vmem_shared>> -> memref<128x128xf32, #tpu.memory_space<vmem_shared>>
      %dma_wait3A_110 = arith.constant 0 : i32
      %dma_wait3A_111 = arith.constant 0 : i32
      %dma_wait3A_112 = tpu.memref_slice %arg8[%run_scoped3A_20, %dma_wait3A_110, %dma_wait3A_111] : memref<2x128x128xf32, #tpu.memory_space<vmem>> -> memref<1x128x128xf32, #tpu.memory_space<vmem>>
      %dma_wait3A_113 = tpu.memref_squeeze %dma_wait3A_112 : memref<1x128x128xf32, #tpu.memory_space<vmem>> -> memref<128x128xf32, #tpu.memory_space<vmem>>
      tpu.wait_dma2 semaphore(%run_scoped3A_90 : memref<!tpu.dma_semaphore, #tpu.memory_space<semaphore_mem>>) src(%dma_wait3A_113 : memref<128x128xf32, #tpu.memory_space<vmem>>) dst(%dma_wait3A_109 : memref<128x128xf32, #tpu.memory_space<vmem_shared>>)
      tpu.yield
    }) : () -> ()
    %add3A_21 = arith.constant 384 : i32
    %add3A_22 = arith.addi %mul3A_12, %add3A_21 : i32
    %run_scoped3A_23 = arith.constant 0 : i32
    "tpu.region"() ({
      %run_scoped3A_90 = tpu.sem_alloc : memref<!tpu.dma_semaphore, #tpu.memory_space<semaphore_mem>>
      %dma_start3A_91 = arith.constant 0 : i32
      %dma_start3A_92 = arith.constant 0 : i32
      %dma_start3A_93 = tpu.memref_slice %arg8[%run_scoped3A_23, %dma_start3A_91, %dma_start3A_92] : memref<2x128x128xf32, #tpu.memory_space<vmem>> -> memref<1x128x128xf32, #tpu.memory_space<vmem>>
      %dma_start3A_94 = tpu.memref_squeeze %dma_start3A_93 : memref<1x128x128xf32, #tpu.memory_space<vmem>> -> memref<128x128xf32, #tpu.memory_space<vmem>>
      %dma_start3A_95 = arith.constant 0 : i32
      %dma_start3A_96 = tpu.memref_slice %arg9[%add3A_22, %dma_start3A_95] : memref<10016x128xf32, #tpu.memory_space<vmem_shared>> -> memref<128x128xf32, #tpu.memory_space<vmem_shared>>
      %dma_start3A_97 = arith.constant 0 : i32
      %dma_start3A_98 = tpu.memref_slice %arg9[%add3A_22, %dma_start3A_97] : memref<10016x128xf32, #tpu.memory_space<vmem_shared>> -> memref<128x128xf32, #tpu.memory_space<vmem_shared>>
      %dma_start3A_99 = arith.constant 0 : i32
      %dma_start3A_100 = arith.constant 0 : i32
      %dma_start3A_101 = tpu.memref_slice %arg8[%run_scoped3A_23, %dma_start3A_99, %dma_start3A_100] : memref<2x128x128xf32, #tpu.memory_space<vmem>> -> memref<1x128x128xf32, #tpu.memory_space<vmem>>
      %dma_start3A_102 = tpu.memref_squeeze %dma_start3A_101 : memref<1x128x128xf32, #tpu.memory_space<vmem>> -> memref<128x128xf32, #tpu.memory_space<vmem>>
      tpu.enqueue_dma source(%dma_start3A_102 : memref<128x128xf32, #tpu.memory_space<vmem>>) target(%dma_start3A_98 : memref<128x128xf32, #tpu.memory_space<vmem_shared>>) target_semaphore(%run_scoped3A_90 : memref<!tpu.dma_semaphore, #tpu.memory_space<semaphore_mem>>)
      %dma_wait3A = arith.constant 0 : i32
      %dma_wait3A_103 = arith.constant 0 : i32
      %dma_wait3A_104 = tpu.memref_slice %arg8[%run_scoped3A_23, %dma_wait3A, %dma_wait3A_103] : memref<2x128x128xf32, #tpu.memory_space<vmem>> -> memref<1x128x128xf32, #tpu.memory_space<vmem>>
      %dma_wait3A_105 = tpu.memref_squeeze %dma_wait3A_104 : memref<1x128x128xf32, #tpu.memory_space<vmem>> -> memref<128x128xf32, #tpu.memory_space<vmem>>
      %dma_wait3A_106 = arith.constant 0 : i32
      %dma_wait3A_107 = tpu.memref_slice %arg9[%add3A_22, %dma_wait3A_106] : memref<10016x128xf32, #tpu.memory_space<vmem_shared>> -> memref<128x128xf32, #tpu.memory_space<vmem_shared>>
      %dma_wait3A_108 = arith.constant 0 : i32
      %dma_wait3A_109 = tpu.memref_slice %arg9[%add3A_22, %dma_wait3A_108] : memref<10016x128xf32, #tpu.memory_space<vmem_shared>> -> memref<128x128xf32, #tpu.memory_space<vmem_shared>>
      %dma_wait3A_110 = arith.constant 0 : i32
      %dma_wait3A_111 = arith.constant 0 : i32
      %dma_wait3A_112 = tpu.memref_slice %arg8[%run_scoped3A_23, %dma_wait3A_110, %dma_wait3A_111] : memref<2x128x128xf32, #tpu.memory_space<vmem>> -> memref<1x128x128xf32, #tpu.memory_space<vmem>>
      %dma_wait3A_113 = tpu.memref_squeeze %dma_wait3A_112 : memref<1x128x128xf32, #tpu.memory_space<vmem>> -> memref<128x128xf32, #tpu.memory_space<vmem>>
      tpu.wait_dma2 semaphore(%run_scoped3A_90 : memref<!tpu.dma_semaphore, #tpu.memory_space<semaphore_mem>>) src(%dma_wait3A_113 : memref<128x128xf32, #tpu.memory_space<vmem>>) dst(%dma_wait3A_109 : memref<128x128xf32, #tpu.memory_space<vmem_shared>>)
      tpu.yield
    }) : () -> ()
    %lt3A = arith.constant 15 : i32
    %lt3A_24 = arith.cmpi slt, %arg1, %lt3A : i32
    %convert_element_type3A = arith.extui %lt3A_24 : i1 to i32
    %cond3A = arith.constant 0 : i32
    %cond3A_25 = arith.constant 0 : i32
    %cond3A_26 = arith.cmpi ne, %convert_element_type3A, %cond3A_25 : i32
    scf.if %cond3A_26 {
      %add3A_90 = arith.constant 512 : i32
      %add3A_91 = arith.addi %mul3A_12, %add3A_90 : i32
      "tpu.region"() ({
        %run_scoped3A_92 = tpu.sem_alloc : memref<!tpu.dma_semaphore, #tpu.memory_space<semaphore_mem>>
        %dma_start3A_93 = arith.constant 0 : i32
        %dma_start3A_94 = arith.constant 0 : i32
        %dma_start3A_95 = tpu.memref_slice %arg8[%cond3A, %dma_start3A_93, %dma_start3A_94] : memref<2x128x128xf32, #tpu.memory_space<vmem>> -> memref<1x128x128xf32, #tpu.memory_space<vmem>>
        %dma_start3A_96 = tpu.memref_squeeze %dma_start3A_95 : memref<1x128x128xf32, #tpu.memory_space<vmem>> -> memref<128x128xf32, #tpu.memory_space<vmem>>
        %dma_start3A_97 = arith.constant 0 : i32
        %dma_start3A_98 = arith.constant 0 : i32
        %dma_start3A_99 = tpu.memref_slice %dma_start3A_96[%dma_start3A_97, %dma_start3A_98] : memref<128x128xf32, #tpu.memory_space<vmem>> -> memref<112x128xf32, #tpu.memory_space<vmem>>
        %dma_start3A_100 = arith.constant 0 : i32
        %dma_start3A_101 = tpu.memref_slice %arg9[%add3A_91, %dma_start3A_100] : memref<10016x128xf32, #tpu.memory_space<vmem_shared>> -> memref<112x128xf32, #tpu.memory_space<vmem_shared>>
        %dma_start3A_102 = arith.constant 0 : i32
        %dma_start3A_103 = tpu.memref_slice %arg9[%add3A_91, %dma_start3A_102] : memref<10016x128xf32, #tpu.memory_space<vmem_shared>> -> memref<112x128xf32, #tpu.memory_space<vmem_shared>>
        %dma_start3A_104 = arith.constant 0 : i32
        %dma_start3A_105 = arith.constant 0 : i32
        %dma_start3A_106 = tpu.memref_slice %arg8[%cond3A, %dma_start3A_104, %dma_start3A_105] : memref<2x128x128xf32, #tpu.memory_space<vmem>> -> memref<1x128x128xf32, #tpu.memory_space<vmem>>
        %dma_start3A_107 = tpu.memref_squeeze %dma_start3A_106 : memref<1x128x128xf32, #tpu.memory_space<vmem>> -> memref<128x128xf32, #tpu.memory_space<vmem>>
        %dma_start3A_108 = arith.constant 0 : i32
        %dma_start3A_109 = arith.constant 0 : i32
        %dma_start3A_110 = tpu.memref_slice %dma_start3A_107[%dma_start3A_108, %dma_start3A_109] : memref<128x128xf32, #tpu.memory_space<vmem>> -> memref<112x128xf32, #tpu.memory_space<vmem>>
        tpu.enqueue_dma source(%dma_start3A_110 : memref<112x128xf32, #tpu.memory_space<vmem>>) target(%dma_start3A_103 : memref<112x128xf32, #tpu.memory_space<vmem_shared>>) target_semaphore(%run_scoped3A_92 : memref<!tpu.dma_semaphore, #tpu.memory_space<semaphore_mem>>)
        %dma_wait3A = arith.constant 0 : i32
        %dma_wait3A_111 = arith.constant 0 : i32
        %dma_wait3A_112 = tpu.memref_slice %arg8[%cond3A, %dma_wait3A, %dma_wait3A_111] : memref<2x128x128xf32, #tpu.memory_space<vmem>> -> memref<1x128x128xf32, #tpu.memory_space<vmem>>
        %dma_wait3A_113 = tpu.memref_squeeze %dma_wait3A_112 : memref<1x128x128xf32, #tpu.memory_space<vmem>> -> memref<128x128xf32, #tpu.memory_space<vmem>>
        %dma_wait3A_114 = arith.constant 0 : i32
        %dma_wait3A_115 = arith.constant 0 : i32
        %dma_wait3A_116 = tpu.memref_slice %dma_wait3A_113[%dma_wait3A_114, %dma_wait3A_115] : memref<128x128xf32, #tpu.memory_space<vmem>> -> memref<112x128xf32, #tpu.memory_space<vmem>>
        %dma_wait3A_117 = arith.constant 0 : i32
        %dma_wait3A_118 = tpu.memref_slice %arg9[%add3A_91, %dma_wait3A_117] : memref<10016x128xf32, #tpu.memory_space<vmem_shared>> -> memref<112x128xf32, #tpu.memory_space<vmem_shared>>
        %dma_wait3A_119 = arith.constant 0 : i32
        %dma_wait3A_120 = tpu.memref_slice %arg9[%add3A_91, %dma_wait3A_119] : memref<10016x128xf32, #tpu.memory_space<vmem_shared>> -> memref<112x128xf32, #tpu.memory_space<vmem_shared>>
        %dma_wait3A_121 = arith.constant 0 : i32
        %dma_wait3A_122 = arith.constant 0 : i32
        %dma_wait3A_123 = tpu.memref_slice %arg8[%cond3A, %dma_wait3A_121, %dma_wait3A_122] : memref<2x128x128xf32, #tpu.memory_space<vmem>> -> memref<1x128x128xf32, #tpu.memory_space<vmem>>
        %dma_wait3A_124 = tpu.memref_squeeze %dma_wait3A_123 : memref<1x128x128xf32, #tpu.memory_space<vmem>> -> memref<128x128xf32, #tpu.memory_space<vmem>>
        %dma_wait3A_125 = arith.constant 0 : i32
        %dma_wait3A_126 = arith.constant 0 : i32
        %dma_wait3A_127 = tpu.memref_slice %dma_wait3A_124[%dma_wait3A_125, %dma_wait3A_126] : memref<128x128xf32, #tpu.memory_space<vmem>> -> memref<112x128xf32, #tpu.memory_space<vmem>>
        tpu.wait_dma2 semaphore(%run_scoped3A_92 : memref<!tpu.dma_semaphore, #tpu.memory_space<semaphore_mem>>) src(%dma_wait3A_127 : memref<112x128xf32, #tpu.memory_space<vmem>>) dst(%dma_wait3A_120 : memref<112x128xf32, #tpu.memory_space<vmem_shared>>)
        tpu.yield
      }) : () -> ()
    } else {
    }
    %eq3A = arith.constant 15 : i32
    %eq3A_27 = arith.cmpi eq, %arg1, %eq3A : i32
    %convert_element_type3A_28 = arith.extui %eq3A_27 : i1 to i32
    %cond3A_29 = arith.constant 0 : i32
    %cond3A_30 = arith.constant 0 : i32
    %cond3A_31 = arith.cmpi ne, %convert_element_type3A_28, %cond3A_30 : i32
    scf.if %cond3A_31 {
      %add3A_90 = arith.constant 512 : i32
      %add3A_91 = arith.addi %mul3A_12, %add3A_90 : i32
      "tpu.region"() ({
        %run_scoped3A_92 = tpu.sem_alloc : memref<!tpu.dma_semaphore, #tpu.memory_space<semaphore_mem>>
        %dma_start3A_93 = arith.constant 0 : i32
        %dma_start3A_94 = arith.constant 0 : i32
        %dma_start3A_95 = tpu.memref_slice %arg8[%cond3A_29, %dma_start3A_93, %dma_start3A_94] : memref<2x128x128xf32, #tpu.memory_space<vmem>> -> memref<1x128x128xf32, #tpu.memory_space<vmem>>
        %dma_start3A_96 = tpu.memref_squeeze %dma_start3A_95 : memref<1x128x128xf32, #tpu.memory_space<vmem>> -> memref<128x128xf32, #tpu.memory_space<vmem>>
        %dma_start3A_97 = arith.constant 0 : i32
        %dma_start3A_98 = tpu.memref_slice %arg9[%add3A_91, %dma_start3A_97] : memref<10016x128xf32, #tpu.memory_space<vmem_shared>> -> memref<128x128xf32, #tpu.memory_space<vmem_shared>>
        %dma_start3A_99 = arith.constant 0 : i32
        %dma_start3A_100 = tpu.memref_slice %arg9[%add3A_91, %dma_start3A_99] : memref<10016x128xf32, #tpu.memory_space<vmem_shared>> -> memref<128x128xf32, #tpu.memory_space<vmem_shared>>
        %dma_start3A_101 = arith.constant 0 : i32
        %dma_start3A_102 = arith.constant 0 : i32
        %dma_start3A_103 = tpu.memref_slice %arg8[%cond3A_29, %dma_start3A_101, %dma_start3A_102] : memref<2x128x128xf32, #tpu.memory_space<vmem>> -> memref<1x128x128xf32, #tpu.memory_space<vmem>>
        %dma_start3A_104 = tpu.memref_squeeze %dma_start3A_103 : memref<1x128x128xf32, #tpu.memory_space<vmem>> -> memref<128x128xf32, #tpu.memory_space<vmem>>
        tpu.enqueue_dma source(%dma_start3A_104 : memref<128x128xf32, #tpu.memory_space<vmem>>) target(%dma_start3A_100 : memref<128x128xf32, #tpu.memory_space<vmem_shared>>) target_semaphore(%run_scoped3A_92 : memref<!tpu.dma_semaphore, #tpu.memory_space<semaphore_mem>>)
        %dma_wait3A = arith.constant 0 : i32
        %dma_wait3A_105 = arith.constant 0 : i32
        %dma_wait3A_106 = tpu.memref_slice %arg8[%cond3A_29, %dma_wait3A, %dma_wait3A_105] : memref<2x128x128xf32, #tpu.memory_space<vmem>> -> memref<1x128x128xf32, #tpu.memory_space<vmem>>
        %dma_wait3A_107 = tpu.memref_squeeze %dma_wait3A_106 : memref<1x128x128xf32, #tpu.memory_space<vmem>> -> memref<128x128xf32, #tpu.memory_space<vmem>>
        %dma_wait3A_108 = arith.constant 0 : i32
        %dma_wait3A_109 = tpu.memref_slice %arg9[%add3A_91, %dma_wait3A_108] : memref<10016x128xf32, #tpu.memory_space<vmem_shared>> -> memref<128x128xf32, #tpu.memory_space<vmem_shared>>
        %dma_wait3A_110 = arith.constant 0 : i32
        %dma_wait3A_111 = tpu.memref_slice %arg9[%add3A_91, %dma_wait3A_110] : memref<10016x128xf32, #tpu.memory_space<vmem_shared>> -> memref<128x128xf32, #tpu.memory_space<vmem_shared>>
        %dma_wait3A_112 = arith.constant 0 : i32
        %dma_wait3A_113 = arith.constant 0 : i32
        %dma_wait3A_114 = tpu.memref_slice %arg8[%cond3A_29, %dma_wait3A_112, %dma_wait3A_113] : memref<2x128x128xf32, #tpu.memory_space<vmem>> -> memref<1x128x128xf32, #tpu.memory_space<vmem>>
        %dma_wait3A_115 = tpu.memref_squeeze %dma_wait3A_114 : memref<1x128x128xf32, #tpu.memory_space<vmem>> -> memref<128x128xf32, #tpu.memory_space<vmem>>
        tpu.wait_dma2 semaphore(%run_scoped3A_92 : memref<!tpu.dma_semaphore, #tpu.memory_space<semaphore_mem>>) src(%dma_wait3A_115 : memref<128x128xf32, #tpu.memory_space<vmem>>) dst(%dma_wait3A_111 : memref<128x128xf32, #tpu.memory_space<vmem_shared>>)
        tpu.yield
      }) : () -> ()
    } else {
    }
    %barrier3A = arith.constant 0 : index
    tpu.barrier barrier_id(%barrier3A)
    %add3A_32 = arith.constant 0 : i32
    %add3A_33 = arith.addi %mul3A_2, %add3A_32 : i32
    "tpu.region"() ({
      %run_scoped3A_90 = tpu.sem_alloc : memref<!tpu.dma_semaphore, #tpu.memory_space<semaphore_mem>>
      %dma_start3A_91 = arith.constant 0 : i32
      %dma_start3A_92 = tpu.memref_slice %arg3[%add3A_33, %dma_start3A_91] : memref<2560x128xi32, #tpu.memory_space<hbm>> -> memref<40x128xi32, #tpu.memory_space<hbm>>
      %dma_start3A_93 = arith.constant 0 : i32
      %dma_start3A_94 = tpu.memref_slice %arg3[%add3A_33, %dma_start3A_93] : memref<2560x128xi32, #tpu.memory_space<hbm>> -> memref<40x128xi32, #tpu.memory_space<hbm>>
      tpu.enqueue_dma source(%dma_start3A_94 : memref<40x128xi32, #tpu.memory_space<hbm>>) target(%arg6 : memref<40x128xi32, #tpu.memory_space<vmem>>) target_semaphore(%run_scoped3A_90 : memref<!tpu.dma_semaphore, #tpu.memory_space<semaphore_mem>>)
      %dma_wait3A = arith.constant 0 : i32
      %dma_wait3A_95 = tpu.memref_slice %arg3[%add3A_33, %dma_wait3A] : memref<2560x128xi32, #tpu.memory_space<hbm>> -> memref<40x128xi32, #tpu.memory_space<hbm>>
      %dma_wait3A_96 = arith.constant 0 : i32
      %dma_wait3A_97 = tpu.memref_slice %arg3[%add3A_33, %dma_wait3A_96] : memref<2560x128xi32, #tpu.memory_space<hbm>> -> memref<40x128xi32, #tpu.memory_space<hbm>>
      tpu.wait_dma2 semaphore(%run_scoped3A_90 : memref<!tpu.dma_semaphore, #tpu.memory_space<semaphore_mem>>) src(%dma_wait3A_97 : memref<40x128xi32, #tpu.memory_space<hbm>>) dst(%arg6 : memref<40x128xi32, #tpu.memory_space<vmem>>)
      tpu.yield
    }) : () -> ()
    %add3A_34 = arith.constant 0 : i32
    %add3A_35 = arith.addi %mul3A_2, %add3A_34 : i32
    "tpu.region"() ({
      %run_scoped3A_90 = tpu.sem_alloc : memref<!tpu.dma_semaphore, #tpu.memory_space<semaphore_mem>>
      %dma_start3A_91 = arith.constant 0 : i32
      %dma_start3A_92 = tpu.memref_slice %arg4[%add3A_35, %dma_start3A_91] : memref<2560x128xi32, #tpu.memory_space<hbm>> -> memref<40x128xi32, #tpu.memory_space<hbm>>
      %dma_start3A_93 = arith.constant 0 : i32
      %dma_start3A_94 = tpu.memref_slice %arg4[%add3A_35, %dma_start3A_93] : memref<2560x128xi32, #tpu.memory_space<hbm>> -> memref<40x128xi32, #tpu.memory_space<hbm>>
      tpu.enqueue_dma source(%dma_start3A_94 : memref<40x128xi32, #tpu.memory_space<hbm>>) target(%arg7 : memref<40x128xi32, #tpu.memory_space<vmem>>) target_semaphore(%run_scoped3A_90 : memref<!tpu.dma_semaphore, #tpu.memory_space<semaphore_mem>>)
      %dma_wait3A = arith.constant 0 : i32
      %dma_wait3A_95 = tpu.memref_slice %arg4[%add3A_35, %dma_wait3A] : memref<2560x128xi32, #tpu.memory_space<hbm>> -> memref<40x128xi32, #tpu.memory_space<hbm>>
      %dma_wait3A_96 = arith.constant 0 : i32
      %dma_wait3A_97 = tpu.memref_slice %arg4[%add3A_35, %dma_wait3A_96] : memref<2560x128xi32, #tpu.memory_space<hbm>> -> memref<40x128xi32, #tpu.memory_space<hbm>>
      tpu.wait_dma2 semaphore(%run_scoped3A_90 : memref<!tpu.dma_semaphore, #tpu.memory_space<semaphore_mem>>) src(%dma_wait3A_97 : memref<40x128xi32, #tpu.memory_space<hbm>>) dst(%arg7 : memref<40x128xi32, #tpu.memory_space<vmem>>)
      tpu.yield
    }) : () -> ()
    %dma_start3A = arith.constant 0 : i32
    %dma_start3A_36 = arith.constant 0 : i32
    %dma_start3A_37 = arith.constant 0 : i32
    %dma_start3A_38 = arith.constant 0 : i32
    %dma_start3A_39 = tpu.memref_slice %arg8[%dma_start3A_36, %dma_start3A_37, %dma_start3A_38] : memref<2x128x128xf32, #tpu.memory_space<vmem>> -> memref<1x128x128xf32, #tpu.memory_space<vmem>>
    %dma_start3A_40 = tpu.memref_squeeze %dma_start3A_39 : memref<1x128x128xf32, #tpu.memory_space<vmem>> -> memref<128x128xf32, #tpu.memory_space<vmem>>
    %dma_start3A_41 = arith.constant 0 : i32
    %dma_start3A_42 = tpu.memref_slice %arg6[%dma_start3A, %dma_start3A_41] : memref<40x128xi32, #tpu.memory_space<vmem>> -> memref<1x128xi32, #tpu.memory_space<vmem>>
    %dma_start3A_43 = tpu.memref_squeeze %dma_start3A_42 : memref<1x128xi32, #tpu.memory_space<vmem>> -> memref<128xi32, #tpu.memory_space<vmem>>
    %dma_start3A_44 = arith.constant 0 : i32
    %dma_start3A_45 = arith.constant 0 : i32
    %dma_start3A_46 = tpu.memref_slice %arg2[%dma_start3A_44, %dma_start3A_45] : memref<10000x128xf32, #tpu.memory_space<hbm>> -> memref<10000x128xf32, #tpu.memory_space<hbm>>
    tpu.enqueue_indirect_dma source(%dma_start3A_46 : memref<10000x128xf32, #tpu.memory_space<hbm>>) target(%dma_start3A_40 : memref<128x128xf32, #tpu.memory_space<vmem>>) offsets(%dma_start3A_43 : memref<128xi32, #tpu.memory_space<vmem>>) semaphore(%arg10 : memref<!tpu.dma_semaphore, #tpu.memory_space<semaphore_mem>>)
    %scan3A_47 = arith.constant 0 : i32
    %scan3A_48 = arith.constant 0 : i32
    %scan3A_49 = arith.constant 40 : i32
    %scan3A_50 = arith.addi %scan3A_48, %scan3A_49 : i32
    %scan3A_51 = arith.constant 1 : i32
    %scan3A_52 = scf.for %scan3A_90 = %scan3A_48 to %scan3A_50 step %scan3A_51 iter_args(%scan3A_91 = %scan3A_47) -> (i32)  : i32 {
      %rem3A = arith.constant 2 : i32
      %rem3A_92 = arith.remsi %scan3A_90, %rem3A : i32
      %dma_wait3A = arith.constant 0 : i32
      %dma_wait3A_93 = arith.constant 0 : i32
      %dma_wait3A_94 = tpu.memref_slice %arg8[%rem3A_92, %dma_wait3A, %dma_wait3A_93] : memref<2x128x128xf32, #tpu.memory_space<vmem>> -> memref<1x128x128xf32, #tpu.memory_space<vmem>>
      %dma_wait3A_95 = tpu.memref_squeeze %dma_wait3A_94 : memref<1x128x128xf32, #tpu.memory_space<vmem>> -> memref<128x128xf32, #tpu.memory_space<vmem>>
      %dma_wait3A_96 = arith.constant 0 : i32
      %dma_wait3A_97 = tpu.memref_slice %arg6[%scan3A_90, %dma_wait3A_96] : memref<40x128xi32, #tpu.memory_space<vmem>> -> memref<1x128xi32, #tpu.memory_space<vmem>>
      %dma_wait3A_98 = tpu.memref_squeeze %dma_wait3A_97 : memref<1x128xi32, #tpu.memory_space<vmem>> -> memref<128xi32, #tpu.memory_space<vmem>>
      %dma_wait3A_99 = arith.constant 0 : i32
      %dma_wait3A_100 = arith.constant 0 : i32
      %dma_wait3A_101 = tpu.memref_slice %arg2[%dma_wait3A_99, %dma_wait3A_100] : memref<10000x128xf32, #tpu.memory_space<hbm>> -> memref<10000x128xf32, #tpu.memory_space<hbm>>
      tpu.wait_indirect_dma semaphore(%arg10 : memref<!tpu.dma_semaphore, #tpu.memory_space<semaphore_mem>>) src(%dma_wait3A_101 : memref<10000x128xf32, #tpu.memory_space<hbm>>) dst(%dma_wait3A_95 : memref<128x128xf32, #tpu.memory_space<vmem>>)
      %add3A_102 = arith.constant 1 : i32
      %add3A_103 = arith.addi %scan3A_90, %add3A_102 : i32
      %lt3A_104 = arith.constant 40 : i32
      %lt3A_105 = arith.cmpi slt, %add3A_103, %lt3A_104 : i32
      %convert_element_type3A_106 = arith.extui %lt3A_105 : i1 to i32
      %cond3A_107 = arith.constant 0 : i32
      %cond3A_108 = arith.cmpi ne, %convert_element_type3A_106, %cond3A_107 : i32
      scf.if %cond3A_108 {
        %add3A_110 = arith.constant 1 : i32
        %add3A_111 = arith.addi %scan3A_90, %add3A_110 : i32
        %sub3A = arith.constant 1 : i32
        %sub3A_112 = arith.subi %sub3A, %rem3A_92 : i32
        %dma_start3A_113 = arith.constant 0 : i32
        %dma_start3A_114 = arith.constant 0 : i32
        %dma_start3A_115 = tpu.memref_slice %arg8[%sub3A_112, %dma_start3A_113, %dma_start3A_114] : memref<2x128x128xf32, #tpu.memory_space<vmem>> -> memref<1x128x128xf32, #tpu.memory_space<vmem>>
        %dma_start3A_116 = tpu.memref_squeeze %dma_start3A_115 : memref<1x128x128xf32, #tpu.memory_space<vmem>> -> memref<128x128xf32, #tpu.memory_space<vmem>>
        %dma_start3A_117 = arith.constant 0 : i32
        %dma_start3A_118 = tpu.memref_slice %arg6[%add3A_111, %dma_start3A_117] : memref<40x128xi32, #tpu.memory_space<vmem>> -> memref<1x128xi32, #tpu.memory_space<vmem>>
        %dma_start3A_119 = tpu.memref_squeeze %dma_start3A_118 : memref<1x128xi32, #tpu.memory_space<vmem>> -> memref<128xi32, #tpu.memory_space<vmem>>
        %dma_start3A_120 = arith.constant 0 : i32
        %dma_start3A_121 = arith.constant 0 : i32
        %dma_start3A_122 = tpu.memref_slice %arg2[%dma_start3A_120, %dma_start3A_121] : memref<10000x128xf32, #tpu.memory_space<hbm>> -> memref<10000x128xf32, #tpu.memory_space<hbm>>
        tpu.enqueue_indirect_dma source(%dma_start3A_122 : memref<10000x128xf32, #tpu.memory_space<hbm>>) target(%dma_start3A_116 : memref<128x128xf32, #tpu.memory_space<vmem>>) offsets(%dma_start3A_119 : memref<128xi32, #tpu.memory_space<vmem>>) semaphore(%arg10 : memref<!tpu.dma_semaphore, #tpu.memory_space<semaphore_mem>>)
      } else {
      }
      "tpu.region"() ({
        %run_scoped3A_110 = tpu.sem_alloc : memref<!tpu.dma_semaphore, #tpu.memory_space<semaphore_mem>>
        %dma_start3A_111 = arith.constant 0 : i32
        %dma_start3A_112 = arith.constant 0 : i32
        %dma_start3A_113 = tpu.memref_slice %arg8[%rem3A_92, %dma_start3A_111, %dma_start3A_112] : memref<2x128x128xf32, #tpu.memory_space<vmem>> -> memref<1x128x128xf32, #tpu.memory_space<vmem>>
        %dma_start3A_114 = tpu.memref_squeeze %dma_start3A_113 : memref<1x128x128xf32, #tpu.memory_space<vmem>> -> memref<128x128xf32, #tpu.memory_space<vmem>>
        %dma_start3A_115 = arith.constant 0 : i32
        %dma_start3A_116 = tpu.memref_slice %arg7[%scan3A_90, %dma_start3A_115] : memref<40x128xi32, #tpu.memory_space<vmem>> -> memref<1x128xi32, #tpu.memory_space<vmem>>
        %dma_start3A_117 = tpu.memref_squeeze %dma_start3A_116 : memref<1x128xi32, #tpu.memory_space<vmem>> -> memref<128xi32, #tpu.memory_space<vmem>>
        %dma_start3A_118 = arith.constant 0 : i32
        %dma_start3A_119 = arith.constant 0 : i32
        %dma_start3A_120 = tpu.memref_slice %arg9[%dma_start3A_118, %dma_start3A_119] : memref<10016x128xf32, #tpu.memory_space<vmem_shared>> -> memref<10016x128xf32, #tpu.memory_space<vmem_shared>>
        tpu.enqueue_indirect_dma source(%dma_start3A_114 : memref<128x128xf32, #tpu.memory_space<vmem>>) target(%dma_start3A_120 : memref<10016x128xf32, #tpu.memory_space<vmem_shared>>) offsets(%dma_start3A_117 : memref<128xi32, #tpu.memory_space<vmem>>) semaphore(%run_scoped3A_110 : memref<!tpu.dma_semaphore, #tpu.memory_space<semaphore_mem>>) {add = true}
        %dma_wait3A_121 = arith.constant 0 : i32
        %dma_wait3A_122 = arith.constant 0 : i32
        %dma_wait3A_123 = tpu.memref_slice %arg8[%rem3A_92, %dma_wait3A_121, %dma_wait3A_122] : memref<2x128x128xf32, #tpu.memory_space<vmem>> -> memref<1x128x128xf32, #tpu.memory_space<vmem>>
        %dma_wait3A_124 = tpu.memref_squeeze %dma_wait3A_123 : memref<1x128x128xf32, #tpu.memory_space<vmem>> -> memref<128x128xf32, #tpu.memory_space<vmem>>
        %dma_wait3A_125 = arith.constant 0 : i32
        %dma_wait3A_126 = tpu.memref_slice %arg7[%scan3A_90, %dma_wait3A_125] : memref<40x128xi32, #tpu.memory_space<vmem>> -> memref<1x128xi32, #tpu.memory_space<vmem>>
        %dma_wait3A_127 = tpu.memref_squeeze %dma_wait3A_126 : memref<1x128xi32, #tpu.memory_space<vmem>> -> memref<128xi32, #tpu.memory_space<vmem>>
        %dma_wait3A_128 = arith.constant 0 : i32
        %dma_wait3A_129 = arith.constant 0 : i32
        %dma_wait3A_130 = tpu.memref_slice %arg9[%dma_wait3A_128, %dma_wait3A_129] : memref<10016x128xf32, #tpu.memory_space<vmem_shared>> -> memref<10016x128xf32, #tpu.memory_space<vmem_shared>>
        tpu.wait_indirect_dma semaphore(%run_scoped3A_110 : memref<!tpu.dma_semaphore, #tpu.memory_space<semaphore_mem>>) src(%dma_wait3A_124 : memref<128x128xf32, #tpu.memory_space<vmem>>) dst(%dma_wait3A_130 : memref<10016x128xf32, #tpu.memory_space<vmem_shared>>)
        tpu.yield
      }) : () -> ()
      %scan3A_109 = arith.constant 0 : i32
      scf.yield %scan3A_109 : i32
    }
    %scan3A_53 = arith.constant 40 : i32
    %add3A_54 = arith.constant 40 : i32
    %add3A_55 = arith.addi %mul3A_2, %add3A_54 : i32
    "tpu.region"() ({
      %run_scoped3A_90 = tpu.sem_alloc : memref<!tpu.dma_semaphore, #tpu.memory_space<semaphore_mem>>
      %dma_start3A_91 = arith.constant 0 : i32
      %dma_start3A_92 = tpu.memref_slice %arg3[%add3A_55, %dma_start3A_91] : memref<2560x128xi32, #tpu.memory_space<hbm>> -> memref<40x128xi32, #tpu.memory_space<hbm>>
      %dma_start3A_93 = arith.constant 0 : i32
      %dma_start3A_94 = tpu.memref_slice %arg3[%add3A_55, %dma_start3A_93] : memref<2560x128xi32, #tpu.memory_space<hbm>> -> memref<40x128xi32, #tpu.memory_space<hbm>>
      tpu.enqueue_dma source(%dma_start3A_94 : memref<40x128xi32, #tpu.memory_space<hbm>>) target(%arg6 : memref<40x128xi32, #tpu.memory_space<vmem>>) target_semaphore(%run_scoped3A_90 : memref<!tpu.dma_semaphore, #tpu.memory_space<semaphore_mem>>)
      %dma_wait3A = arith.constant 0 : i32
      %dma_wait3A_95 = tpu.memref_slice %arg3[%add3A_55, %dma_wait3A] : memref<2560x128xi32, #tpu.memory_space<hbm>> -> memref<40x128xi32, #tpu.memory_space<hbm>>
      %dma_wait3A_96 = arith.constant 0 : i32
      %dma_wait3A_97 = tpu.memref_slice %arg3[%add3A_55, %dma_wait3A_96] : memref<2560x128xi32, #tpu.memory_space<hbm>> -> memref<40x128xi32, #tpu.memory_space<hbm>>
      tpu.wait_dma2 semaphore(%run_scoped3A_90 : memref<!tpu.dma_semaphore, #tpu.memory_space<semaphore_mem>>) src(%dma_wait3A_97 : memref<40x128xi32, #tpu.memory_space<hbm>>) dst(%arg6 : memref<40x128xi32, #tpu.memory_space<vmem>>)
      tpu.yield
    }) : () -> ()
    %add3A_56 = arith.constant 40 : i32
    %add3A_57 = arith.addi %mul3A_2, %add3A_56 : i32
    "tpu.region"() ({
      %run_scoped3A_90 = tpu.sem_alloc : memref<!tpu.dma_semaphore, #tpu.memory_space<semaphore_mem>>
      %dma_start3A_91 = arith.constant 0 : i32
      %dma_start3A_92 = tpu.memref_slice %arg4[%add3A_57, %dma_start3A_91] : memref<2560x128xi32, #tpu.memory_space<hbm>> -> memref<40x128xi32, #tpu.memory_space<hbm>>
      %dma_start3A_93 = arith.constant 0 : i32
      %dma_start3A_94 = tpu.memref_slice %arg4[%add3A_57, %dma_start3A_93] : memref<2560x128xi32, #tpu.memory_space<hbm>> -> memref<40x128xi32, #tpu.memory_space<hbm>>
      tpu.enqueue_dma source(%dma_start3A_94 : memref<40x128xi32, #tpu.memory_space<hbm>>) target(%arg7 : memref<40x128xi32, #tpu.memory_space<vmem>>) target_semaphore(%run_scoped3A_90 : memref<!tpu.dma_semaphore, #tpu.memory_space<semaphore_mem>>)
      %dma_wait3A = arith.constant 0 : i32
      %dma_wait3A_95 = tpu.memref_slice %arg4[%add3A_57, %dma_wait3A] : memref<2560x128xi32, #tpu.memory_space<hbm>> -> memref<40x128xi32, #tpu.memory_space<hbm>>
      %dma_wait3A_96 = arith.constant 0 : i32
      %dma_wait3A_97 = tpu.memref_slice %arg4[%add3A_57, %dma_wait3A_96] : memref<2560x128xi32, #tpu.memory_space<hbm>> -> memref<40x128xi32, #tpu.memory_space<hbm>>
      tpu.wait_dma2 semaphore(%run_scoped3A_90 : memref<!tpu.dma_semaphore, #tpu.memory_space<semaphore_mem>>) src(%dma_wait3A_97 : memref<40x128xi32, #tpu.memory_space<hbm>>) dst(%arg7 : memref<40x128xi32, #tpu.memory_space<vmem>>)
      tpu.yield
    }) : () -> ()
    %dma_start3A_58 = arith.constant 0 : i32
    %dma_start3A_59 = arith.constant 0 : i32
    %dma_start3A_60 = arith.constant 0 : i32
    %dma_start3A_61 = arith.constant 0 : i32
    %dma_start3A_62 = tpu.memref_slice %arg8[%dma_start3A_59, %dma_start3A_60, %dma_start3A_61] : memref<2x128x128xf32, #tpu.memory_space<vmem>> -> memref<1x128x128xf32, #tpu.memory_space<vmem>>
    %dma_start3A_63 = tpu.memref_squeeze %dma_start3A_62 : memref<1x128x128xf32, #tpu.memory_space<vmem>> -> memref<128x128xf32, #tpu.memory_space<vmem>>
    %dma_start3A_64 = arith.constant 0 : i32
    %dma_start3A_65 = tpu.memref_slice %arg6[%dma_start3A_58, %dma_start3A_64] : memref<40x128xi32, #tpu.memory_space<vmem>> -> memref<1x128xi32, #tpu.memory_space<vmem>>
    %dma_start3A_66 = tpu.memref_squeeze %dma_start3A_65 : memref<1x128xi32, #tpu.memory_space<vmem>> -> memref<128xi32, #tpu.memory_space<vmem>>
    %dma_start3A_67 = arith.constant 0 : i32
    %dma_start3A_68 = arith.constant 0 : i32
    %dma_start3A_69 = tpu.memref_slice %arg2[%dma_start3A_67, %dma_start3A_68] : memref<10000x128xf32, #tpu.memory_space<hbm>> -> memref<10000x128xf32, #tpu.memory_space<hbm>>
    tpu.enqueue_indirect_dma source(%dma_start3A_69 : memref<10000x128xf32, #tpu.memory_space<hbm>>) target(%dma_start3A_63 : memref<128x128xf32, #tpu.memory_space<vmem>>) offsets(%dma_start3A_66 : memref<128xi32, #tpu.memory_space<vmem>>) semaphore(%arg10 : memref<!tpu.dma_semaphore, #tpu.memory_space<semaphore_mem>>)
    %scan3A_70 = arith.constant 0 : i32
    %scan3A_71 = arith.constant 0 : i32
    %scan3A_72 = arith.constant 40 : i32
    %scan3A_73 = arith.addi %scan3A_71, %scan3A_72 : i32
    %scan3A_74 = arith.constant 1 : i32
    %scan3A_75 = scf.for %scan3A_90 = %scan3A_71 to %scan3A_73 step %scan3A_74 iter_args(%scan3A_91 = %scan3A_70) -> (i32)  : i32 {
      %rem3A = arith.constant 2 : i32
      %rem3A_92 = arith.remsi %scan3A_90, %rem3A : i32
      %dma_wait3A = arith.constant 0 : i32
      %dma_wait3A_93 = arith.constant 0 : i32
      %dma_wait3A_94 = tpu.memref_slice %arg8[%rem3A_92, %dma_wait3A, %dma_wait3A_93] : memref<2x128x128xf32, #tpu.memory_space<vmem>> -> memref<1x128x128xf32, #tpu.memory_space<vmem>>
      %dma_wait3A_95 = tpu.memref_squeeze %dma_wait3A_94 : memref<1x128x128xf32, #tpu.memory_space<vmem>> -> memref<128x128xf32, #tpu.memory_space<vmem>>
      %dma_wait3A_96 = arith.constant 0 : i32
      %dma_wait3A_97 = tpu.memref_slice %arg6[%scan3A_90, %dma_wait3A_96] : memref<40x128xi32, #tpu.memory_space<vmem>> -> memref<1x128xi32, #tpu.memory_space<vmem>>
      %dma_wait3A_98 = tpu.memref_squeeze %dma_wait3A_97 : memref<1x128xi32, #tpu.memory_space<vmem>> -> memref<128xi32, #tpu.memory_space<vmem>>
      %dma_wait3A_99 = arith.constant 0 : i32
      %dma_wait3A_100 = arith.constant 0 : i32
      %dma_wait3A_101 = tpu.memref_slice %arg2[%dma_wait3A_99, %dma_wait3A_100] : memref<10000x128xf32, #tpu.memory_space<hbm>> -> memref<10000x128xf32, #tpu.memory_space<hbm>>
      tpu.wait_indirect_dma semaphore(%arg10 : memref<!tpu.dma_semaphore, #tpu.memory_space<semaphore_mem>>) src(%dma_wait3A_101 : memref<10000x128xf32, #tpu.memory_space<hbm>>) dst(%dma_wait3A_95 : memref<128x128xf32, #tpu.memory_space<vmem>>)
      %add3A_102 = arith.constant 1 : i32
      %add3A_103 = arith.addi %scan3A_90, %add3A_102 : i32
      %lt3A_104 = arith.constant 40 : i32
      %lt3A_105 = arith.cmpi slt, %add3A_103, %lt3A_104 : i32
      %convert_element_type3A_106 = arith.extui %lt3A_105 : i1 to i32
      %cond3A_107 = arith.constant 0 : i32
      %cond3A_108 = arith.cmpi ne, %convert_element_type3A_106, %cond3A_107 : i32
      scf.if %cond3A_108 {
        %add3A_110 = arith.constant 1 : i32
        %add3A_111 = arith.addi %scan3A_90, %add3A_110 : i32
        %sub3A = arith.constant 1 : i32
        %sub3A_112 = arith.subi %sub3A, %rem3A_92 : i32
        %dma_start3A_113 = arith.constant 0 : i32
        %dma_start3A_114 = arith.constant 0 : i32
        %dma_start3A_115 = tpu.memref_slice %arg8[%sub3A_112, %dma_start3A_113, %dma_start3A_114] : memref<2x128x128xf32, #tpu.memory_space<vmem>> -> memref<1x128x128xf32, #tpu.memory_space<vmem>>
        %dma_start3A_116 = tpu.memref_squeeze %dma_start3A_115 : memref<1x128x128xf32, #tpu.memory_space<vmem>> -> memref<128x128xf32, #tpu.memory_space<vmem>>
        %dma_start3A_117 = arith.constant 0 : i32
        %dma_start3A_118 = tpu.memref_slice %arg6[%add3A_111, %dma_start3A_117] : memref<40x128xi32, #tpu.memory_space<vmem>> -> memref<1x128xi32, #tpu.memory_space<vmem>>
        %dma_start3A_119 = tpu.memref_squeeze %dma_start3A_118 : memref<1x128xi32, #tpu.memory_space<vmem>> -> memref<128xi32, #tpu.memory_space<vmem>>
        %dma_start3A_120 = arith.constant 0 : i32
        %dma_start3A_121 = arith.constant 0 : i32
        %dma_start3A_122 = tpu.memref_slice %arg2[%dma_start3A_120, %dma_start3A_121] : memref<10000x128xf32, #tpu.memory_space<hbm>> -> memref<10000x128xf32, #tpu.memory_space<hbm>>
        tpu.enqueue_indirect_dma source(%dma_start3A_122 : memref<10000x128xf32, #tpu.memory_space<hbm>>) target(%dma_start3A_116 : memref<128x128xf32, #tpu.memory_space<vmem>>) offsets(%dma_start3A_119 : memref<128xi32, #tpu.memory_space<vmem>>) semaphore(%arg10 : memref<!tpu.dma_semaphore, #tpu.memory_space<semaphore_mem>>)
      } else {
      }
      "tpu.region"() ({
        %run_scoped3A_110 = tpu.sem_alloc : memref<!tpu.dma_semaphore, #tpu.memory_space<semaphore_mem>>
        %dma_start3A_111 = arith.constant 0 : i32
        %dma_start3A_112 = arith.constant 0 : i32
        %dma_start3A_113 = tpu.memref_slice %arg8[%rem3A_92, %dma_start3A_111, %dma_start3A_112] : memref<2x128x128xf32, #tpu.memory_space<vmem>> -> memref<1x128x128xf32, #tpu.memory_space<vmem>>
        %dma_start3A_114 = tpu.memref_squeeze %dma_start3A_113 : memref<1x128x128xf32, #tpu.memory_space<vmem>> -> memref<128x128xf32, #tpu.memory_space<vmem>>
        %dma_start3A_115 = arith.constant 0 : i32
        %dma_start3A_116 = tpu.memref_slice %arg7[%scan3A_90, %dma_start3A_115] : memref<40x128xi32, #tpu.memory_space<vmem>> -> memref<1x128xi32, #tpu.memory_space<vmem>>
        %dma_start3A_117 = tpu.memref_squeeze %dma_start3A_116 : memref<1x128xi32, #tpu.memory_space<vmem>> -> memref<128xi32, #tpu.memory_space<vmem>>
        %dma_start3A_118 = arith.constant 0 : i32
        %dma_start3A_119 = arith.constant 0 : i32
        %dma_start3A_120 = tpu.memref_slice %arg9[%dma_start3A_118, %dma_start3A_119] : memref<10016x128xf32, #tpu.memory_space<vmem_shared>> -> memref<10016x128xf32, #tpu.memory_space<vmem_shared>>
        tpu.enqueue_indirect_dma source(%dma_start3A_114 : memref<128x128xf32, #tpu.memory_space<vmem>>) target(%dma_start3A_120 : memref<10016x128xf32, #tpu.memory_space<vmem_shared>>) offsets(%dma_start3A_117 : memref<128xi32, #tpu.memory_space<vmem>>) semaphore(%run_scoped3A_110 : memref<!tpu.dma_semaphore, #tpu.memory_space<semaphore_mem>>) {add = true}
        %dma_wait3A_121 = arith.constant 0 : i32
        %dma_wait3A_122 = arith.constant 0 : i32
        %dma_wait3A_123 = tpu.memref_slice %arg8[%rem3A_92, %dma_wait3A_121, %dma_wait3A_122] : memref<2x128x128xf32, #tpu.memory_space<vmem>> -> memref<1x128x128xf32, #tpu.memory_space<vmem>>
        %dma_wait3A_124 = tpu.memref_squeeze %dma_wait3A_123 : memref<1x128x128xf32, #tpu.memory_space<vmem>> -> memref<128x128xf32, #tpu.memory_space<vmem>>
        %dma_wait3A_125 = arith.constant 0 : i32
        %dma_wait3A_126 = tpu.memref_slice %arg7[%scan3A_90, %dma_wait3A_125] : memref<40x128xi32, #tpu.memory_space<vmem>> -> memref<1x128xi32, #tpu.memory_space<vmem>>
        %dma_wait3A_127 = tpu.memref_squeeze %dma_wait3A_126 : memref<1x128xi32, #tpu.memory_space<vmem>> -> memref<128xi32, #tpu.memory_space<vmem>>
        %dma_wait3A_128 = arith.constant 0 : i32
        %dma_wait3A_129 = arith.constant 0 : i32
        %dma_wait3A_130 = tpu.memref_slice %arg9[%dma_wait3A_128, %dma_wait3A_129] : memref<10016x128xf32, #tpu.memory_space<vmem_shared>> -> memref<10016x128xf32, #tpu.memory_space<vmem_shared>>
        tpu.wait_indirect_dma semaphore(%run_scoped3A_110 : memref<!tpu.dma_semaphore, #tpu.memory_space<semaphore_mem>>) src(%dma_wait3A_124 : memref<128x128xf32, #tpu.memory_space<vmem>>) dst(%dma_wait3A_130 : memref<10016x128xf32, #tpu.memory_space<vmem_shared>>)
        tpu.yield
      }) : () -> ()
      %scan3A_109 = arith.constant 0 : i32
      scf.yield %scan3A_109 : i32
    }
    %scan3A_76 = arith.constant 40 : i32
    %barrier3A_77 = arith.constant 0 : index
    tpu.barrier barrier_id(%barrier3A_77)
    %mul3A_78 = arith.constant 624 : i32
    %mul3A_79 = arith.muli %arg1, %mul3A_78 : i32
    %lt3A_80 = arith.constant 15 : i32
    %lt3A_81 = arith.cmpi slt, %arg1, %lt3A_80 : i32
    %convert_element_type3A_82 = arith.extui %lt3A_81 : i1 to i32
    %cond3A_83 = arith.constant 0 : i32
    %cond3A_84 = arith.cmpi ne, %convert_element_type3A_82, %cond3A_83 : i32
    scf.if %cond3A_84 {
      "tpu.region"() ({
        %run_scoped3A_90 = tpu.sem_alloc : memref<!tpu.dma_semaphore, #tpu.memory_space<semaphore_mem>>
        %dma_start3A_91 = arith.constant 0 : i32
        %dma_start3A_92 = tpu.memref_slice %arg5[%arg0, %mul3A_79, %dma_start3A_91] : memref<2x10000x128xf32, #tpu.memory_space<hbm>> -> memref<1x624x128xf32, #tpu.memory_space<hbm>>
        %dma_start3A_93 = tpu.memref_squeeze %dma_start3A_92 : memref<1x624x128xf32, #tpu.memory_space<hbm>> -> memref<624x128xf32, #tpu.memory_space<hbm>>
        %dma_start3A_94 = arith.constant 0 : i32
        %dma_start3A_95 = tpu.memref_slice %arg9[%mul3A_79, %dma_start3A_94] : memref<10016x128xf32, #tpu.memory_space<vmem_shared>> -> memref<624x128xf32, #tpu.memory_space<vmem_shared>>
        tpu.enqueue_dma source(%dma_start3A_95 : memref<624x128xf32, #tpu.memory_space<vmem_shared>>) target(%dma_start3A_93 : memref<624x128xf32, #tpu.memory_space<hbm>>) target_semaphore(%run_scoped3A_90 : memref<!tpu.dma_semaphore, #tpu.memory_space<semaphore_mem>>)
        %dma_wait3A = arith.constant 0 : i32
        %dma_wait3A_96 = tpu.memref_slice %arg5[%arg0, %mul3A_79, %dma_wait3A] : memref<2x10000x128xf32, #tpu.memory_space<hbm>> -> memref<1x624x128xf32, #tpu.memory_space<hbm>>
        %dma_wait3A_97 = tpu.memref_squeeze %dma_wait3A_96 : memref<1x624x128xf32, #tpu.memory_space<hbm>> -> memref<624x128xf32, #tpu.memory_space<hbm>>
        %dma_wait3A_98 = arith.constant 0 : i32
        %dma_wait3A_99 = tpu.memref_slice %arg9[%mul3A_79, %dma_wait3A_98] : memref<10016x128xf32, #tpu.memory_space<vmem_shared>> -> memref<624x128xf32, #tpu.memory_space<vmem_shared>>
        tpu.wait_dma2 semaphore(%run_scoped3A_90 : memref<!tpu.dma_semaphore, #tpu.memory_space<semaphore_mem>>) src(%dma_wait3A_99 : memref<624x128xf32, #tpu.memory_space<vmem_shared>>) dst(%dma_wait3A_97 : memref<624x128xf32, #tpu.memory_space<hbm>>)
        tpu.yield
      }) : () -> ()
    } else {
    }
    %eq3A_85 = arith.constant 15 : i32
    %eq3A_86 = arith.cmpi eq, %arg1, %eq3A_85 : i32
    %convert_element_type3A_87 = arith.extui %eq3A_86 : i1 to i32
    %cond3A_88 = arith.constant 0 : i32
    %cond3A_89 = arith.cmpi ne, %convert_element_type3A_87, %cond3A_88 : i32
    scf.if %cond3A_89 {
      "tpu.region"() ({
        %run_scoped3A_90 = tpu.sem_alloc : memref<!tpu.dma_semaphore, #tpu.memory_space<semaphore_mem>>
        %dma_start3A_91 = arith.constant 0 : i32
        %dma_start3A_92 = tpu.memref_slice %arg5[%arg0, %mul3A_79, %dma_start3A_91] : memref<2x10000x128xf32, #tpu.memory_space<hbm>> -> memref<1x640x128xf32, #tpu.memory_space<hbm>>
        %dma_start3A_93 = tpu.memref_squeeze %dma_start3A_92 : memref<1x640x128xf32, #tpu.memory_space<hbm>> -> memref<640x128xf32, #tpu.memory_space<hbm>>
        %dma_start3A_94 = arith.constant 0 : i32
        %dma_start3A_95 = tpu.memref_slice %arg9[%mul3A_79, %dma_start3A_94] : memref<10016x128xf32, #tpu.memory_space<vmem_shared>> -> memref<640x128xf32, #tpu.memory_space<vmem_shared>>
        tpu.enqueue_dma source(%dma_start3A_95 : memref<640x128xf32, #tpu.memory_space<vmem_shared>>) target(%dma_start3A_93 : memref<640x128xf32, #tpu.memory_space<hbm>>) target_semaphore(%run_scoped3A_90 : memref<!tpu.dma_semaphore, #tpu.memory_space<semaphore_mem>>)
        %dma_wait3A = arith.constant 0 : i32
        %dma_wait3A_96 = tpu.memref_slice %arg5[%arg0, %mul3A_79, %dma_wait3A] : memref<2x10000x128xf32, #tpu.memory_space<hbm>> -> memref<1x640x128xf32, #tpu.memory_space<hbm>>
        %dma_wait3A_97 = tpu.memref_squeeze %dma_wait3A_96 : memref<1x640x128xf32, #tpu.memory_space<hbm>> -> memref<640x128xf32, #tpu.memory_space<hbm>>
        %dma_wait3A_98 = arith.constant 0 : i32
        %dma_wait3A_99 = tpu.memref_slice %arg9[%mul3A_79, %dma_wait3A_98] : memref<10016x128xf32, #tpu.memory_space<vmem_shared>> -> memref<640x128xf32, #tpu.memory_space<vmem_shared>>
        tpu.wait_dma2 semaphore(%run_scoped3A_90 : memref<!tpu.dma_semaphore, #tpu.memory_space<semaphore_mem>>) src(%dma_wait3A_99 : memref<640x128xf32, #tpu.memory_space<vmem_shared>>) dst(%dma_wait3A_97 : memref<640x128xf32, #tpu.memory_space<hbm>>)
        tpu.yield
      }) : () -> ()
    } else {
    }
    return
  }
}

#map = affine_map<(d0, d1) -> (0, 0)>
#map1 = affine_map<(d0, d1) -> (0, 0, 0)>
module attributes {stable_mosaic.version = 14 : i64} {
  func.func @_sc_hist(%arg0: i32, %arg1: i32, %arg2: memref<2560x128xi32, #tpu.memory_space<hbm>>, %arg3: memref<2x10000x16xf32, #tpu.memory_space<hbm>>, %arg4: memref<80x128xi32, #tpu.memory_space<vmem>>, %arg5: memref<128x16xf32, #tpu.memory_space<vmem>>, %arg6: memref<128x16xf32, #tpu.memory_space<vmem>>, %arg7: memref<10016x16xf32, #tpu.memory_space<vmem_shared>>) attributes {dimension_semantics = [#tpu.dimension_semantics<core_parallel>, #tpu.dimension_semantics<subcore_parallel>], iteration_bounds = array<i64: 2, 16>, scalar_prefetch = 0 : i64, scratch_operands = 4 : i64, tpu.core_type = #tpu.core_type<sc_vector_subcore>, window_params = [{transform_indices = #map}, {transform_indices = #map1}]} {
    %mul3A = arith.constant 16 : i32
    %mul3A_0 = arith.muli %arg0, %mul3A : i32
    %add3A = arith.addi %mul3A_0, %arg1 : i32
    %mul3A_1 = arith.constant 80 : i32
    %mul3A_2 = arith.muli %add3A, %mul3A_1 : i32
    "tpu.region"() ({
      %run_scoped3A = tpu.sem_alloc : memref<!tpu.dma_semaphore, #tpu.memory_space<semaphore_mem>>
      %dma_start3A = arith.constant 0 : i32
      %dma_start3A_59 = tpu.memref_slice %arg2[%mul3A_2, %dma_start3A] : memref<2560x128xi32, #tpu.memory_space<hbm>> -> memref<80x128xi32, #tpu.memory_space<hbm>>
      %dma_start3A_60 = arith.constant 0 : i32
      %dma_start3A_61 = tpu.memref_slice %arg2[%mul3A_2, %dma_start3A_60] : memref<2560x128xi32, #tpu.memory_space<hbm>> -> memref<80x128xi32, #tpu.memory_space<hbm>>
      tpu.enqueue_dma source(%dma_start3A_61 : memref<80x128xi32, #tpu.memory_space<hbm>>) target(%arg4 : memref<80x128xi32, #tpu.memory_space<vmem>>) target_semaphore(%run_scoped3A : memref<!tpu.dma_semaphore, #tpu.memory_space<semaphore_mem>>)
      %dma_wait3A = arith.constant 0 : i32
      %dma_wait3A_62 = tpu.memref_slice %arg2[%mul3A_2, %dma_wait3A] : memref<2560x128xi32, #tpu.memory_space<hbm>> -> memref<80x128xi32, #tpu.memory_space<hbm>>
      %dma_wait3A_63 = arith.constant 0 : i32
      %dma_wait3A_64 = tpu.memref_slice %arg2[%mul3A_2, %dma_wait3A_63] : memref<2560x128xi32, #tpu.memory_space<hbm>> -> memref<80x128xi32, #tpu.memory_space<hbm>>
      tpu.wait_dma2 semaphore(%run_scoped3A : memref<!tpu.dma_semaphore, #tpu.memory_space<semaphore_mem>>) src(%dma_wait3A_64 : memref<80x128xi32, #tpu.memory_space<hbm>>) dst(%arg4 : memref<80x128xi32, #tpu.memory_space<vmem>>)
      tpu.yield
    }) : () -> ()
    %iota3A = tpu.iota {dimensions = array<i32: 0>} : vector<16xi32>
    %eq3A = arith.constant 0 : i32
    %eq3A_3 = vector.broadcast %eq3A : i32 to vector<16xi32>
    %eq3A_4 = arith.cmpi eq, %iota3A, %eq3A_3 : vector<16xi32>
    %jit3A = arith.constant 1.000000e+00 : f32
    %jit3A_5 = arith.constant 0.000000e+00 : f32
    %broadcast_in_dim3A = vector.broadcast %jit3A : f32 to vector<16xf32>
    %broadcast_in_dim3A_6 = vector.broadcast %jit3A_5 : f32 to vector<16xf32>
    %select_n3A = arith.select %eq3A_4, %broadcast_in_dim3A, %broadcast_in_dim3A_6 : vector<16xi1>, vector<16xf32>
    %scan3A = arith.constant 0 : i32
    %scan3A_7 = arith.constant 0 : i32
    %scan3A_8 = arith.constant 128 : i32
    %scan3A_9 = arith.addi %scan3A_7, %scan3A_8 : i32
    %scan3A_10 = arith.constant 1 : i32
    %scan3A_11 = scf.for %scan3A_59 = %scan3A_7 to %scan3A_9 step %scan3A_10 iter_args(%scan3A_60 = %scan3A) -> (i32)  : i32 {
      %swap3A = arith.index_cast %scan3A_59 : i32 to index
      %swap3A_61 = arith.constant 0 : index
      %swap3A_62 = tpu.vector_load %arg5[%swap3A, %swap3A_61] {strides = array<i32>} : memref<128x16xf32, #tpu.memory_space<vmem>>, vector<1x16xf32>,
      %swap3A_63 = vector.shape_cast %swap3A_62 : vector<1x16xf32> to vector<16xf32>
      %swap3A_64 = vector.shape_cast %select_n3A : vector<16xf32> to vector<1x16xf32>
      tpu.vector_store %arg5[%swap3A, %swap3A_61], %swap3A_64 {strides = array<i32>} : memref<128x16xf32, #tpu.memory_space<vmem>>, vector<1x16xf32>,
      %scan3A_65 = arith.constant 0 : i32
      scf.yield %scan3A_65 : i32
    }
    %scan3A_12 = arith.constant 128 : i32
    %broadcast_in_dim3A_13 = arith.constant 0.000000e+00 : f32
    %broadcast_in_dim3A_14 = vector.broadcast %broadcast_in_dim3A_13 : f32 to vector<16xf32>
    %scan3A_15 = arith.constant 0 : i32
    %scan3A_16 = arith.constant 0 : i32
    %scan3A_17 = arith.constant 128 : i32
    %scan3A_18 = arith.addi %scan3A_16, %scan3A_17 : i32
    %scan3A_19 = arith.constant 1 : i32
    %scan3A_20 = scf.for %scan3A_59 = %scan3A_16 to %scan3A_18 step %scan3A_19 iter_args(%scan3A_60 = %scan3A_15) -> (i32)  : i32 {
      %swap3A = arith.index_cast %scan3A_59 : i32 to index
      %swap3A_61 = arith.constant 0 : index
      %swap3A_62 = tpu.vector_load %arg6[%swap3A, %swap3A_61] {strides = array<i32>} : memref<128x16xf32, #tpu.memory_space<vmem>>, vector<1x16xf32>,
      %swap3A_63 = vector.shape_cast %swap3A_62 : vector<1x16xf32> to vector<16xf32>
      %swap3A_64 = vector.shape_cast %broadcast_in_dim3A_14 : vector<16xf32> to vector<1x16xf32>
      tpu.vector_store %arg6[%swap3A, %swap3A_61], %swap3A_64 {strides = array<i32>} : memref<128x16xf32, #tpu.memory_space<vmem>>, vector<1x16xf32>,
      %scan3A_65 = arith.constant 0 : i32
      scf.yield %scan3A_65 : i32
    }
    %scan3A_21 = arith.constant 128 : i32
    %mul3A_22 = arith.constant 624 : i32
    %mul3A_23 = arith.muli %arg1, %mul3A_22 : i32
    %add3A_24 = arith.constant 0 : i32
    %add3A_25 = arith.addi %mul3A_23, %add3A_24 : i32
    "tpu.region"() ({
      %run_scoped3A = tpu.sem_alloc : memref<!tpu.dma_semaphore, #tpu.memory_space<semaphore_mem>>
      %dma_start3A = arith.constant 0 : i32
      %dma_start3A_59 = tpu.memref_slice %arg7[%add3A_25, %dma_start3A] : memref<10016x16xf32, #tpu.memory_space<vmem_shared>> -> memref<128x16xf32, #tpu.memory_space<vmem_shared>>
      %dma_start3A_60 = arith.constant 0 : i32
      %dma_start3A_61 = tpu.memref_slice %arg7[%add3A_25, %dma_start3A_60] : memref<10016x16xf32, #tpu.memory_space<vmem_shared>> -> memref<128x16xf32, #tpu.memory_space<vmem_shared>>
      tpu.enqueue_dma source(%arg6 : memref<128x16xf32, #tpu.memory_space<vmem>>) target(%dma_start3A_61 : memref<128x16xf32, #tpu.memory_space<vmem_shared>>) target_semaphore(%run_scoped3A : memref<!tpu.dma_semaphore, #tpu.memory_space<semaphore_mem>>)
      %dma_wait3A = arith.constant 0 : i32
      %dma_wait3A_62 = tpu.memref_slice %arg7[%add3A_25, %dma_wait3A] : memref<10016x16xf32, #tpu.memory_space<vmem_shared>> -> memref<128x16xf32, #tpu.memory_space<vmem_shared>>
      %dma_wait3A_63 = arith.constant 0 : i32
      %dma_wait3A_64 = tpu.memref_slice %arg7[%add3A_25, %dma_wait3A_63] : memref<10016x16xf32, #tpu.memory_space<vmem_shared>> -> memref<128x16xf32, #tpu.memory_space<vmem_shared>>
      tpu.wait_dma2 semaphore(%run_scoped3A : memref<!tpu.dma_semaphore, #tpu.memory_space<semaphore_mem>>) src(%arg6 : memref<128x16xf32, #tpu.memory_space<vmem>>) dst(%dma_wait3A_64 : memref<128x16xf32, #tpu.memory_space<vmem_shared>>)
      tpu.yield
    }) : () -> ()
    %add3A_26 = arith.constant 128 : i32
    %add3A_27 = arith.addi %mul3A_23, %add3A_26 : i32
    "tpu.region"() ({
      %run_scoped3A = tpu.sem_alloc : memref<!tpu.dma_semaphore, #tpu.memory_space<semaphore_mem>>
      %dma_start3A = arith.constant 0 : i32
      %dma_start3A_59 = tpu.memref_slice %arg7[%add3A_27, %dma_start3A] : memref<10016x16xf32, #tpu.memory_space<vmem_shared>> -> memref<128x16xf32, #tpu.memory_space<vmem_shared>>
      %dma_start3A_60 = arith.constant 0 : i32
      %dma_start3A_61 = tpu.memref_slice %arg7[%add3A_27, %dma_start3A_60] : memref<10016x16xf32, #tpu.memory_space<vmem_shared>> -> memref<128x16xf32, #tpu.memory_space<vmem_shared>>
      tpu.enqueue_dma source(%arg6 : memref<128x16xf32, #tpu.memory_space<vmem>>) target(%dma_start3A_61 : memref<128x16xf32, #tpu.memory_space<vmem_shared>>) target_semaphore(%run_scoped3A : memref<!tpu.dma_semaphore, #tpu.memory_space<semaphore_mem>>)
      %dma_wait3A = arith.constant 0 : i32
      %dma_wait3A_62 = tpu.memref_slice %arg7[%add3A_27, %dma_wait3A] : memref<10016x16xf32, #tpu.memory_space<vmem_shared>> -> memref<128x16xf32, #tpu.memory_space<vmem_shared>>
      %dma_wait3A_63 = arith.constant 0 : i32
      %dma_wait3A_64 = tpu.memref_slice %arg7[%add3A_27, %dma_wait3A_63] : memref<10016x16xf32, #tpu.memory_space<vmem_shared>> -> memref<128x16xf32, #tpu.memory_space<vmem_shared>>
      tpu.wait_dma2 semaphore(%run_scoped3A : memref<!tpu.dma_semaphore, #tpu.memory_space<semaphore_mem>>) src(%arg6 : memref<128x16xf32, #tpu.memory_space<vmem>>) dst(%dma_wait3A_64 : memref<128x16xf32, #tpu.memory_space<vmem_shared>>)
      tpu.yield
    }) : () -> ()
    %add3A_28 = arith.constant 256 : i32
    %add3A_29 = arith.addi %mul3A_23, %add3A_28 : i32
    "tpu.region"() ({
      %run_scoped3A = tpu.sem_alloc : memref<!tpu.dma_semaphore, #tpu.memory_space<semaphore_mem>>
      %dma_start3A = arith.constant 0 : i32
      %dma_start3A_59 = tpu.memref_slice %arg7[%add3A_29, %dma_start3A] : memref<10016x16xf32, #tpu.memory_space<vmem_shared>> -> memref<128x16xf32, #tpu.memory_space<vmem_shared>>
      %dma_start3A_60 = arith.constant 0 : i32
      %dma_start3A_61 = tpu.memref_slice %arg7[%add3A_29, %dma_start3A_60] : memref<10016x16xf32, #tpu.memory_space<vmem_shared>> -> memref<128x16xf32, #tpu.memory_space<vmem_shared>>
      tpu.enqueue_dma source(%arg6 : memref<128x16xf32, #tpu.memory_space<vmem>>) target(%dma_start3A_61 : memref<128x16xf32, #tpu.memory_space<vmem_shared>>) target_semaphore(%run_scoped3A : memref<!tpu.dma_semaphore, #tpu.memory_space<semaphore_mem>>)
      %dma_wait3A = arith.constant 0 : i32
      %dma_wait3A_62 = tpu.memref_slice %arg7[%add3A_29, %dma_wait3A] : memref<10016x16xf32, #tpu.memory_space<vmem_shared>> -> memref<128x16xf32, #tpu.memory_space<vmem_shared>>
      %dma_wait3A_63 = arith.constant 0 : i32
      %dma_wait3A_64 = tpu.memref_slice %arg7[%add3A_29, %dma_wait3A_63] : memref<10016x16xf32, #tpu.memory_space<vmem_shared>> -> memref<128x16xf32, #tpu.memory_space<vmem_shared>>
      tpu.wait_dma2 semaphore(%run_scoped3A : memref<!tpu.dma_semaphore, #tpu.memory_space<semaphore_mem>>) src(%arg6 : memref<128x16xf32, #tpu.memory_space<vmem>>) dst(%dma_wait3A_64 : memref<128x16xf32, #tpu.memory_space<vmem_shared>>)
      tpu.yield
    }) : () -> ()
    %add3A_30 = arith.constant 384 : i32
    %add3A_31 = arith.addi %mul3A_23, %add3A_30 : i32
    "tpu.region"() ({
      %run_scoped3A = tpu.sem_alloc : memref<!tpu.dma_semaphore, #tpu.memory_space<semaphore_mem>>
      %dma_start3A = arith.constant 0 : i32
      %dma_start3A_59 = tpu.memref_slice %arg7[%add3A_31, %dma_start3A] : memref<10016x16xf32, #tpu.memory_space<vmem_shared>> -> memref<128x16xf32, #tpu.memory_space<vmem_shared>>
      %dma_start3A_60 = arith.constant 0 : i32
      %dma_start3A_61 = tpu.memref_slice %arg7[%add3A_31, %dma_start3A_60] : memref<10016x16xf32, #tpu.memory_space<vmem_shared>> -> memref<128x16xf32, #tpu.memory_space<vmem_shared>>
      tpu.enqueue_dma source(%arg6 : memref<128x16xf32, #tpu.memory_space<vmem>>) target(%dma_start3A_61 : memref<128x16xf32, #tpu.memory_space<vmem_shared>>) target_semaphore(%run_scoped3A : memref<!tpu.dma_semaphore, #tpu.memory_space<semaphore_mem>>)
      %dma_wait3A = arith.constant 0 : i32
      %dma_wait3A_62 = tpu.memref_slice %arg7[%add3A_31, %dma_wait3A] : memref<10016x16xf32, #tpu.memory_space<vmem_shared>> -> memref<128x16xf32, #tpu.memory_space<vmem_shared>>
      %dma_wait3A_63 = arith.constant 0 : i32
      %dma_wait3A_64 = tpu.memref_slice %arg7[%add3A_31, %dma_wait3A_63] : memref<10016x16xf32, #tpu.memory_space<vmem_shared>> -> memref<128x16xf32, #tpu.memory_space<vmem_shared>>
      tpu.wait_dma2 semaphore(%run_scoped3A : memref<!tpu.dma_semaphore, #tpu.memory_space<semaphore_mem>>) src(%arg6 : memref<128x16xf32, #tpu.memory_space<vmem>>) dst(%dma_wait3A_64 : memref<128x16xf32, #tpu.memory_space<vmem_shared>>)
      tpu.yield
    }) : () -> ()
    %lt3A = arith.constant 15 : i32
    %lt3A_32 = arith.cmpi slt, %arg1, %lt3A : i32
    %convert_element_type3A = arith.extui %lt3A_32 : i1 to i32
    %cond3A = arith.constant 0 : i32
    %cond3A_33 = arith.cmpi ne, %convert_element_type3A, %cond3A : i32
    scf.if %cond3A_33 {
      %add3A_59 = arith.constant 512 : i32
      %add3A_60 = arith.addi %mul3A_23, %add3A_59 : i32
      "tpu.region"() ({
        %run_scoped3A = tpu.sem_alloc : memref<!tpu.dma_semaphore, #tpu.memory_space<semaphore_mem>>
        %dma_start3A = arith.constant 0 : i32
        %dma_start3A_61 = arith.constant 0 : i32
        %dma_start3A_62 = tpu.memref_slice %arg6[%dma_start3A, %dma_start3A_61] : memref<128x16xf32, #tpu.memory_space<vmem>> -> memref<112x16xf32, #tpu.memory_space<vmem>>
        %dma_start3A_63 = arith.constant 0 : i32
        %dma_start3A_64 = tpu.memref_slice %arg7[%add3A_60, %dma_start3A_63] : memref<10016x16xf32, #tpu.memory_space<vmem_shared>> -> memref<112x16xf32, #tpu.memory_space<vmem_shared>>
        %dma_start3A_65 = arith.constant 0 : i32
        %dma_start3A_66 = tpu.memref_slice %arg7[%add3A_60, %dma_start3A_65] : memref<10016x16xf32, #tpu.memory_space<vmem_shared>> -> memref<112x16xf32, #tpu.memory_space<vmem_shared>>
        %dma_start3A_67 = arith.constant 0 : i32
        %dma_start3A_68 = arith.constant 0 : i32
        %dma_start3A_69 = tpu.memref_slice %arg6[%dma_start3A_67, %dma_start3A_68] : memref<128x16xf32, #tpu.memory_space<vmem>> -> memref<112x16xf32, #tpu.memory_space<vmem>>
        tpu.enqueue_dma source(%dma_start3A_69 : memref<112x16xf32, #tpu.memory_space<vmem>>) target(%dma_start3A_66 : memref<112x16xf32, #tpu.memory_space<vmem_shared>>) target_semaphore(%run_scoped3A : memref<!tpu.dma_semaphore, #tpu.memory_space<semaphore_mem>>)
        %dma_wait3A = arith.constant 0 : i32
        %dma_wait3A_70 = arith.constant 0 : i32
        %dma_wait3A_71 = tpu.memref_slice %arg6[%dma_wait3A, %dma_wait3A_70] : memref<128x16xf32, #tpu.memory_space<vmem>> -> memref<112x16xf32, #tpu.memory_space<vmem>>
        %dma_wait3A_72 = arith.constant 0 : i32
        %dma_wait3A_73 = tpu.memref_slice %arg7[%add3A_60, %dma_wait3A_72] : memref<10016x16xf32, #tpu.memory_space<vmem_shared>> -> memref<112x16xf32, #tpu.memory_space<vmem_shared>>
        %dma_wait3A_74 = arith.constant 0 : i32
        %dma_wait3A_75 = tpu.memref_slice %arg7[%add3A_60, %dma_wait3A_74] : memref<10016x16xf32, #tpu.memory_space<vmem_shared>> -> memref<112x16xf32, #tpu.memory_space<vmem_shared>>
        %dma_wait3A_76 = arith.constant 0 : i32
        %dma_wait3A_77 = arith.constant 0 : i32
        %dma_wait3A_78 = tpu.memref_slice %arg6[%dma_wait3A_76, %dma_wait3A_77] : memref<128x16xf32, #tpu.memory_space<vmem>> -> memref<112x16xf32, #tpu.memory_space<vmem>>
        tpu.wait_dma2 semaphore(%run_scoped3A : memref<!tpu.dma_semaphore, #tpu.memory_space<semaphore_mem>>) src(%dma_wait3A_78 : memref<112x16xf32, #tpu.memory_space<vmem>>) dst(%dma_wait3A_75 : memref<112x16xf32, #tpu.memory_space<vmem_shared>>)
        tpu.yield
      }) : () -> ()
    } else {
    }
    %eq3A_34 = arith.constant 15 : i32
    %eq3A_35 = arith.cmpi eq, %arg1, %eq3A_34 : i32
    %convert_element_type3A_36 = arith.extui %eq3A_35 : i1 to i32
    %cond3A_37 = arith.constant 0 : i32
    %cond3A_38 = arith.cmpi ne, %convert_element_type3A_36, %cond3A_37 : i32
    scf.if %cond3A_38 {
      %add3A_59 = arith.constant 512 : i32
      %add3A_60 = arith.addi %mul3A_23, %add3A_59 : i32
      "tpu.region"() ({
        %run_scoped3A = tpu.sem_alloc : memref<!tpu.dma_semaphore, #tpu.memory_space<semaphore_mem>>
        %dma_start3A = arith.constant 0 : i32
        %dma_start3A_61 = tpu.memref_slice %arg7[%add3A_60, %dma_start3A] : memref<10016x16xf32, #tpu.memory_space<vmem_shared>> -> memref<128x16xf32, #tpu.memory_space<vmem_shared>>
        %dma_start3A_62 = arith.constant 0 : i32
        %dma_start3A_63 = tpu.memref_slice %arg7[%add3A_60, %dma_start3A_62] : memref<10016x16xf32, #tpu.memory_space<vmem_shared>> -> memref<128x16xf32, #tpu.memory_space<vmem_shared>>
        tpu.enqueue_dma source(%arg6 : memref<128x16xf32, #tpu.memory_space<vmem>>) target(%dma_start3A_63 : memref<128x16xf32, #tpu.memory_space<vmem_shared>>) target_semaphore(%run_scoped3A : memref<!tpu.dma_semaphore, #tpu.memory_space<semaphore_mem>>)
        %dma_wait3A = arith.constant 0 : i32
        %dma_wait3A_64 = tpu.memref_slice %arg7[%add3A_60, %dma_wait3A] : memref<10016x16xf32, #tpu.memory_space<vmem_shared>> -> memref<128x16xf32, #tpu.memory_space<vmem_shared>>
        %dma_wait3A_65 = arith.constant 0 : i32
        %dma_wait3A_66 = tpu.memref_slice %arg7[%add3A_60, %dma_wait3A_65] : memref<10016x16xf32, #tpu.memory_space<vmem_shared>> -> memref<128x16xf32, #tpu.memory_space<vmem_shared>>
        tpu.wait_dma2 semaphore(%run_scoped3A : memref<!tpu.dma_semaphore, #tpu.memory_space<semaphore_mem>>) src(%arg6 : memref<128x16xf32, #tpu.memory_space<vmem>>) dst(%dma_wait3A_66 : memref<128x16xf32, #tpu.memory_space<vmem_shared>>)
        tpu.yield
      }) : () -> ()
    } else {
    }
    %barrier3A = arith.constant 0 : index
    tpu.barrier barrier_id(%barrier3A)
    %scan3A_39 = arith.constant 0 : i32
    %scan3A_40 = arith.constant 0 : i32
    %scan3A_41 = arith.constant 80 : i32
    %scan3A_42 = arith.addi %scan3A_40, %scan3A_41 : i32
    %scan3A_43 = arith.constant 1 : i32
    %scan3A_44 = scf.for %scan3A_59 = %scan3A_40 to %scan3A_42 step %scan3A_43 iter_args(%scan3A_60 = %scan3A_39) -> (i32)  : i32 {
      "tpu.region"() ({
        %run_scoped3A = tpu.sem_alloc : memref<!tpu.dma_semaphore, #tpu.memory_space<semaphore_mem>>
        %dma_start3A = arith.constant 0 : i32
        %dma_start3A_62 = tpu.memref_slice %arg4[%scan3A_59, %dma_start3A] : memref<80x128xi32, #tpu.memory_space<vmem>> -> memref<1x128xi32, #tpu.memory_space<vmem>>
        %dma_start3A_63 = tpu.memref_squeeze %dma_start3A_62 : memref<1x128xi32, #tpu.memory_space<vmem>> -> memref<128xi32, #tpu.memory_space<vmem>>
        %dma_start3A_64 = arith.constant 0 : i32
        %dma_start3A_65 = arith.constant 0 : i32
        %dma_start3A_66 = tpu.memref_slice %arg7[%dma_start3A_64, %dma_start3A_65] : memref<10016x16xf32, #tpu.memory_space<vmem_shared>> -> memref<10016x16xf32, #tpu.memory_space<vmem_shared>>
        tpu.enqueue_indirect_dma source(%arg5 : memref<128x16xf32, #tpu.memory_space<vmem>>) target(%dma_start3A_66 : memref<10016x16xf32, #tpu.memory_space<vmem_shared>>) offsets(%dma_start3A_63 : memref<128xi32, #tpu.memory_space<vmem>>) semaphore(%run_scoped3A : memref<!tpu.dma_semaphore, #tpu.memory_space<semaphore_mem>>) {add = true}
        %dma_wait3A = arith.constant 0 : i32
        %dma_wait3A_67 = tpu.memref_slice %arg4[%scan3A_59, %dma_wait3A] : memref<80x128xi32, #tpu.memory_space<vmem>> -> memref<1x128xi32, #tpu.memory_space<vmem>>
        %dma_wait3A_68 = tpu.memref_squeeze %dma_wait3A_67 : memref<1x128xi32, #tpu.memory_space<vmem>> -> memref<128xi32, #tpu.memory_space<vmem>>
        %dma_wait3A_69 = arith.constant 0 : i32
        %dma_wait3A_70 = arith.constant 0 : i32
        %dma_wait3A_71 = tpu.memref_slice %arg7[%dma_wait3A_69, %dma_wait3A_70] : memref<10016x16xf32, #tpu.memory_space<vmem_shared>> -> memref<10016x16xf32, #tpu.memory_space<vmem_shared>>
        tpu.wait_indirect_dma semaphore(%run_scoped3A : memref<!tpu.dma_semaphore, #tpu.memory_space<semaphore_mem>>) src(%arg5 : memref<128x16xf32, #tpu.memory_space<vmem>>) dst(%dma_wait3A_71 : memref<10016x16xf32, #tpu.memory_space<vmem_shared>>)
        tpu.yield
      }) : () -> ()
      %scan3A_61 = arith.constant 0 : i32
      scf.yield %scan3A_61 : i32
    }
    %scan3A_45 = arith.constant 80 : i32
    %barrier3A_46 = arith.constant 0 : index
    tpu.barrier barrier_id(%barrier3A_46)
    %mul3A_47 = arith.constant 624 : i32
    %mul3A_48 = arith.muli %arg1, %mul3A_47 : i32
    %lt3A_49 = arith.constant 15 : i32
    %lt3A_50 = arith.cmpi slt, %arg1, %lt3A_49 : i32
    %convert_element_type3A_51 = arith.extui %lt3A_50 : i1 to i32
    %cond3A_52 = arith.constant 0 : i32
    %cond3A_53 = arith.cmpi ne, %convert_element_type3A_51, %cond3A_52 : i32
    scf.if %cond3A_53 {
      "tpu.region"() ({
        %run_scoped3A = tpu.sem_alloc : memref<!tpu.dma_semaphore, #tpu.memory_space<semaphore_mem>>
        %dma_start3A = arith.constant 0 : i32
        %dma_start3A_59 = tpu.memref_slice %arg3[%arg0, %mul3A_48, %dma_start3A] : memref<2x10000x16xf32, #tpu.memory_space<hbm>> -> memref<1x624x16xf32, #tpu.memory_space<hbm>>
        %dma_start3A_60 = tpu.memref_squeeze %dma_start3A_59 : memref<1x624x16xf32, #tpu.memory_space<hbm>> -> memref<624x16xf32, #tpu.memory_space<hbm>>
        %dma_start3A_61 = arith.constant 0 : i32
        %dma_start3A_62 = tpu.memref_slice %arg7[%mul3A_48, %dma_start3A_61] : memref<10016x16xf32, #tpu.memory_space<vmem_shared>> -> memref<624x16xf32, #tpu.memory_space<vmem_shared>>
        tpu.enqueue_dma source(%dma_start3A_62 : memref<624x16xf32, #tpu.memory_space<vmem_shared>>) target(%dma_start3A_60 : memref<624x16xf32, #tpu.memory_space<hbm>>) target_semaphore(%run_scoped3A : memref<!tpu.dma_semaphore, #tpu.memory_space<semaphore_mem>>)
        %dma_wait3A = arith.constant 0 : i32
        %dma_wait3A_63 = tpu.memref_slice %arg3[%arg0, %mul3A_48, %dma_wait3A] : memref<2x10000x16xf32, #tpu.memory_space<hbm>> -> memref<1x624x16xf32, #tpu.memory_space<hbm>>
        %dma_wait3A_64 = tpu.memref_squeeze %dma_wait3A_63 : memref<1x624x16xf32, #tpu.memory_space<hbm>> -> memref<624x16xf32, #tpu.memory_space<hbm>>
        %dma_wait3A_65 = arith.constant 0 : i32
        %dma_wait3A_66 = tpu.memref_slice %arg7[%mul3A_48, %dma_wait3A_65] : memref<10016x16xf32, #tpu.memory_space<vmem_shared>> -> memref<624x16xf32, #tpu.memory_space<vmem_shared>>
        tpu.wait_dma2 semaphore(%run_scoped3A : memref<!tpu.dma_semaphore, #tpu.memory_space<semaphore_mem>>) src(%dma_wait3A_66 : memref<624x16xf32, #tpu.memory_space<vmem_shared>>) dst(%dma_wait3A_64 : memref<624x16xf32, #tpu.memory_space<hbm>>)
        tpu.yield
      }) : () -> ()
    } else {
    }
    %eq3A_54 = arith.constant 15 : i32
    %eq3A_55 = arith.cmpi eq, %arg1, %eq3A_54 : i32
    %convert_element_type3A_56 = arith.extui %eq3A_55 : i1 to i32
    %cond3A_57 = arith.constant 0 : i32
    %cond3A_58 = arith.cmpi ne, %convert_element_type3A_56, %cond3A_57 : i32
    scf.if %cond3A_58 {
      "tpu.region"() ({
        %run_scoped3A = tpu.sem_alloc : memref<!tpu.dma_semaphore, #tpu.memory_space<semaphore_mem>>
        %dma_start3A = arith.constant 0 : i32
        %dma_start3A_59 = tpu.memref_slice %arg3[%arg0, %mul3A_48, %dma_start3A] : memref<2x10000x16xf32, #tpu.memory_space<hbm>> -> memref<1x640x16xf32, #tpu.memory_space<hbm>>
        %dma_start3A_60 = tpu.memref_squeeze %dma_start3A_59 : memref<1x640x16xf32, #tpu.memory_space<hbm>> -> memref<640x16xf32, #tpu.memory_space<hbm>>
        %dma_start3A_61 = arith.constant 0 : i32
        %dma_start3A_62 = tpu.memref_slice %arg7[%mul3A_48, %dma_start3A_61] : memref<10016x16xf32, #tpu.memory_space<vmem_shared>> -> memref<640x16xf32, #tpu.memory_space<vmem_shared>>
        tpu.enqueue_dma source(%dma_start3A_62 : memref<640x16xf32, #tpu.memory_space<vmem_shared>>) target(%dma_start3A_60 : memref<640x16xf32, #tpu.memory_space<hbm>>) target_semaphore(%run_scoped3A : memref<!tpu.dma_semaphore, #tpu.memory_space<semaphore_mem>>)
        %dma_wait3A = arith.constant 0 : i32
        %dma_wait3A_63 = tpu.memref_slice %arg3[%arg0, %mul3A_48, %dma_wait3A] : memref<2x10000x16xf32, #tpu.memory_space<hbm>> -> memref<1x640x16xf32, #tpu.memory_space<hbm>>
        %dma_wait3A_64 = tpu.memref_squeeze %dma_wait3A_63 : memref<1x640x16xf32, #tpu.memory_space<hbm>> -> memref<640x16xf32, #tpu.memory_space<hbm>>
        %dma_wait3A_65 = arith.constant 0 : i32
        %dma_wait3A_66 = tpu.memref_slice %arg7[%mul3A_48, %dma_wait3A_65] : memref<10016x16xf32, #tpu.memory_space<vmem_shared>> -> memref<640x16xf32, #tpu.memory_space<vmem_shared>>
        tpu.wait_dma2 semaphore(%run_scoped3A : memref<!tpu.dma_semaphore, #tpu.memory_space<semaphore_mem>>) src(%dma_wait3A_66 : memref<640x16xf32, #tpu.memory_space<vmem_shared>>) dst(%dma_wait3A_64 : memref<640x16xf32, #tpu.memory_space<hbm>>)
        tpu.yield
      }) : () -> ()
    } else {
    }
    return
  }
}

module attributes {stable_mosaic.version = 14 : i64} {
  func.func @_tc_g1_body(%arg0: memref<128x10000xf32, #tpu.memory_space<vmem>>, %arg1: memref<128x128xf32, #tpu.memory_space<vmem>>, %arg2: memref<2x10000x16xf32, #tpu.memory_space<vmem>>, %arg3: memref<10000x128xf32, #tpu.memory_space<vmem>>, %arg4: memref<10000x1xf32, #tpu.memory_space<vmem>>) attributes {dimension_semantics = [], scalar_prefetch = 0 : i64, scratch_operands = 0 : i64, tpu.core_type = #tpu.core_type<tc>} {
    %get3A = arith.constant 0 : index
    %get3A_0 = arith.constant 0 : index
    %get3A_1 = vector.load %arg0[%get3A, %get3A_0] : memref<128x10000xf32, #tpu.memory_space<vmem>>, vector<128x10000xf32>
    %get3A_2 = arith.constant 0 : index
    %get3A_3 = arith.constant 0 : index
    %get3A_4 = vector.load %arg1[%get3A_2, %get3A_3] : memref<128x128xf32, #tpu.memory_space<vmem>>, vector<128x128xf32>
    %dot_general3A = arith.constant dense<0.000000e+00> : vector<10000x128xf32>
    %dot_general3A_5 = tpu.matmul %get3A_1, %get3A_4, %dot_general3A {dimension_numbers = #tpu.dot_dimension_numbers<[0], [0], [1], [1], [0, 1, 1, 1], [], []>, transpose_lhs_hint = false} : vector<128x10000xf32>, vector<128x128xf32>, vector<10000x128xf32> -> vector<10000x128xf32>
    %get3A_6 = arith.constant 0 : index
    %get3A_7 = arith.constant 0 : index
    %get3A_8 = arith.constant 0 : index
    %get3A_9 = vector.load %arg2[%get3A_6, %get3A_7, %get3A_8] : memref<2x10000x16xf32, #tpu.memory_space<vmem>>, vector<2x10000x16xf32>
    %slice3A = vector.extract_strided_slice %get3A_9 {offsets = [0, 0, 0], sizes = [1, 10000, 16], strides = [1, 1, 1]} : vector<2x10000x16xf32> to vector<1x10000x16xf32>
    %squeeze3A = vector.shape_cast %slice3A : vector<1x10000x16xf32> to vector<10000x16xf32>
    %slice3A_10 = vector.extract_strided_slice %squeeze3A {offsets = [0, 0], sizes = [10000, 1], strides = [1, 1]} : vector<10000x16xf32> to vector<10000x1xf32>
    %slice3A_11 = vector.extract_strided_slice %get3A_9 {offsets = [1, 0, 0], sizes = [1, 10000, 16], strides = [1, 1, 1]} : vector<2x10000x16xf32> to vector<1x10000x16xf32>
    %squeeze3A_12 = vector.shape_cast %slice3A_11 : vector<1x10000x16xf32> to vector<10000x16xf32>
    %slice3A_13 = vector.extract_strided_slice %squeeze3A_12 {offsets = [0, 0], sizes = [10000, 1], strides = [1, 1]} : vector<10000x16xf32> to vector<10000x1xf32>
    %add3A = arith.addf %slice3A_10, %slice3A_13 : vector<10000x1xf32>
    %add3A_14 = arith.constant 1.000000e+00 : f32
    %add3A_15 = vector.broadcast %add3A_14 : f32 to vector<10000x1xf32>
    %add3A_16 = arith.addf %add3A, %add3A_15 : vector<10000x1xf32>
    %rsqrt3A = math.rsqrt %add3A_16 : vector<10000x1xf32>
    %mul3A = vector.broadcast %rsqrt3A : vector<10000x1xf32> to vector<10000x128xf32>
    %mul3A_17 = arith.mulf %dot_general3A_5, %mul3A : vector<10000x128xf32>
    %swap3A = arith.constant 0 : index
    %swap3A_18 = arith.constant 0 : index
    %swap3A_19 = vector.load %arg3[%swap3A, %swap3A_18] : memref<10000x128xf32, #tpu.memory_space<vmem>>, vector<10000x128xf32>
    tpu.vector_store %arg3[%swap3A, %swap3A_18], %mul3A_17 {strides = array<i32>} : memref<10000x128xf32, #tpu.memory_space<vmem>>, vector<10000x128xf32>,
    %swap3A_20 = arith.constant 0 : index
    %swap3A_21 = arith.constant 0 : index
    %swap3A_22 = vector.load %arg4[%swap3A_20, %swap3A_21] : memref<10000x1xf32, #tpu.memory_space<vmem>>, vector<10000x1xf32>
    tpu.vector_store %arg4[%swap3A_20, %swap3A_21], %rsqrt3A {strides = array<i32>} : memref<10000x1xf32, #tpu.memory_space<vmem>>, vector<10000x1xf32>,
    return
  }
}

module attributes {stable_mosaic.version = 14 : i64} {
  func.func @_tc_g1p_body(%arg0: i32, %arg1: memref<2x2000x128xf32, #tpu.memory_space<vmem>>, %arg2: memref<2000x128xf32, #tpu.memory_space<vmem>>, %arg3: memref<2000x1xf32, #tpu.memory_space<vmem>>, %arg4: memref<1x128xf32, #tpu.memory_space<vmem>>, %arg5: memref<2000x128xf32, #tpu.memory_space<vmem>>) attributes {dimension_semantics = [#tpu.dimension_semantics<arbitrary>], iteration_bounds = array<i64: 5>, scalar_prefetch = 0 : i64, scratch_operands = 0 : i64, tpu.core_type = #tpu.core_type<tc>, window_params = [{transform_indices = @transform_0, window_bounds = array<i64: 2, 2000, 128>}, {transform_indices = @transform_1, window_bounds = array<i64: 2000, 128>}, {transform_indices = @transform_2, window_bounds = array<i64: 2000, 1>}, {pipeline_mode = #tpu.pipeline_mode<synchronous>, transform_indices = @transform_3, window_bounds = array<i64: 1, 128>}, {transform_indices = @transform_4, window_bounds = array<i64: 2000, 128>}]} {
    %get3A = arith.constant 0 : index
    %get3A_0 = arith.constant 0 : index
    %get3A_1 = vector.load %arg3[%get3A, %get3A_0] : memref<2000x1xf32, #tpu.memory_space<vmem>>, vector<2000x1xf32>
    %get3A_2 = arith.constant 0 : index
    %get3A_3 = arith.constant 0 : index
    %get3A_4 = arith.constant 0 : index
    %get3A_5 = vector.load %arg1[%get3A_2, %get3A_3, %get3A_4] : memref<2x2000x128xf32, #tpu.memory_space<vmem>>, vector<1x2000x128xf32>
    %get3A_6 = vector.shape_cast %get3A_5 : vector<1x2000x128xf32> to vector<2000x128xf32>
    %get3A_7 = arith.constant 1 : index
    %get3A_8 = arith.constant 0 : index
    %get3A_9 = arith.constant 0 : index
    %get3A_10 = vector.load %arg1[%get3A_7, %get3A_8, %get3A_9] : memref<2x2000x128xf32, #tpu.memory_space<vmem>>, vector<1x2000x128xf32>
    %get3A_11 = vector.shape_cast %get3A_10 : vector<1x2000x128xf32> to vector<2000x128xf32>
    %add3A = arith.addf %get3A_6, %get3A_11 : vector<2000x128xf32>
    %get3A_12 = arith.constant 0 : index
    %get3A_13 = arith.constant 0 : index
    %get3A_14 = vector.load %arg2[%get3A_12, %get3A_13] : memref<2000x128xf32, #tpu.memory_space<vmem>>, vector<2000x128xf32>
    %add3A_15 = arith.addf %add3A, %get3A_14 : vector<2000x128xf32>
    %mul3A = vector.broadcast %get3A_1 : vector<2000x1xf32> to vector<2000x128xf32>
    %mul3A_16 = arith.mulf %add3A_15, %mul3A : vector<2000x128xf32>
    %get3A_17 = arith.constant 0 : index
    %get3A_18 = arith.constant 0 : index
    %get3A_19 = vector.load %arg4[%get3A_17, %get3A_18] : memref<1x128xf32, #tpu.memory_space<vmem>>, vector<1x128xf32>
    %add3A_20 = vector.broadcast %get3A_19 : vector<1x128xf32> to vector<2000x128xf32>
    %add3A_21 = arith.addf %mul3A_16, %add3A_20 : vector<2000x128xf32>
    %max3A = arith.constant 0.000000e+00 : f32
    %max3A_22 = vector.broadcast %max3A : f32 to vector<2000x128xf32>
    %max3A_23 = arith.maximumf %add3A_21, %max3A_22 : vector<2000x128xf32>
    %mul3A_24 = vector.broadcast %get3A_1 : vector<2000x1xf32> to vector<2000x128xf32>
    %mul3A_25 = arith.mulf %max3A_23, %mul3A_24 : vector<2000x128xf32>
    %swap3A = arith.constant 0 : index
    %swap3A_26 = arith.constant 0 : index
    %swap3A_27 = vector.load %arg5[%swap3A, %swap3A_26] : memref<2000x128xf32, #tpu.memory_space<vmem>>, vector<2000x128xf32>
    tpu.vector_store %arg5[%swap3A, %swap3A_26], %mul3A_25 {strides = array<i32>} : memref<2000x128xf32, #tpu.memory_space<vmem>>, vector<2000x128xf32>,
    return
  }
  func.func @transform_0(%arg0: i32) -> (i32, i32, i32) {
    %c0_i32 = arith.constant 0 : i32
    %c0_i32_0 = arith.constant 0 : i32
    %c0_i32_1 = arith.constant 0 : i32
    return %c0_i32, %arg0, %c0_i32_0 : i32, i32, i32
  }
  func.func @transform_1(%arg0: i32) -> (i32, i32) {
    %c0_i32 = arith.constant 0 : i32
    %c0_i32_0 = arith.constant 0 : i32
    return %arg0, %c0_i32 : i32, i32
  }
  func.func @transform_2(%arg0: i32) -> (i32, i32) {
    %c0_i32 = arith.constant 0 : i32
    %c0_i32_0 = arith.constant 0 : i32
    return %arg0, %c0_i32 : i32, i32
  }
  func.func @transform_3(%arg0: i32) -> (i32, i32) {
    %c0_i32 = arith.constant 0 : i32
    %c0_i32_0 = arith.constant 0 : i32
    %c0_i32_1 = arith.constant 0 : i32
    return %c0_i32, %c0_i32_0 : i32, i32
  }
  func.func @transform_4(%arg0: i32) -> (i32, i32) {
    %c0_i32 = arith.constant 0 : i32
    %c0_i32_0 = arith.constant 0 : i32
    return %arg0, %c0_i32 : i32, i32
  }
}

module attributes {stable_mosaic.version = 14 : i64} {
  func.func @_tc_h2_body(%arg0: i32, %arg1: memref<2x2000x128xf32, #tpu.memory_space<vmem>>, %arg2: memref<2000x128xf32, #tpu.memory_space<vmem>>, %arg3: memref<2000x1xf32, #tpu.memory_space<vmem>>, %arg4: memref<128x16xf32, #tpu.memory_space<vmem>>, %arg5: memref<1x16xf32, #tpu.memory_space<vmem>>, %arg6: memref<2000x16xf32, #tpu.memory_space<vmem>>) attributes {dimension_semantics = [#tpu.dimension_semantics<arbitrary>], iteration_bounds = array<i64: 5>, scalar_prefetch = 0 : i64, scratch_operands = 0 : i64, tpu.core_type = #tpu.core_type<tc>, window_params = [{transform_indices = @transform_0, window_bounds = array<i64: 2, 2000, 128>}, {transform_indices = @transform_1, window_bounds = array<i64: 2000, 128>}, {transform_indices = @transform_2, window_bounds = array<i64: 2000, 1>}, {pipeline_mode = #tpu.pipeline_mode<synchronous>, transform_indices = @transform_3, window_bounds = array<i64: 128, 16>}, {pipeline_mode = #tpu.pipeline_mode<synchronous>, transform_indices = @transform_4, window_bounds = array<i64: 1, 16>}, {transform_indices = @transform_5, window_bounds = array<i64: 2000, 16>}]} {
    %get3A = arith.constant 0 : index
    %get3A_0 = arith.constant 0 : index
    %get3A_1 = arith.constant 0 : index
    %get3A_2 = vector.load %arg1[%get3A, %get3A_0, %get3A_1] : memref<2x2000x128xf32, #tpu.memory_space<vmem>>, vector<1x2000x128xf32>
    %get3A_3 = vector.shape_cast %get3A_2 : vector<1x2000x128xf32> to vector<2000x128xf32>
    %get3A_4 = arith.constant 1 : index
    %get3A_5 = arith.constant 0 : index
    %get3A_6 = arith.constant 0 : index
    %get3A_7 = vector.load %arg1[%get3A_4, %get3A_5, %get3A_6] : memref<2x2000x128xf32, #tpu.memory_space<vmem>>, vector<1x2000x128xf32>
    %get3A_8 = vector.shape_cast %get3A_7 : vector<1x2000x128xf32> to vector<2000x128xf32>
    %add3A = arith.addf %get3A_3, %get3A_8 : vector<2000x128xf32>
    %get3A_9 = arith.constant 0 : index
    %get3A_10 = arith.constant 0 : index
    %get3A_11 = vector.load %arg2[%get3A_9, %get3A_10] : memref<2000x128xf32, #tpu.memory_space<vmem>>, vector<2000x128xf32>
    %add3A_12 = arith.addf %add3A, %get3A_11 : vector<2000x128xf32>
    %get3A_13 = arith.constant 0 : index
    %get3A_14 = arith.constant 0 : index
    %get3A_15 = vector.load %arg3[%get3A_13, %get3A_14] : memref<2000x1xf32, #tpu.memory_space<vmem>>, vector<2000x1xf32>
    %mul3A = vector.broadcast %get3A_15 : vector<2000x1xf32> to vector<2000x128xf32>
    %mul3A_16 = arith.mulf %add3A_12, %mul3A : vector<2000x128xf32>
    %get3A_17 = arith.constant 0 : index
    %get3A_18 = arith.constant 0 : index
    %get3A_19 = vector.load %arg4[%get3A_17, %get3A_18] : memref<128x16xf32, #tpu.memory_space<vmem>>, vector<128x16xf32>
    %dot_general3A = arith.constant dense<0.000000e+00> : vector<2000x16xf32>
    %dot_general3A_20 = tpu.matmul %mul3A_16, %get3A_19, %dot_general3A {dimension_numbers = #tpu.dot_dimension_numbers<[1], [0], [0], [1], [0, 0, 1, 1], [], []>, transpose_lhs_hint = false} : vector<2000x128xf32>, vector<128x16xf32>, vector<2000x16xf32> -> vector<2000x16xf32>
    %get3A_21 = arith.constant 0 : index
    %get3A_22 = arith.constant 0 : index
    %get3A_23 = vector.load %arg5[%get3A_21, %get3A_22] : memref<1x16xf32, #tpu.memory_space<vmem>>, vector<1x16xf32>
    %add3A_24 = vector.broadcast %get3A_23 : vector<1x16xf32> to vector<2000x16xf32>
    %add3A_25 = arith.addf %dot_general3A_20, %add3A_24 : vector<2000x16xf32>
    %swap3A = arith.constant 0 : index
    %swap3A_26 = arith.constant 0 : index
    %swap3A_27 = vector.load %arg6[%swap3A, %swap3A_26] : memref<2000x16xf32, #tpu.memory_space<vmem>>, vector<2000x16xf32>
    tpu.vector_store %arg6[%swap3A, %swap3A_26], %add3A_25 {strides = array<i32>} : memref<2000x16xf32, #tpu.memory_space<vmem>>, vector<2000x16xf32>,
    return
  }
  func.func @transform_0(%arg0: i32) -> (i32, i32, i32) {
    %c0_i32 = arith.constant 0 : i32
    %c0_i32_0 = arith.constant 0 : i32
    %c0_i32_1 = arith.constant 0 : i32
    return %c0_i32, %arg0, %c0_i32_0 : i32, i32, i32
  }
  func.func @transform_1(%arg0: i32) -> (i32, i32) {
    %c0_i32 = arith.constant 0 : i32
    %c0_i32_0 = arith.constant 0 : i32
    return %arg0, %c0_i32 : i32, i32
  }
  func.func @transform_2(%arg0: i32) -> (i32, i32) {
    %c0_i32 = arith.constant 0 : i32
    %c0_i32_0 = arith.constant 0 : i32
    return %arg0, %c0_i32 : i32, i32
  }
  func.func @transform_3(%arg0: i32) -> (i32, i32) {
    %c0_i32 = arith.constant 0 : i32
    %c0_i32_0 = arith.constant 0 : i32
    %c0_i32_1 = arith.constant 0 : i32
    return %c0_i32, %c0_i32_0 : i32, i32
  }
  func.func @transform_4(%arg0: i32) -> (i32, i32) {
    %c0_i32 = arith.constant 0 : i32
    %c0_i32_0 = arith.constant 0 : i32
    %c0_i32_1 = arith.constant 0 : i32
    return %c0_i32, %c0_i32_0 : i32, i32
  }
  func.func @transform_5(%arg0: i32) -> (i32, i32) {
    %c0_i32 = arith.constant 0 : i32
    %c0_i32_0 = arith.constant 0 : i32
    return %arg0, %c0_i32 : i32, i32
  }
}

module attributes {stable_mosaic.version = 14 : i64} {
  func.func @_tc_out_body(%arg0: i32, %arg1: memref<256x10000xf32, #tpu.memory_space<vmem>>, %arg2: memref<10000x16xf32, #tpu.memory_space<vmem>>, %arg3: memref<256x16xf32, #tpu.memory_space<vmem>>) attributes {dimension_semantics = [#tpu.dimension_semantics<arbitrary>], iteration_bounds = array<i64: 4>, scalar_prefetch = 0 : i64, scratch_operands = 0 : i64, tpu.core_type = #tpu.core_type<tc>, window_params = [{transform_indices = @transform_0, window_bounds = array<i64: 256, 10000>}, {pipeline_mode = #tpu.pipeline_mode<synchronous>, transform_indices = @transform_1, window_bounds = array<i64: 10000, 16>}, {transform_indices = @transform_2, window_bounds = array<i64: 256, 16>}]} {
    %get3A = arith.constant 0 : index
    %get3A_0 = arith.constant 0 : index
    %get3A_1 = vector.load %arg1[%get3A, %get3A_0] : memref<256x10000xf32, #tpu.memory_space<vmem>>, vector<256x10000xf32>
    %get3A_2 = arith.constant 0 : index
    %get3A_3 = arith.constant 0 : index
    %get3A_4 = vector.load %arg2[%get3A_2, %get3A_3] : memref<10000x16xf32, #tpu.memory_space<vmem>>, vector<10000x16xf32>
    %dot_general3A = arith.constant dense<0.000000e+00> : vector<256x16xf32>
    %dot_general3A_5 = tpu.matmul %get3A_1, %get3A_4, %dot_general3A {dimension_numbers = #tpu.dot_dimension_numbers<[1], [0], [0], [1], [0, 0, 1, 1], [], []>, transpose_lhs_hint = false} : vector<256x10000xf32>, vector<10000x16xf32>, vector<256x16xf32> -> vector<256x16xf32>
    %swap3A = arith.constant 0 : index
    %swap3A_6 = arith.constant 0 : index
    %swap3A_7 = vector.load %arg3[%swap3A, %swap3A_6] : memref<256x16xf32, #tpu.memory_space<vmem>>, vector<256x16xf32>
    tpu.vector_store %arg3[%swap3A, %swap3A_6], %dot_general3A_5 {strides = array<i32>} : memref<256x16xf32, #tpu.memory_space<vmem>>, vector<256x16xf32>,
    return
  }
  func.func @transform_0(%arg0: i32) -> (i32, i32) {
    %c0_i32 = arith.constant 0 : i32
    %c0_i32_0 = arith.constant 0 : i32
    return %arg0, %c0_i32 : i32, i32
  }
  func.func @transform_1(%arg0: i32) -> (i32, i32) {
    %c0_i32 = arith.constant 0 : i32
    %c0_i32_0 = arith.constant 0 : i32
    %c0_i32_1 = arith.constant 0 : i32
    return %c0_i32, %c0_i32_0 : i32, i32
  }
  func.func @transform_2(%arg0: i32) -> (i32, i32) {
    %c0_i32 = arith.constant 0 : i32
    %c0_i32_0 = arith.constant 0 : i32
    return %arg0, %c0_i32 : i32, i32
  }
}

</mosaic_0001>

<sc_bundles>
// kernel: kernel.12.cloned.1.call-start
scs
__scs_entry_jumppad:
0x0: {  	(pc) =	sbr.rel $0x88, $3  }
0x1: {  	(tag) =	ssettag $0x0;
	lr =	simm.s32 $0x1  }
0x2: {  	[smem:$0x3F9A] =	sst lr;
	_ =	strace $0xD0000000  }
0x3: {  	_ = 	snop  }
0x4: {  	_ = 	snop  }
0x5: {  	_ = 	snop  }
0x6: {  	_ = 	snop  }
0x7: {  	_ = 	snop  }
__scs_overlays_trampoline_lowered:
0x8: {  	[smem:$0x3FA9] =	sst s0  }
0x9: {  	[smem:$0x3FAA] =	sst s1  }
0xa: {  	[smem:$0x3FAB] =	sst s2  }
0xb: {  	[smem:$0x3FAC] =	sst s3  }
0xc: {  	[smem:$0x3FAD] =	sst s4  }
0xd: {  	[smem:$0x3FAE] =	sst s5  }
0xe: {  	[smem:$0x3FAF] =	sst s6  }
0xf: {  	[smem:$0x3FB0] =	sst s7  }
0x10: {  	[smem:$0x3FB1] =	sst s8  }
0x11: {  	[smem:$0x3FB2] =	sst s9;
	s0 =	simm.s32 @!p0 $0x0  }
0x12: {  	s1 =	sld [smem:$0x3F98];
	s0 =	simm.s32 @p0 $0x1  }
0x13: {  	[smem:$0x3FB3] =	sst s0;
	s0 =	simm.s32 @!p1 $0x0  }
0x14: {  	s2 =	sld [smem:$0x3F97];
	s0 =	simm.s32 @p1 $0x1  }
0x15: {  	[smem:$0x3FB4] =	sst s0;
	s0 =	simm.s32 @!p2 $0x0  }
0x16: {  	s3 =	sld [smem:$0x3FDB];
	s0 =	simm.s32 @p2 $0x1  }
0x17: {  	s4 =	simm.s32 $0x1BF5;
	[smem:$0x3FB6] =	sst s0  }
0x18: {  	s0 =	sld [smem:$0x3F99];
	_ =	swait.ge [sflag:s4], $0x0  }
0x19: {  	s7 =	sld [smem:$0x3F9A]  }
0x1a: {  	s8 =	sadd.s32 $0xFFFFE003, lr  }
0x1b: {  	s9 =	sadd.s32 $0xFFFFFEF7, lr;
	s5 =	simm.s32 $0xFFFFFFFF;
	p2 =	slt.u32 s8, $0xFFFFF086  }
0x1c: {  	p1 =	slt.u32 s9, $0xF7A;
	s5 =	simm.s32 @!p2 $0x0  }
0x1d: {  	s5 =	simm.s32 @p1 $0x1;
	p0 =	seq.s32 s7, s2  }
0x1e: {  	s7 =	smul.u32 @!p0 $0xF7A, s2;
	p2 =	seq.s32 @!p0 s5, $0x0  }
0x1f: {  	s9 =	smul.u32 $0xF7A, s1;
	s8 =	simm.s32 @!p0 $0x1BF5;
	p2 =	por !p2, p0  }
0x20: {  	[sflag:s8] =	ssyncset.s32 @!p0 $0xFFFFF086;
	s6 =	sadd.s32 @!p0 s3, s7;
	s7 =	simm.s32 @!p0 $0x108  }
0x21: {  	s3 =	sadd.s32 s3, s9;
	s6 =	sadd.s32 @!p0 $0x88, s6;
	s7 =	simm.s32 @p2 $0x1082  }
0x22: {  	[simem:s7], [sflag:s8] =	dma.local @!p0 [hbm:s6], $0xF7A  }
0x23: {  	s9 =	sor.u32 $0xD0000000, s2;
	s6 =	simm.s32 $0x108;
	_ =	swait.ge @!p0 [sflag:s8], $0x0  }
0x24: {  	s3 =	sadd.s32 $0x88, s3;
	s6 =	simm.s32 @!p1 $0x1082;
	[sflag:s4] =	ssyncset.s32 $0xFFFFF086  }
0x25: {  	[simem:s6], [sflag:s4] =	dma.local [hbm:s3], $0xF7A  }
0x26: {  	[smem:$0x3F9A] =	sst s1;
	(tag) =	ssettag s2;
	_ =	strace s9  }
0x27: {  	s1 =	sld [smem:$0x3FAA]  }
0x28: {  	s2 =	sld [smem:$0x3FAB]  }
0x29: {  	s4 =	sld [smem:$0x3FAD]  }
0x2a: {  	p0 =	seq.s32 s5, $0x0;
	s5 =	sld [smem:$0x3FAE]  }
0x2b: {  	s6 =	sld [smem:$0x3FAF]  }
0x2c: {  	s7 =	sld [smem:$0x3FB0]  }
0x2d: {  	s3 =	simm.s32 $0x108;
	s8 =	sld [smem:$0x3FB1]  }
0x2e: {  	s3 =	simm.s32 @!p0 $0x1082;
	s9 =	sld [smem:$0x3FB2]  }
0x2f: {  	lr =	sadd.s32 s0, s3;
	s0 =	sld [smem:$0x3FA9]  }
0x30: {  	s3 =	sld [smem:$0x3FAC]  }
0x31: {  	[smem:$0x3FB5] =	sst s10  }
0x32: {  	s10 =	sld [smem:$0x3FB3];
	_ =	sdelay $0x3  }
0x33: {  	p0 =	seq.s32 s10, $0x1;
	s10 =	sld [smem:$0x3FB5];
	_ =	sdelay $0x3  }
0x34: {  	[smem:$0x3FB5] =	sst s10  }
0x35: {  	s10 =	sld [smem:$0x3FB4];
	_ =	sdelay $0x3  }
0x36: {  	p1 =	seq.s32 s10, $0x1;
	s10 =	sld [smem:$0x3FB5];
	_ =	sdelay $0x3  }
0x37: {  	[smem:$0x3FB5] =	sst s10  }
0x38: {  	s10 =	sld [smem:$0x3FB6]  }
0x39: {  	_ = 	snop;
	(pc) =	sbr.ind lr, $3  }
0x3a: {  	_ = 	snop  }
0x3b: {  	_ = 	snop  }
0x3c: {  	p2 =	seq.s32 s10, $0x1;
	s10 =	sld [smem:$0x3FB5]  }
0x3d: {  	_ =	shalt  }
0x3e: {  	_ =	shalt  }
0x3f: {  	_ =	shalt  }
0x40: {  	_ =	shalt  }
0x41: {  	_ =	shalt  }
0x42: {  	_ =	shalt  }
0x43: {  	_ =	shalt  }
0x44: {  	_ =	shalt  }
0x45: {  	_ =	shalt  }
0x46: {  	_ =	shalt  }
0x47: {  	_ =	shalt  }
0x48: {  	_ =	shalt  }
0x49: {  	_ =	shalt  }
0x4a: {  	_ =	shalt  }
0x4b: {  	_ =	shalt  }
0x4c: {  	_ =	shalt  }
0x4d: {  	_ =	shalt  }
0x4e: {  	_ =	shalt  }
0x4f: {  	_ =	shalt  }
0x50: {  	_ =	shalt  }
0x51: {  	_ =	shalt  }
0x52: {  	_ =	shalt  }
0x53: {  	_ =	shalt  }
0x54: {  	_ =	shalt  }
0x55: {  	_ =	shalt  }
0x56: {  	_ =	shalt  }
0x57: {  	_ =	shalt  }
0x58: {  	_ =	shalt  }
0x59: {  	_ =	shalt  }
0x5a: {  	_ =	shalt  }
0x5b: {  	_ =	shalt  }
0x5c: {  	_ =	shalt  }
0x5d: {  	_ =	shalt  }
0x5e: {  	_ =	shalt  }
0x5f: {  	_ =	shalt  }
0x60: {  	_ =	shalt  }
0x61: {  	_ =	shalt  }
0x62: {  	_ =	shalt  }
0x63: {  	_ =	shalt  }
0x64: {  	_ =	shalt  }
0x65: {  	_ =	shalt  }
0x66: {  	_ =	shalt  }
0x67: {  	_ =	shalt  }
0x68: {  	_ =	shalt  }
0x69: {  	_ =	shalt  }
0x6a: {  	_ =	shalt  }
0x6b: {  	_ =	shalt  }
0x6c: {  	_ =	shalt  }
0x6d: {  	_ =	shalt  }
0x6e: {  	_ =	shalt  }
0x6f: {  	_ =	shalt  }
0x70: {  	_ =	shalt  }
0x71: {  	_ =	shalt  }
0x72: {  	_ =	shalt  }
0x73: {  	_ =	shalt  }
0x74: {  	_ =	shalt  }
0x75: {  	_ =	shalt  }
0x76: {  	_ =	shalt  }
0x77: {  	_ =	shalt  }
0x78: {  	_ =	shalt  }
0x79: {  	_ =	shalt  }
0x7a: {  	_ =	shalt  }
0x7b: {  	_ =	shalt  }
0x7c: {  	_ =	shalt  }
0x7d: {  	_ =	shalt  }
0x7e: {  	_ =	shalt  }
0x7f: {  	_ =	shalt  }
0x80: {  	_ =	shalt  }
0x81: {  	_ =	shalt  }
0x82: {  	_ =	shalt  }
0x83: {  	_ =	shalt  }
0x84: {  	_ =	shalt  }
0x85: {  	_ =	shalt  }
0x86: {  	_ =	shalt  }
0x87: {  	_ =	shalt  }
.Lfunc_end0:
.L_simem_size_0:
called_computation.1_lowered:
.L_overlay_start_0:
0x88: {  	s2 =	sld [smem:$0x3FD9]  }
0x89: {  	s3 =	sld [smem:$0x3FFE];
	_ =	sdelay $0x1  }
0x8a: {  	s1 =	srdreg.scid  }
0x8b: {  	s0 =	sand.u32 $0x1, s1  }
0x8c: {  	s16 =	sshll.u32 s0, $0xA;
	s2 =	sadd.s32 s3, s2  }
0x8d: {  	s2 =	sadd.s32 s2, s16  }
0x8e: {  	[smem:$0x3FC1] =	sst s2  }
0x8f: {  	_ = 	snop  }
0x90: {  	(tm) =	ssettm $0x1  }
0x91: {  	s17 =	sld [smem:$0x3FFB];
	_ =	sdelay $0x3  }
0x92: {  	_ =	strace s17  }
0x93: {  	s2 =	sld [smem:$0x3FFC];
	_ =	sdelay $0x3  }
0x94: {  	_ =	strace s2  }
0x95: {  	s2 =	sld [smem:$0x3FFD];
	_ =	sdelay $0x3  }
0x96: {  	_ =	strace s2  }
0x97: {  	_ =	strace $0x8FFFFFFF  }
0x98: {  	s18 =	sld [smem:$0x3FDB];
	_ =	sdelay $0x1  }
0x99: {  	s19 =	simm.s32 $_scs_section_size  }
0x9a: {  	s4 =	simm.s32 $_size__tile_overlayer_lowered;
	s5 =	simm.s32 $_tile_overlayer_lowered  }
0x9b: {  	s22 =	simm.s32 $0x1BFF;
	s21 =	sshll.u32 s5, $0x1;
	s2 =	sadd.s32 s19, s18  }
0x9c: {  	s6 =	simm.s32 $0x0;
	s20 =	sshll.u32 s4, $0x1;
	s4 =	sadd.s32 s21, s2  }
0x9d: {  	[timem:s6], [sflag:s22] =	dma.local [hbm:s4], s20  }
0x9e: {  	_ =	swait.ge [sflag:s22], s20  }
0x9f: {  	s3 =	ssub.s32 $0x0, s20;
	[sflag:s22] =	ssyncset.done $0x0  }
0xa0: {  	[sflag:s22] =	ssyncadd.s32 s3;
	_ =	sdelay $0x1  }
0xa1: {  	s23 =	simm.s32 $0x1B8B  }
0xa2: {  	_ =	swait.ge [sflag:s23], $0x1  }
0xa3: {  	[sflag:s23] =	ssyncset.done $0x0  }
0xa4: {  	s25 =	simm.s32 $0x1B8E;
	s24 =	sld [smem:$0x3FFE];
	[sflag:s23] =	ssyncadd.s32 $0xFFFFFFFF  }
0xa5: {  	s26 =	simm.s32 $execute0_lowered;
	[smem:$0x3FD2] =	sst s25  }
0xa6: {  	s4 =	sshll.u32 s26, $0x1;
	_ =	strace $0x80000049;
	[dreg:$0x1] =	wrdreg $0xFFFFFFFF  }
0xa7: {  	s28 =	simm.s32 $_size_execute0_lowered;
	s2 =	sadd.s32 s2, s4;
	[dreg:$0x0] =	wrdreg $0x0  }
0xa8: {  	s4 =	sshll.u32 s28, $0x1;
	[dreg:$0x2] =	wrdreg s2  }
0xa9: {  	[dreg:$0x3] =	wrdreg s4  }
0xaa: {  	[dreg:$0x4] =	wrdreg $0xC0  }
0xab: {  	_ =	task [dreg:s6], $0x5FFFF  }
0xac: {  	[dreg:$0x1] =	wrdreg $0xFFFFFFFF  }
0xad: {  	[dreg:$0x0] =	wrdreg $0x60  }
0xae: {  	[dreg:$0x2] =	wrdreg s24  }
0xaf: {  	[dreg:$0x3] =	wrdreg $0xA8000  }
0xb0: {  	[dreg:$0x4] =	wrdreg $0x9  }
0xb1: {  	_ =	task.clear_ibuf [dreg:s6], $0x5FFFF;
	_ =	strace $0x90000049  }
0xb2: {  	s29 =	simm.s32 $0x9;
	_ =	strace $0x8000004B  }
0xb3: {  	_ =	swait.ge [sflag:s29], $0x1  }
0xb4: {  	[sflag:s29] =	ssyncadd.s32 $0xFFFFFFFF  }
0xb5: {  	_ =	strace $0x9000004B  }
0xb6: {  	_ =	sfence  }
0xb7: {  	s30 =	sld [smem:$0x0];
	_ =	sdelay $0x2  }
0xb8: {  	s31 =	sshll.u32 s1, $0xD;
	s1 =	sshrl.u32 s1, $0x2  }
0xb9: {  	s3 =	sand.u32 $0x4000, s31;
	s1 =	sadd.s32 s1, s30  }
0xba: {  	s0 =	sor.u32 s3, s0;
	s1 =	sshll.u32 s1, $0x11  }
0xbb: {  	s0 =	sor.u32 s1, s0  }
0xbc: {  	s0 =	sadd.s32 $0x8F2B, s0  }
0xbd: {  	[sflag:s0] =	ssyncadd.remote.s32 $0x1  }
0xbe: {  	_ =	sfence.sel $0xFFFF  }
0xbf: {  	[dreg:$0x0] =	wrdreg $0xFFFFFFFF;
	(pc) =	sbr.abs _section_cstart, $3  }
0xc0: {  	[dreg:$0x1] =	wrdreg $0xFFFFFFFF  }
0xc1: {  	_ =	task.clear_ibuf [dreg:s6], $0x2FFFF;
	_ =	strace $0x9FFFFFFF  }
0xc2: {  	(tm) =	ssettm $0x7FFFFFFF  }
0xc3: {  	_ =	shalt  }
tec
execute0_lowered:
.L_overlay_start_1:
0x0: {  	(tag) =	ssettag $0x1  }
0x1: {  	s5 =	rddreg [dreg:$0x0]  }
0x2: {  	s1 =	rddreg [dreg:$0x1]  }
0x3: {  	s0 =	rddreg [dreg:$0x2];
	s2 =	simm.s32 $0x0;
	s6 =	srdreg.scid  }
0x4: {  	s3 =	stileid.u32;
	s20 =	simm.s32 $0x1;
	s21 =	simm.s32 $0x80  }
0x5: {  	s22 =	simm.s32 $0x2780;
	s23 =	simm.s32 $0x6800;
	[smem:$0x7FF] =	sst s2  }
0x6: {  	s4 =	sadd.s32 $0x16C00, s5;
	s13 =	sadd.s32 $0x2C00, s5;
	s8 =	sand.u32 $0x1, s6  }
0x7: {  	s14 =	sadd.s32 $0xCC00, s5;
	s7 =	smul.u32 $0x4E000, s3;
	s16 =	sadd.s32 $0x3DE00, s5  }
0x8: {  	s19 =	smul.u32 $0x13800, s3;
	s10 =	sadd.s32 $0x134800, s1;
	p0 =	seq.s32 s3, $0xF  }
0x9: {  	_ =	strace $0x8000004A;
	s6 =	sshll.u32 s8, $0x4;
	s31 =	ssub.s32 $0x2, s8  }
0xa: {  	s18 =	smul.u32 $0x138800, s8;
	s6 =	sor.u32 s3, s6;
	s9 =	sshrl.u32 s31, $0x1  }
0xb: {  	s7 =	sshrl.u32 s7, $0x2;
	s12 =	smul.u32 $0x500, s6;
	s17 =	ssub.s32 s31, s9  }
0xc: {  	s5 =	sadd.s32 s7, s1;
	s15 =	smul.u32 $0x2800, s6;
	s19 =	sadd.s32 s19, s18  }
0xd: {  	s18 =	sshrl.u32 s18, $0x3;
	s6 =	sadd.s32 $0x4000, s5;
	s7 =	sadd.s32 $0x8000, s5  }
0xe: {  	s8 =	sadd.s32 $0xC000, s5;
	s9 =	sadd.s32 $0x10000, s5;
	s15 =	sshrl.u32 s15, $0x3  }
0xf: {  	s19 =	sshrl.u32 s19, $0x3;
	s17 =	smax.u32 s17, $0x1;
	s15 =	sadd.s32 $0x280, s15  }
0x10: {  	s11 =	sadd.s32 s13, s12;
	s12 =	sadd.s32 s14, s12;
	s13 =	sadd.s32 s13, s15  }
0x11: {  	s14 =	sadd.s32 s14, s15;
	s15 =	sadd.s32 s16, s19;
	s16 =	sadd.s32 s16, s18  }
0x12: {  	v0 =	vimm.f32 $0.0e+00;
	s18 =	simm.s32 $0x2800;
	s19 =	simm.s32 $0x2;
	s16 =	sadd.s32 $0x24900, s16  }
.LBB2_1:
0x13: {  	s24 =	simm.s32 $0x0;
	s25 =	simm.s32 $0x200  }
.LBB2_2:
0x14: {  	p1 =	sne.s32 s25, $0xFE00;
	[tilespmem:s24+$0x2870] =	vst v0  }
0x15: {  	[tilespmem:s24+$0x2800] =	vst v0  }
0x16: {  	[tilespmem:s24+$0x2810] =	vst v0  }
.Ltmp0:
0x17: {  	[tilespmem:s24+$0x2820] =	vst v0;
	(pc) =	sbr.rel @p1 .LBB2_2-.Ltmp0, $4  }
0x18: {  	[tilespmem:s24+$0x2830] =	vst v0  }
0x19: {  	[tilespmem:s24+$0x2840] =	vst v0  }
0x1a: {  	[tilespmem:s24+$0x2850] =	vst v0  }
0x1b: {  	[tilespmem:s24+$0x2860] =	vst v0;
	s24 =	sshra.s32 s25, $0x2;
	s25 =	sadd.s32 $0x200, s25  }
0x1c: {  	[tilespmem:s24+$0x2870] =	vst v0  }
0x1d: {  	[tilespmem:s24+$0x2800] =	vst v0  }
0x1e: {  	[tilespmem:s24+$0x2810] =	vst v0  }
0x1f: {  	[tilespmem:s24+$0x2820] =	vst v0  }
0x20: {  	[tilespmem:s24+$0x2830] =	vst v0  }
0x21: {  	[tilespmem:s24+$0x2840] =	vst v0  }
0x22: {  	[tilespmem:s24+$0x2850] =	vst v0  }
0x23: {  	[tilespmem:s24+$0x2860] =	vst v0  }
0x24: {  	[spmem:s5] =	stream.linear.scatter [tilespmem:s18], [sflag:$0x2], $0x4000, $0x38;
	[tilespmem:$0x1E100] =	vst v63  }
0x25: {  	_ =	swait.ge [sflag:s19], $0x4000  }
0x26: {  	[sflag:s19] =	ssyncset.done $0x0  }
0x27: {  	[sflag:s19] =	ssyncadd.s32 $0xFFFFC000  }
0x28: {  	[spmem:s6] =	stream.linear.scatter [tilespmem:s18], [sflag:$0x2], $0x4000, $0x38;
	[tilespmem:$0x1E100] =	vst v63  }
0x29: {  	_ =	swait.ge [sflag:s19], $0x4000  }
0x2a: {  	[sflag:s19] =	ssyncset.done $0x0  }
0x2b: {  	[sflag:s19] =	ssyncadd.s32 $0xFFFFC000  }
0x2c: {  	[spmem:s7] =	stream.linear.scatter [tilespmem:s18], [sflag:$0x2], $0x4000, $0x38;
	[tilespmem:$0x1E100] =	vst v63  }
0x2d: {  	_ =	swait.ge [sflag:s19], $0x4000  }
0x2e: {  	[sflag:s19] =	ssyncset.done $0x0  }
0x2f: {  	[sflag:s19] =	ssyncadd.s32 $0xFFFFC000  }
0x30: {  	[spmem:s8] =	stream.linear.scatter [tilespmem:s18], [sflag:$0x2], $0x4000, $0x38;
	[tilespmem:$0x1E100] =	vst v63  }
0x31: {  	_ =	swait.ge [sflag:s19], $0x4000  }
0x32: {  	[sflag:s19] =	ssyncset.done $0x0  }
0x33: {  	s24 =	simm.s32 @p0 $0x2800;
	[sflag:s19] =	ssyncadd.s32 $0xFFFFC000  }
0x34: {  	[spmem:s10] =	stream.linear.scatter @p0 [tilespmem:s24], [sflag:$0x2], $0x4000, $0x38;
	[tilespmem:$0x1E100] =	vst v63  }
0x35: {  	s24 =	simm.s32 @p0 $0x2  }
0x36: {  	_ =	swait.ge @p0 [sflag:s24], $0x4000  }
0x37: {  	[sflag:s24] =	ssyncset.done @p0 $0x0  }
0x38: {  	[sflag:s24] =	ssyncadd.s32 @p0 $0xFFFFC000;
	s24 =	simm.s32 @!p0 $0x2800  }
0x39: {  	[spmem:s9] =	stream.linear.scatter @!p0 [tilespmem:s24], [sflag:$0x2], $0x3800, $0x38;
	[tilespmem:$0x1E100] =	vst v63  }
0x3a: {  	s24 =	simm.s32 @!p0 $0x2  }
0x3b: {  	_ =	swait.ge @!p0 [sflag:s24], $0x3800  }
0x3c: {  	[sflag:s24] =	ssyncset.done @!p0 $0x0  }
0x3d: {  	[sflag:s24] =	ssyncadd.s32 @!p0 $0xFFFFC800  }
0x3e: {  	s26 =	simm.s32 $0x0;
	[bflag:$0x0] =	sbarrier.arrive $0xFFFF  }
0x3f: {  	[tilespmem:s26], [sflag:$0x2] =	stream.linear.gather [hbm4b:s11+s26], $0x1400, $0x38;
	[tilespmem:$0x1E100] =	vst v63  }
0x40: {  	_ =	swait.ge [sflag:s19], $0x1400  }
0x41: {  	[sflag:s19] =	ssyncset.done $0x0  }
0x42: {  	s24 =	simm.s32 $0x1400;
	[sflag:s19] =	ssyncadd.s32 $0xFFFFEC00  }
0x43: {  	[tilespmem:s24], [sflag:$0x2] =	stream.linear.gather [hbm4b:s12+s26], $0x1400, $0x38;
	[tilespmem:$0x1E100] =	vst v63  }
0x44: {  	_ =	swait.ge [sflag:s19], $0x1400  }
0x45: {  	[sflag:s19] =	ssyncset.done $0x0  }
0x46: {  	s25 =	simm.s32 $0x80;
	[sflag:s19] =	ssyncadd.s32 $0xFFFFEC00  }
0x47: {  	[tilespmem:s18], [sflag:$0x1] =	stream.indirect.gather [hbm4b:s4+s25], $0x80, s26, s25, $0xb8;
	[tilespmem:$0x1E100] =	vst v63  }
0x48: {  	s31 =	simm.s32 $0x0;
	_ =	swait.ge [sflag:s20], $0x4000  }
0x49: {  	s26 =	sand.u32 $0x4000, s31;
	[sflag:s20] =	ssyncset.done $0x0  }
0x4a: {  	s28 =	sxor.u32 $0x6800, s26;
	[sflag:s20] =	ssyncadd.s32 $0xFFFFC000  }
0x4b: {  	[tilespmem:s28], [sflag:$0x1] =	stream.indirect.gather [hbm4b:s4+s21], $0x80, s25, s21, $0xb8;
	[tilespmem:$0x1E100] =	vst v63  }
0x4c: {  	s26 =	sor.u32 $0x2800, s26  }
0x4d: {  	[spmem:s1] =	stream.indirect.scatter.add.f32 [tilespmem:s26], [sflag:$0x2], $0x80, s24, s21, $0xb8;
	[tilespmem:$0x1E100] =	vst v63  }
0x4e: {  	_ =	swait.ge [sflag:s19], $0x4000  }
0x4f: {  	s26 =	simm.s32 $0x1;
	[sflag:s19] =	ssyncset.done $0x0  }
.LBB2_4:
0x50: {  	[sflag:s19] =	ssyncadd.s32 $0xFFFFC000;
	s24 =	sadd.s32 $0x80, s24;
	s25 =	sadd.s32 $0x80, s25  }
0x51: {  	p1 =	sne.s32 s26, $0x26;
	s28 =	smov.u32 s26;
	s26 =	sadd.s32 $0x1, s26  }
0x52: {  	s28 =	sshll.u32 s28, $0xE;
	_ =	swait.ge [sflag:s20], $0x4000  }
0x53: {  	s28 =	sand.u32 $0x4000, s28;
	[sflag:s20] =	ssyncset.done $0x0  }
0x54: {  	s29 =	sxor.u32 $0x6800, s28;
	[sflag:s20] =	ssyncadd.s32 $0xFFFFC000  }
0x55: {  	[tilespmem:s29], [sflag:$0x1] =	stream.indirect.gather [hbm4b:s4+s21], $0x80, s25, s21, $0xb8;
	[tilespmem:$0x1E100] =	vst v63  }
.Ltmp1:
0x56: {  	_ = 	snop;
	(pc) =	sbr.rel @p1 .LBB2_4-.Ltmp1, $4  }
0x57: {  	s28 =	sor.u32 $0x2800, s28  }
0x58: {  	[spmem:s1] =	stream.indirect.scatter.add.f32 [tilespmem:s28], [sflag:$0x2], $0x80, s24, s21, $0xb8;
	[tilespmem:$0x1E100] =	vst v63  }
0x59: {  	_ =	swait.ge [sflag:s19], $0x4000  }
0x5a: {  	[sflag:s19] =	ssyncset.done $0x0  }
0x5b: {  	[sflag:s19] =	ssyncadd.s32 $0xFFFFC000  }
0x5c: {  	_ =	swait.ge [sflag:s20], $0x4000  }
0x5d: {  	[sflag:s20] =	ssyncset.done $0x0  }
0x5e: {  	s24 =	simm.s32 $0x80;
	[sflag:s20] =	ssyncadd.s32 $0xFFFFC000  }
0x5f: {  	[spmem:s1] =	stream.indirect.scatter.add.f32 [tilespmem:s23], [sflag:$0x2], $0x80, s22, s24, $0xb8;
	[tilespmem:$0x1E100] =	vst v63  }
0x60: {  	_ =	swait.ge [sflag:s19], $0x4000  }
0x61: {  	[sflag:s19] =	ssyncset.done $0x0  }
0x62: {  	s26 =	simm.s32 $0x0;
	[sflag:s19] =	ssyncadd.s32 $0xFFFFC000  }
0x63: {  	[tilespmem:s26], [sflag:$0x2] =	stream.linear.gather [hbm4b:s13+s26], $0x1400, $0x38;
	[tilespmem:$0x1E100] =	vst v63  }
0x64: {  	_ =	swait.ge [sflag:s19], $0x1400  }
0x65: {  	[sflag:s19] =	ssyncset.done $0x0  }
0x66: {  	s25 =	simm.s32 $0x1400;
	[sflag:s19] =	ssyncadd.s32 $0xFFFFEC00  }
0x67: {  	[tilespmem:s25], [sflag:$0x2] =	stream.linear.gather [hbm4b:s14+s26], $0x1400, $0x38;
	[tilespmem:$0x1E100] =	vst v63  }
0x68: {  	_ =	swait.ge [sflag:s19], $0x1400  }
0x69: {  	[sflag:s19] =	ssyncset.done $0x0  }
0x6a: {  	[sflag:s19] =	ssyncadd.s32 $0xFFFFEC00  }
0x6b: {  	[tilespmem:s18], [sflag:$0x1] =	stream.indirect.gather [hbm4b:s4+s24], $0x80, s26, s24, $0xb8;
	[tilespmem:$0x1E100] =	vst v63  }
0x6c: {  	s31 =	simm.s32 $0x0;
	_ =	swait.ge [sflag:s20], $0x4000  }
0x6d: {  	s26 =	sand.u32 $0x4000, s31;
	[sflag:s20] =	ssyncset.done $0x0  }
0x6e: {  	s28 =	sxor.u32 $0x6800, s26;
	[sflag:s20] =	ssyncadd.s32 $0xFFFFC000  }
0x6f: {  	[tilespmem:s28], [sflag:$0x1] =	stream.indirect.gather [hbm4b:s4+s21], $0x80, s24, s21, $0xb8;
	[tilespmem:$0x1E100] =	vst v63  }
0x70: {  	s26 =	sor.u32 $0x2800, s26  }
0x71: {  	[spmem:s1] =	stream.indirect.scatter.add.f32 [tilespmem:s26], [sflag:$0x2], $0x80, s25, s21, $0xb8;
	[tilespmem:$0x1E100] =	vst v63  }
0x72: {  	_ =	swait.ge [sflag:s19], $0x4000  }
0x73: {  	s26 =	simm.s32 $0x1;
	[sflag:s19] =	ssyncset.done $0x0  }
.LBB2_6:
0x74: {  	[sflag:s19] =	ssyncadd.s32 $0xFFFFC000;
	s25 =	sadd.s32 $0x80, s25;
	s24 =	sadd.s32 $0x80, s24  }
0x75: {  	p1 =	sne.s32 s26, $0x26;
	s28 =	smov.u32 s26;
	s26 =	sadd.s32 $0x1, s26  }
0x76: {  	s28 =	sshll.u32 s28, $0xE;
	_ =	swait.ge [sflag:s20], $0x4000  }
0x77: {  	s28 =	sand.u32 $0x4000, s28;
	[sflag:s20] =	ssyncset.done $0x0  }
0x78: {  	s29 =	sxor.u32 $0x6800, s28;
	[sflag:s20] =	ssyncadd.s32 $0xFFFFC000  }
0x79: {  	[tilespmem:s29], [sflag:$0x1] =	stream.indirect.gather [hbm4b:s4+s21], $0x80, s24, s21, $0xb8;
	[tilespmem:$0x1E100] =	vst v63  }
.Ltmp2:
0x7a: {  	_ = 	snop;
	(pc) =	sbr.rel @p1 .LBB2_6-.Ltmp2, $4  }
0x7b: {  	s28 =	sor.u32 $0x2800, s28  }
0x7c: {  	[spmem:s1] =	stream.indirect.scatter.add.f32 [tilespmem:s28], [sflag:$0x2], $0x80, s25, s21, $0xb8;
	[tilespmem:$0x1E100] =	vst v63  }
0x7d: {  	_ =	swait.ge [sflag:s19], $0x4000  }
0x7e: {  	[sflag:s19] =	ssyncset.done $0x0  }
0x7f: {  	[sflag:s19] =	ssyncadd.s32 $0xFFFFC000  }
0x80: {  	_ =	swait.ge [sflag:s20], $0x4000  }
0x81: {  	[sflag:s20] =	ssyncset.done $0x0  }
0x82: {  	[sflag:s20] =	ssyncadd.s32 $0xFFFFC000  }
0x83: {  	[spmem:s1] =	stream.indirect.scatter.add.f32 [tilespmem:s23], [sflag:$0x2], $0x80, s22, s21, $0xb8;
	[tilespmem:$0x1E100] =	vst v63  }
0x84: {  	_ =	swait.ge [sflag:s19], $0x4000  }
0x85: {  	[sflag:s19] =	ssyncset.done $0x0  }
0x86: {  	[sflag:s19] =	ssyncadd.s32 $0xFFFFC000  }
0x87: {  	s24 =	sshrl.u32 @p0 s5, $0x3;
	s25 =	simm.s32 @p0 $0x1FC2;
	[bflag:$0x0] =	sbarrier.arrive $0xFFFF  }
0x88: {  	[hbm:s16], [sflag:s25] =	dma.local @p0 [spmem:s24], $0x2800  }
0x89: {  	s24 =	simm.s32 @p0 $0x2  }
0x8a: {  	s2 =	sadd.s32 $0x1, s2;
	_ =	swait.ge @p0 [sflag:s24], $0x2800  }
0x8b: {  	p1 =	sne.s32 s2, s17;
	s25 =	sshll.u32 @!p0 s3, $0x6;
	[sflag:s24] =	ssyncset.done @p0 $0x0  }
0x8c: {  	[sflag:s24] =	ssyncadd.s32 @p0 $0xFFFFD800;
	s24 =	sor.u32 @!p0 $0x1C02, s25;
	s25 =	sshrl.u32 @!p0 s5, $0x3  }
0x8d: {  	[hbm:s15], [sflag:s24] =	dma.local @!p0 [spmem:s25], $0x2700  }
.Ltmp3:
0x8e: {  	_ = 	snop;
	(pc) =	sbr.rel @p1 .LBB2_1-.Ltmp3, $4  }
0x8f: {  	s24 =	simm.s32 @!p0 $0x2  }
0x90: {  	_ =	swait.ge @!p0 [sflag:s24], $0x2700  }
0x91: {  	[sflag:s24] =	ssyncset.done @!p0 $0x0  }
0x92: {  	[sflag:s24] =	ssyncadd.s32 @!p0 $0xFFFFD900  }
0x93: {  	_ =	sfence.sel $0x180000  }
0x94: {  	[bflag:$0x0] =	sbarrier.arrive $0xFFFF  }
0x95: {  	p0 =	sne.s32 s3, $0x0;
	_ =	strace $0x9000004A  }
0x96: {  	s0 =	sadd.s32 @!p0 $0x100000, s0;
	[bflag:$0x2] =	sbarrier.arrive $0xFFFF  }
0x97: {  	[sflag:s0] =	ssyncadd.tile.s32 @!p0 $0x1;
	_ =	shalt  }
.Lfunc_end2:
_tile_overlayer_lowered:
.L_overlay_start_2:
0x98: {  	(tag) =	ssettag $0x2  }
0x99: {  	s0 =	rddreg [dreg:$0x0];
	s2 =	stileid.u32  }
0x9a: {  	s1 =	rddreg [dreg:$0x1];
	p0 =	sne.s32 s2, $0x0  }
0x9b: {  	s3 =	rddreg [dreg:$0x2];
	[bflag:$0x3] =	sbarrier.arrive $0xFFFF;
	s2 =	simm.s32 @!p0 $0x1C02  }
0x9c: {  	[timem:s3], [sflag:s2] =	dma.local @!p0 [hbm:s0], s1  }
0x9d: {  	s0 =	simm.s32 @!p0 $0x2  }
0x9e: {  	_ =	swait.ge @!p0 [sflag:s0], s1  }
0x9f: {  	s1 =	ssub.s32 @!p0 $0x0, s1;
	[sflag:s0] =	ssyncset.done @!p0 $0x0  }
0xa0: {  	[sflag:s0] =	ssyncadd.s32 @!p0 s1  }
0xa1: {  	[bflag:$0x3] =	sbarrier.arrive $0xFFFF  }
0xa2: {  	_ =	shalt  }

// kernel: kernel.15.cloned.1.call-start
scs
__scs_entry_jumppad:
0x0: {  	(pc) =	sbr.rel $0x88, $3  }
0x1: {  	(tag) =	ssettag $0x0;
	lr =	simm.s32 $0x1  }
0x2: {  	[smem:$0x3F9A] =	sst lr;
	_ =	strace $0xD0000000  }
0x3: {  	_ = 	snop  }
0x4: {  	_ = 	snop  }
0x5: {  	_ = 	snop  }
0x6: {  	_ = 	snop  }
0x7: {  	_ = 	snop  }
__scs_overlays_trampoline_lowered:
0x8: {  	[smem:$0x3FA9] =	sst s0  }
0x9: {  	[smem:$0x3FAA] =	sst s1  }
0xa: {  	[smem:$0x3FAB] =	sst s2  }
0xb: {  	[smem:$0x3FAC] =	sst s3  }
0xc: {  	[smem:$0x3FAD] =	sst s4  }
0xd: {  	[smem:$0x3FAE] =	sst s5  }
0xe: {  	[smem:$0x3FAF] =	sst s6  }
0xf: {  	[smem:$0x3FB0] =	sst s7  }
0x10: {  	[smem:$0x3FB1] =	sst s8  }
0x11: {  	[smem:$0x3FB2] =	sst s9;
	s0 =	simm.s32 @!p0 $0x0  }
0x12: {  	s1 =	sld [smem:$0x3F98];
	s0 =	simm.s32 @p0 $0x1  }
0x13: {  	[smem:$0x3FB3] =	sst s0;
	s0 =	simm.s32 @!p1 $0x0  }
0x14: {  	s2 =	sld [smem:$0x3F97];
	s0 =	simm.s32 @p1 $0x1  }
0x15: {  	[smem:$0x3FB4] =	sst s0;
	s0 =	simm.s32 @!p2 $0x0  }
0x16: {  	s3 =	sld [smem:$0x3FDB];
	s0 =	simm.s32 @p2 $0x1  }
0x17: {  	s4 =	simm.s32 $0x1BF5;
	[smem:$0x3FB6] =	sst s0  }
0x18: {  	s0 =	sld [smem:$0x3F99];
	_ =	swait.ge [sflag:s4], $0x0  }
0x19: {  	s7 =	sld [smem:$0x3F9A]  }
0x1a: {  	s8 =	sadd.s32 $0xFFFFE003, lr  }
0x1b: {  	s9 =	sadd.s32 $0xFFFFFEF7, lr;
	s5 =	simm.s32 $0xFFFFFFFF;
	p2 =	slt.u32 s8, $0xFFFFF086  }
0x1c: {  	p1 =	slt.u32 s9, $0xF7A;
	s5 =	simm.s32 @!p2 $0x0  }
0x1d: {  	s5 =	simm.s32 @p1 $0x1;
	p0 =	seq.s32 s7, s2  }
0x1e: {  	s7 =	smul.u32 @!p0 $0xF7A, s2;
	p2 =	seq.s32 @!p0 s5, $0x0  }
0x1f: {  	s9 =	smul.u32 $0xF7A, s1;
	s8 =	simm.s32 @!p0 $0x1BF5;
	p2 =	por !p2, p0  }
0x20: {  	[sflag:s8] =	ssyncset.s32 @!p0 $0xFFFFF086;
	s6 =	sadd.s32 @!p0 s3, s7;
	s7 =	simm.s32 @!p0 $0x108  }
0x21: {  	s3 =	sadd.s32 s3, s9;
	s6 =	sadd.s32 @!p0 $0x88, s6;
	s7 =	simm.s32 @p2 $0x1082  }
0x22: {  	[simem:s7], [sflag:s8] =	dma.local @!p0 [hbm:s6], $0xF7A  }
0x23: {  	s9 =	sor.u32 $0xD0000000, s2;
	s6 =	simm.s32 $0x108;
	_ =	swait.ge @!p0 [sflag:s8], $0x0  }
0x24: {  	s3 =	sadd.s32 $0x88, s3;
	s6 =	simm.s32 @!p1 $0x1082;
	[sflag:s4] =	ssyncset.s32 $0xFFFFF086  }
0x25: {  	[simem:s6], [sflag:s4] =	dma.local [hbm:s3], $0xF7A  }
0x26: {  	[smem:$0x3F9A] =	sst s1;
	(tag) =	ssettag s2;
	_ =	strace s9  }
0x27: {  	s1 =	sld [smem:$0x3FAA]  }
0x28: {  	s2 =	sld [smem:$0x3FAB]  }
0x29: {  	s4 =	sld [smem:$0x3FAD]  }
0x2a: {  	p0 =	seq.s32 s5, $0x0;
	s5 =	sld [smem:$0x3FAE]  }
0x2b: {  	s6 =	sld [smem:$0x3FAF]  }
0x2c: {  	s7 =	sld [smem:$0x3FB0]  }
0x2d: {  	s3 =	simm.s32 $0x108;
	s8 =	sld [smem:$0x3FB1]  }
0x2e: {  	s3 =	simm.s32 @!p0 $0x1082;
	s9 =	sld [smem:$0x3FB2]  }
0x2f: {  	lr =	sadd.s32 s0, s3;
	s0 =	sld [smem:$0x3FA9]  }
0x30: {  	s3 =	sld [smem:$0x3FAC]  }
0x31: {  	[smem:$0x3FB5] =	sst s10  }
0x32: {  	s10 =	sld [smem:$0x3FB3];
	_ =	sdelay $0x3  }
0x33: {  	p0 =	seq.s32 s10, $0x1;
	s10 =	sld [smem:$0x3FB5];
	_ =	sdelay $0x3  }
0x34: {  	[smem:$0x3FB5] =	sst s10  }
0x35: {  	s10 =	sld [smem:$0x3FB4];
	_ =	sdelay $0x3  }
0x36: {  	p1 =	seq.s32 s10, $0x1;
	s10 =	sld [smem:$0x3FB5];
	_ =	sdelay $0x3  }
0x37: {  	[smem:$0x3FB5] =	sst s10  }
0x38: {  	s10 =	sld [smem:$0x3FB6]  }
0x39: {  	_ = 	snop;
	(pc) =	sbr.ind lr, $3  }
0x3a: {  	_ = 	snop  }
0x3b: {  	_ = 	snop  }
0x3c: {  	p2 =	seq.s32 s10, $0x1;
	s10 =	sld [smem:$0x3FB5]  }
0x3d: {  	_ =	shalt  }
0x3e: {  	_ =	shalt  }
0x3f: {  	_ =	shalt  }
0x40: {  	_ =	shalt  }
0x41: {  	_ =	shalt  }
0x42: {  	_ =	shalt  }
0x43: {  	_ =	shalt  }
0x44: {  	_ =	shalt  }
0x45: {  	_ =	shalt  }
0x46: {  	_ =	shalt  }
0x47: {  	_ =	shalt  }
0x48: {  	_ =	shalt  }
0x49: {  	_ =	shalt  }
0x4a: {  	_ =	shalt  }
0x4b: {  	_ =	shalt  }
0x4c: {  	_ =	shalt  }
0x4d: {  	_ =	shalt  }
0x4e: {  	_ =	shalt  }
0x4f: {  	_ =	shalt  }
0x50: {  	_ =	shalt  }
0x51: {  	_ =	shalt  }
0x52: {  	_ =	shalt  }
0x53: {  	_ =	shalt  }
0x54: {  	_ =	shalt  }
0x55: {  	_ =	shalt  }
0x56: {  	_ =	shalt  }
0x57: {  	_ =	shalt  }
0x58: {  	_ =	shalt  }
0x59: {  	_ =	shalt  }
0x5a: {  	_ =	shalt  }
0x5b: {  	_ =	shalt  }
0x5c: {  	_ =	shalt  }
0x5d: {  	_ =	shalt  }
0x5e: {  	_ =	shalt  }
0x5f: {  	_ =	shalt  }
0x60: {  	_ =	shalt  }
0x61: {  	_ =	shalt  }
0x62: {  	_ =	shalt  }
0x63: {  	_ =	shalt  }
0x64: {  	_ =	shalt  }
0x65: {  	_ =	shalt  }
0x66: {  	_ =	shalt  }
0x67: {  	_ =	shalt  }
0x68: {  	_ =	shalt  }
0x69: {  	_ =	shalt  }
0x6a: {  	_ =	shalt  }
0x6b: {  	_ =	shalt  }
0x6c: {  	_ =	shalt  }
0x6d: {  	_ =	shalt  }
0x6e: {  	_ =	shalt  }
0x6f: {  	_ =	shalt  }
0x70: {  	_ =	shalt  }
0x71: {  	_ =	shalt  }
0x72: {  	_ =	shalt  }
0x73: {  	_ =	shalt  }
0x74: {  	_ =	shalt  }
0x75: {  	_ =	shalt  }
0x76: {  	_ =	shalt  }
0x77: {  	_ =	shalt  }
0x78: {  	_ =	shalt  }
0x79: {  	_ =	shalt  }
0x7a: {  	_ =	shalt  }
0x7b: {  	_ =	shalt  }
0x7c: {  	_ =	shalt  }
0x7d: {  	_ =	shalt  }
0x7e: {  	_ =	shalt  }
0x7f: {  	_ =	shalt  }
0x80: {  	_ =	shalt  }
0x81: {  	_ =	shalt  }
0x82: {  	_ =	shalt  }
0x83: {  	_ =	shalt  }
0x84: {  	_ =	shalt  }
0x85: {  	_ =	shalt  }
0x86: {  	_ =	shalt  }
0x87: {  	_ =	shalt  }
.Lfunc_end0:
.L_simem_size_0:
called_computation.2_lowered:
.L_overlay_start_0:
0x88: {  	s2 =	sld [smem:$0x3FD9]  }
0x89: {  	s3 =	sld [smem:$0x3FFE];
	_ =	sdelay $0x1  }
0x8a: {  	s1 =	srdreg.scid  }
0x8b: {  	s0 =	sand.u32 $0x1, s1  }
0x8c: {  	s16 =	sshll.u32 s0, $0xA;
	s2 =	sadd.s32 s3, s2  }
0x8d: {  	s2 =	sadd.s32 s2, s16  }
0x8e: {  	[smem:$0x3FC1] =	sst s2  }
0x8f: {  	_ = 	snop  }
0x90: {  	(tm) =	ssettm $0x1  }
0x91: {  	s17 =	sld [smem:$0x3FFB];
	_ =	sdelay $0x3  }
0x92: {  	_ =	strace s17  }
0x93: {  	s2 =	sld [smem:$0x3FFC];
	_ =	sdelay $0x3  }
0x94: {  	_ =	strace s2  }
0x95: {  	s2 =	sld [smem:$0x3FFD];
	_ =	sdelay $0x3  }
0x96: {  	_ =	strace s2  }
0x97: {  	_ =	strace $0x8FFFFFFF  }
0x98: {  	s18 =	sld [smem:$0x3FDB];
	_ =	sdelay $0x1  }
0x99: {  	s19 =	simm.s32 $_scs_section_size  }
0x9a: {  	s4 =	simm.s32 $_size__tile_overlayer_lowered;
	s5 =	simm.s32 $_tile_overlayer_lowered  }
0x9b: {  	s22 =	simm.s32 $0x1BFF;
	s21 =	sshll.u32 s5, $0x1;
	s2 =	sadd.s32 s19, s18  }
0x9c: {  	s6 =	simm.s32 $0x0;
	s20 =	sshll.u32 s4, $0x1;
	s4 =	sadd.s32 s21, s2  }
0x9d: {  	[timem:s6], [sflag:s22] =	dma.local [hbm:s4], s20  }
0x9e: {  	_ =	swait.ge [sflag:s22], s20  }
0x9f: {  	s3 =	ssub.s32 $0x0, s20;
	[sflag:s22] =	ssyncset.done $0x0  }
0xa0: {  	[sflag:s22] =	ssyncadd.s32 s3;
	_ =	sdelay $0x1  }
0xa1: {  	s23 =	simm.s32 $0x1B8B  }
0xa2: {  	_ =	swait.ge [sflag:s23], $0x1  }
0xa3: {  	[sflag:s23] =	ssyncset.done $0x0  }
0xa4: {  	s25 =	simm.s32 $0x1B8E;
	s24 =	sld [smem:$0x3FFE];
	[sflag:s23] =	ssyncadd.s32 $0xFFFFFFFF  }
0xa5: {  	s26 =	simm.s32 $execute0_lowered;
	[smem:$0x3FD2] =	sst s25  }
0xa6: {  	s4 =	sshll.u32 s26, $0x1;
	_ =	strace $0x8000004C;
	[dreg:$0x1] =	wrdreg $0xFFFFFFFF  }
0xa7: {  	s28 =	simm.s32 $_size_execute0_lowered;
	s2 =	sadd.s32 s2, s4;
	[dreg:$0x0] =	wrdreg $0x0  }
0xa8: {  	s4 =	sshll.u32 s28, $0x1;
	[dreg:$0x2] =	wrdreg s2  }
0xa9: {  	[dreg:$0x3] =	wrdreg s4  }
0xaa: {  	[dreg:$0x4] =	wrdreg $0xC0  }
0xab: {  	_ =	task [dreg:s6], $0x5FFFF  }
0xac: {  	[dreg:$0x1] =	wrdreg $0xFFFFFFFF  }
0xad: {  	[dreg:$0x0] =	wrdreg $0x60  }
0xae: {  	[dreg:$0x2] =	wrdreg s24  }
0xaf: {  	[dreg:$0x3] =	wrdreg $0xA8000  }
0xb0: {  	[dreg:$0x4] =	wrdreg $0x9  }
0xb1: {  	_ =	task.clear_ibuf [dreg:s6], $0x5FFFF;
	_ =	strace $0x9000004C  }
0xb2: {  	s29 =	simm.s32 $0x9;
	_ =	strace $0x8000004E  }
0xb3: {  	_ =	swait.ge [sflag:s29], $0x1  }
0xb4: {  	[sflag:s29] =	ssyncadd.s32 $0xFFFFFFFF  }
0xb5: {  	_ =	strace $0x9000004E  }
0xb6: {  	_ =	sfence  }
0xb7: {  	s30 =	sld [smem:$0x0];
	_ =	sdelay $0x2  }
0xb8: {  	s31 =	sshll.u32 s1, $0xD;
	s1 =	sshrl.u32 s1, $0x2  }
0xb9: {  	s3 =	sand.u32 $0x4000, s31;
	s1 =	sadd.s32 s1, s30  }
0xba: {  	s0 =	sor.u32 s3, s0;
	s1 =	sshll.u32 s1, $0x11  }
0xbb: {  	s0 =	sor.u32 s1, s0  }
0xbc: {  	s0 =	sadd.s32 $0x8F2B, s0  }
0xbd: {  	[sflag:s0] =	ssyncadd.remote.s32 $0x1  }
0xbe: {  	_ =	sfence.sel $0xFFFF  }
0xbf: {  	[dreg:$0x0] =	wrdreg $0xFFFFFFFF;
	(pc) =	sbr.abs _section_cstart, $3  }
0xc0: {  	[dreg:$0x1] =	wrdreg $0xFFFFFFFF  }
0xc1: {  	_ =	task.clear_ibuf [dreg:s6], $0x2FFFF;
	_ =	strace $0x9FFFFFFF  }
0xc2: {  	(tm) =	ssettm $0x7FFFFFFF  }
0xc3: {  	_ =	shalt  }
tec
execute0_lowered:
.L_overlay_start_1:
0x0: {  	(tag) =	ssettag $0x1  }
0x1: {  	s5 =	rddreg [dreg:$0x0]  }
0x2: {  	s1 =	rddreg [dreg:$0x1]  }
0x3: {  	s0 =	rddreg [dreg:$0x2];
	s2 =	simm.s32 $0x0;
	s6 =	srdreg.scid  }
0x4: {  	s3 =	stileid.u32;
	s20 =	simm.s32 $0x1;
	s21 =	simm.s32 $0x80  }
0x5: {  	s22 =	simm.s32 $0x2780;
	s23 =	simm.s32 $0x6800;
	[smem:$0x7FF] =	sst s2  }
0x6: {  	s4 =	sadd.s32 $0x16C00, s5;
	s13 =	sadd.s32 $0x2C00, s5;
	s8 =	sand.u32 $0x1, s6  }
0x7: {  	s14 =	sadd.s32 $0xCC00, s5;
	s7 =	smul.u32 $0x4E000, s3;
	s16 =	sadd.s32 $0x3DE00, s5  }
0x8: {  	s19 =	smul.u32 $0x13800, s3;
	s10 =	sadd.s32 $0x134800, s1;
	p0 =	seq.s32 s3, $0xF  }
0x9: {  	_ =	strace $0x8000004D;
	s6 =	sshll.u32 s8, $0x4;
	s31 =	ssub.s32 $0x2, s8  }
0xa: {  	s18 =	smul.u32 $0x138800, s8;
	s6 =	sor.u32 s3, s6;
	s9 =	sshrl.u32 s31, $0x1  }
0xb: {  	s7 =	sshrl.u32 s7, $0x2;
	s12 =	smul.u32 $0x500, s6;
	s17 =	ssub.s32 s31, s9  }
0xc: {  	s5 =	sadd.s32 s7, s1;
	s15 =	smul.u32 $0x2800, s6;
	s19 =	sadd.s32 s19, s18  }
0xd: {  	s18 =	sshrl.u32 s18, $0x3;
	s6 =	sadd.s32 $0x4000, s5;
	s7 =	sadd.s32 $0x8000, s5  }
0xe: {  	s8 =	sadd.s32 $0xC000, s5;
	s9 =	sadd.s32 $0x10000, s5;
	s15 =	sshrl.u32 s15, $0x3  }
0xf: {  	s19 =	sshrl.u32 s19, $0x3;
	s17 =	smax.u32 s17, $0x1;
	s15 =	sadd.s32 $0x280, s15  }
0x10: {  	s11 =	sadd.s32 s13, s12;
	s12 =	sadd.s32 s14, s12;
	s13 =	sadd.s32 s13, s15  }
0x11: {  	s14 =	sadd.s32 s14, s15;
	s15 =	sadd.s32 s16, s19;
	s16 =	sadd.s32 s16, s18  }
0x12: {  	v0 =	vimm.f32 $0.0e+00;
	s18 =	simm.s32 $0x2800;
	s19 =	simm.s32 $0x2;
	s16 =	sadd.s32 $0x24900, s16  }
.LBB2_1:
0x13: {  	s24 =	simm.s32 $0x0;
	s25 =	simm.s32 $0x200  }
.LBB2_2:
0x14: {  	p1 =	sne.s32 s25, $0xFE00;
	[tilespmem:s24+$0x2870] =	vst v0  }
0x15: {  	[tilespmem:s24+$0x2800] =	vst v0  }
0x16: {  	[tilespmem:s24+$0x2810] =	vst v0  }
.Ltmp0:
0x17: {  	[tilespmem:s24+$0x2820] =	vst v0;
	(pc) =	sbr.rel @p1 .LBB2_2-.Ltmp0, $4  }
0x18: {  	[tilespmem:s24+$0x2830] =	vst v0  }
0x19: {  	[tilespmem:s24+$0x2840] =	vst v0  }
0x1a: {  	[tilespmem:s24+$0x2850] =	vst v0  }
0x1b: {  	[tilespmem:s24+$0x2860] =	vst v0;
	s24 =	sshra.s32 s25, $0x2;
	s25 =	sadd.s32 $0x200, s25  }
0x1c: {  	[tilespmem:s24+$0x2870] =	vst v0  }
0x1d: {  	[tilespmem:s24+$0x2800] =	vst v0  }
0x1e: {  	[tilespmem:s24+$0x2810] =	vst v0  }
0x1f: {  	[tilespmem:s24+$0x2820] =	vst v0  }
0x20: {  	[tilespmem:s24+$0x2830] =	vst v0  }
0x21: {  	[tilespmem:s24+$0x2840] =	vst v0  }
0x22: {  	[tilespmem:s24+$0x2850] =	vst v0  }
0x23: {  	[tilespmem:s24+$0x2860] =	vst v0  }
0x24: {  	[spmem:s5] =	stream.linear.scatter [tilespmem:s18], [sflag:$0x2], $0x4000, $0x38;
	[tilespmem:$0x1E100] =	vst v63  }
0x25: {  	_ =	swait.ge [sflag:s19], $0x4000  }
0x26: {  	[sflag:s19] =	ssyncset.done $0x0  }
0x27: {  	[sflag:s19] =	ssyncadd.s32 $0xFFFFC000  }
0x28: {  	[spmem:s6] =	stream.linear.scatter [tilespmem:s18], [sflag:$0x2], $0x4000, $0x38;
	[tilespmem:$0x1E100] =	vst v63  }
0x29: {  	_ =	swait.ge [sflag:s19], $0x4000  }
0x2a: {  	[sflag:s19] =	ssyncset.done $0x0  }
0x2b: {  	[sflag:s19] =	ssyncadd.s32 $0xFFFFC000  }
0x2c: {  	[spmem:s7] =	stream.linear.scatter [tilespmem:s18], [sflag:$0x2], $0x4000, $0x38;
	[tilespmem:$0x1E100] =	vst v63  }
0x2d: {  	_ =	swait.ge [sflag:s19], $0x4000  }
0x2e: {  	[sflag:s19] =	ssyncset.done $0x0  }
0x2f: {  	[sflag:s19] =	ssyncadd.s32 $0xFFFFC000  }
0x30: {  	[spmem:s8] =	stream.linear.scatter [tilespmem:s18], [sflag:$0x2], $0x4000, $0x38;
	[tilespmem:$0x1E100] =	vst v63  }
0x31: {  	_ =	swait.ge [sflag:s19], $0x4000  }
0x32: {  	[sflag:s19] =	ssyncset.done $0x0  }
0x33: {  	s24 =	simm.s32 @p0 $0x2800;
	[sflag:s19] =	ssyncadd.s32 $0xFFFFC000  }
0x34: {  	[spmem:s10] =	stream.linear.scatter @p0 [tilespmem:s24], [sflag:$0x2], $0x4000, $0x38;
	[tilespmem:$0x1E100] =	vst v63  }
0x35: {  	s24 =	simm.s32 @p0 $0x2  }
0x36: {  	_ =	swait.ge @p0 [sflag:s24], $0x4000  }
0x37: {  	[sflag:s24] =	ssyncset.done @p0 $0x0  }
0x38: {  	[sflag:s24] =	ssyncadd.s32 @p0 $0xFFFFC000;
	s24 =	simm.s32 @!p0 $0x2800  }
0x39: {  	[spmem:s9] =	stream.linear.scatter @!p0 [tilespmem:s24], [sflag:$0x2], $0x3800, $0x38;
	[tilespmem:$0x1E100] =	vst v63  }
0x3a: {  	s24 =	simm.s32 @!p0 $0x2  }
0x3b: {  	_ =	swait.ge @!p0 [sflag:s24], $0x3800  }
0x3c: {  	[sflag:s24] =	ssyncset.done @!p0 $0x0  }
0x3d: {  	[sflag:s24] =	ssyncadd.s32 @!p0 $0xFFFFC800  }
0x3e: {  	s26 =	simm.s32 $0x0;
	[bflag:$0x0] =	sbarrier.arrive $0xFFFF  }
0x3f: {  	[tilespmem:s26], [sflag:$0x2] =	stream.linear.gather [hbm4b:s11+s26], $0x1400, $0x38;
	[tilespmem:$0x1E100] =	vst v63  }
0x40: {  	_ =	swait.ge [sflag:s19], $0x1400  }
0x41: {  	[sflag:s19] =	ssyncset.done $0x0  }
0x42: {  	s24 =	simm.s32 $0x1400;
	[sflag:s19] =	ssyncadd.s32 $0xFFFFEC00  }
0x43: {  	[tilespmem:s24], [sflag:$0x2] =	stream.linear.gather [hbm4b:s12+s26], $0x1400, $0x38;
	[tilespmem:$0x1E100] =	vst v63  }
0x44: {  	_ =	swait.ge [sflag:s19], $0x1400  }
0x45: {  	[sflag:s19] =	ssyncset.done $0x0  }
0x46: {  	s25 =	simm.s32 $0x80;
	[sflag:s19] =	ssyncadd.s32 $0xFFFFEC00  }
0x47: {  	[tilespmem:s18], [sflag:$0x1] =	stream.indirect.gather [hbm4b:s4+s25], $0x80, s26, s25, $0xb8;
	[tilespmem:$0x1E100] =	vst v63  }
0x48: {  	s31 =	simm.s32 $0x0;
	_ =	swait.ge [sflag:s20], $0x4000  }
0x49: {  	s26 =	sand.u32 $0x4000, s31;
	[sflag:s20] =	ssyncset.done $0x0  }
0x4a: {  	s28 =	sxor.u32 $0x6800, s26;
	[sflag:s20] =	ssyncadd.s32 $0xFFFFC000  }
0x4b: {  	[tilespmem:s28], [sflag:$0x1] =	stream.indirect.gather [hbm4b:s4+s21], $0x80, s25, s21, $0xb8;
	[tilespmem:$0x1E100] =	vst v63  }
0x4c: {  	s26 =	sor.u32 $0x2800, s26  }
0x4d: {  	[spmem:s1] =	stream.indirect.scatter.add.f32 [tilespmem:s26], [sflag:$0x2], $0x80, s24, s21, $0xb8;
	[tilespmem:$0x1E100] =	vst v63  }
0x4e: {  	_ =	swait.ge [sflag:s19], $0x4000  }
0x4f: {  	s26 =	simm.s32 $0x1;
	[sflag:s19] =	ssyncset.done $0x0  }
.LBB2_4:
0x50: {  	[sflag:s19] =	ssyncadd.s32 $0xFFFFC000;
	s24 =	sadd.s32 $0x80, s24;
	s25 =	sadd.s32 $0x80, s25  }
0x51: {  	p1 =	sne.s32 s26, $0x26;
	s28 =	smov.u32 s26;
	s26 =	sadd.s32 $0x1, s26  }
0x52: {  	s28 =	sshll.u32 s28, $0xE;
	_ =	swait.ge [sflag:s20], $0x4000  }
0x53: {  	s28 =	sand.u32 $0x4000, s28;
	[sflag:s20] =	ssyncset.done $0x0  }
0x54: {  	s29 =	sxor.u32 $0x6800, s28;
	[sflag:s20] =	ssyncadd.s32 $0xFFFFC000  }
0x55: {  	[tilespmem:s29], [sflag:$0x1] =	stream.indirect.gather [hbm4b:s4+s21], $0x80, s25, s21, $0xb8;
	[tilespmem:$0x1E100] =	vst v63  }
.Ltmp1:
0x56: {  	_ = 	snop;
	(pc) =	sbr.rel @p1 .LBB2_4-.Ltmp1, $4  }
0x57: {  	s28 =	sor.u32 $0x2800, s28  }
0x58: {  	[spmem:s1] =	stream.indirect.scatter.add.f32 [tilespmem:s28], [sflag:$0x2], $0x80, s24, s21, $0xb8;
	[tilespmem:$0x1E100] =	vst v63  }
0x59: {  	_ =	swait.ge [sflag:s19], $0x4000  }
0x5a: {  	[sflag:s19] =	ssyncset.done $0x0  }
0x5b: {  	[sflag:s19] =	ssyncadd.s32 $0xFFFFC000  }
0x5c: {  	_ =	swait.ge [sflag:s20], $0x4000  }
0x5d: {  	[sflag:s20] =	ssyncset.done $0x0  }
0x5e: {  	s24 =	simm.s32 $0x80;
	[sflag:s20] =	ssyncadd.s32 $0xFFFFC000  }
0x5f: {  	[spmem:s1] =	stream.indirect.scatter.add.f32 [tilespmem:s23], [sflag:$0x2], $0x80, s22, s24, $0xb8;
	[tilespmem:$0x1E100] =	vst v63  }
0x60: {  	_ =	swait.ge [sflag:s19], $0x4000  }
0x61: {  	[sflag:s19] =	ssyncset.done $0x0  }
0x62: {  	s26 =	simm.s32 $0x0;
	[sflag:s19] =	ssyncadd.s32 $0xFFFFC000  }
0x63: {  	[tilespmem:s26], [sflag:$0x2] =	stream.linear.gather [hbm4b:s13+s26], $0x1400, $0x38;
	[tilespmem:$0x1E100] =	vst v63  }
0x64: {  	_ =	swait.ge [sflag:s19], $0x1400  }
0x65: {  	[sflag:s19] =	ssyncset.done $0x0  }
0x66: {  	s25 =	simm.s32 $0x1400;
	[sflag:s19] =	ssyncadd.s32 $0xFFFFEC00  }
0x67: {  	[tilespmem:s25], [sflag:$0x2] =	stream.linear.gather [hbm4b:s14+s26], $0x1400, $0x38;
	[tilespmem:$0x1E100] =	vst v63  }
0x68: {  	_ =	swait.ge [sflag:s19], $0x1400  }
0x69: {  	[sflag:s19] =	ssyncset.done $0x0  }
0x6a: {  	[sflag:s19] =	ssyncadd.s32 $0xFFFFEC00  }
0x6b: {  	[tilespmem:s18], [sflag:$0x1] =	stream.indirect.gather [hbm4b:s4+s24], $0x80, s26, s24, $0xb8;
	[tilespmem:$0x1E100] =	vst v63  }
0x6c: {  	s31 =	simm.s32 $0x0;
	_ =	swait.ge [sflag:s20], $0x4000  }
0x6d: {  	s26 =	sand.u32 $0x4000, s31;
	[sflag:s20] =	ssyncset.done $0x0  }
0x6e: {  	s28 =	sxor.u32 $0x6800, s26;
	[sflag:s20] =	ssyncadd.s32 $0xFFFFC000  }
0x6f: {  	[tilespmem:s28], [sflag:$0x1] =	stream.indirect.gather [hbm4b:s4+s21], $0x80, s24, s21, $0xb8;
	[tilespmem:$0x1E100] =	vst v63  }
0x70: {  	s26 =	sor.u32 $0x2800, s26  }
0x71: {  	[spmem:s1] =	stream.indirect.scatter.add.f32 [tilespmem:s26], [sflag:$0x2], $0x80, s25, s21, $0xb8;
	[tilespmem:$0x1E100] =	vst v63  }
0x72: {  	_ =	swait.ge [sflag:s19], $0x4000  }
0x73: {  	s26 =	simm.s32 $0x1;
	[sflag:s19] =	ssyncset.done $0x0  }
.LBB2_6:
0x74: {  	[sflag:s19] =	ssyncadd.s32 $0xFFFFC000;
	s25 =	sadd.s32 $0x80, s25;
	s24 =	sadd.s32 $0x80, s24  }
0x75: {  	p1 =	sne.s32 s26, $0x26;
	s28 =	smov.u32 s26;
	s26 =	sadd.s32 $0x1, s26  }
0x76: {  	s28 =	sshll.u32 s28, $0xE;
	_ =	swait.ge [sflag:s20], $0x4000  }
0x77: {  	s28 =	sand.u32 $0x4000, s28;
	[sflag:s20] =	ssyncset.done $0x0  }
0x78: {  	s29 =	sxor.u32 $0x6800, s28;
	[sflag:s20] =	ssyncadd.s32 $0xFFFFC000  }
0x79: {  	[tilespmem:s29], [sflag:$0x1] =	stream.indirect.gather [hbm4b:s4+s21], $0x80, s24, s21, $0xb8;
	[tilespmem:$0x1E100] =	vst v63  }
.Ltmp2:
0x7a: {  	_ = 	snop;
	(pc) =	sbr.rel @p1 .LBB2_6-.Ltmp2, $4  }
0x7b: {  	s28 =	sor.u32 $0x2800, s28  }
0x7c: {  	[spmem:s1] =	stream.indirect.scatter.add.f32 [tilespmem:s28], [sflag:$0x2], $0x80, s25, s21, $0xb8;
	[tilespmem:$0x1E100] =	vst v63  }
0x7d: {  	_ =	swait.ge [sflag:s19], $0x4000  }
0x7e: {  	[sflag:s19] =	ssyncset.done $0x0  }
0x7f: {  	[sflag:s19] =	ssyncadd.s32 $0xFFFFC000  }
0x80: {  	_ =	swait.ge [sflag:s20], $0x4000  }
0x81: {  	[sflag:s20] =	ssyncset.done $0x0  }
0x82: {  	[sflag:s20] =	ssyncadd.s32 $0xFFFFC000  }
0x83: {  	[spmem:s1] =	stream.indirect.scatter.add.f32 [tilespmem:s23], [sflag:$0x2], $0x80, s22, s21, $0xb8;
	[tilespmem:$0x1E100] =	vst v63  }
0x84: {  	_ =	swait.ge [sflag:s19], $0x4000  }
0x85: {  	[sflag:s19] =	ssyncset.done $0x0  }
0x86: {  	[sflag:s19] =	ssyncadd.s32 $0xFFFFC000  }
0x87: {  	s24 =	sshrl.u32 @p0 s5, $0x3;
	s25 =	simm.s32 @p0 $0x1FC2;
	[bflag:$0x0] =	sbarrier.arrive $0xFFFF  }
0x88: {  	[hbm:s16], [sflag:s25] =	dma.local @p0 [spmem:s24], $0x2800  }
0x89: {  	s24 =	simm.s32 @p0 $0x2  }
0x8a: {  	s2 =	sadd.s32 $0x1, s2;
	_ =	swait.ge @p0 [sflag:s24], $0x2800  }
0x8b: {  	p1 =	sne.s32 s2, s17;
	s25 =	sshll.u32 @!p0 s3, $0x6;
	[sflag:s24] =	ssyncset.done @p0 $0x0  }
0x8c: {  	[sflag:s24] =	ssyncadd.s32 @p0 $0xFFFFD800;
	s24 =	sor.u32 @!p0 $0x1C02, s25;
	s25 =	sshrl.u32 @!p0 s5, $0x3  }
0x8d: {  	[hbm:s15], [sflag:s24] =	dma.local @!p0 [spmem:s25], $0x2700  }
.Ltmp3:
0x8e: {  	_ = 	snop;
	(pc) =	sbr.rel @p1 .LBB2_1-.Ltmp3, $4  }
0x8f: {  	s24 =	simm.s32 @!p0 $0x2  }
0x90: {  	_ =	swait.ge @!p0 [sflag:s24], $0x2700  }
0x91: {  	[sflag:s24] =	ssyncset.done @!p0 $0x0  }
0x92: {  	[sflag:s24] =	ssyncadd.s32 @!p0 $0xFFFFD900  }
0x93: {  	_ =	sfence.sel $0x180000  }
0x94: {  	[bflag:$0x0] =	sbarrier.arrive $0xFFFF  }
0x95: {  	p0 =	sne.s32 s3, $0x0;
	_ =	strace $0x9000004D  }
0x96: {  	s0 =	sadd.s32 @!p0 $0x100000, s0;
	[bflag:$0x2] =	sbarrier.arrive $0xFFFF  }
0x97: {  	[sflag:s0] =	ssyncadd.tile.s32 @!p0 $0x1;
	_ =	shalt  }
.Lfunc_end2:
_tile_overlayer_lowered:
.L_overlay_start_2:
0x98: {  	(tag) =	ssettag $0x2  }
0x99: {  	s0 =	rddreg [dreg:$0x0];
	s2 =	stileid.u32  }
0x9a: {  	s1 =	rddreg [dreg:$0x1];
	p0 =	sne.s32 s2, $0x0  }
0x9b: {  	s3 =	rddreg [dreg:$0x2];
	[bflag:$0x3] =	sbarrier.arrive $0xFFFF;
	s2 =	simm.s32 @!p0 $0x1C02  }
0x9c: {  	[timem:s3], [sflag:s2] =	dma.local @!p0 [hbm:s0], s1  }
0x9d: {  	s0 =	simm.s32 @!p0 $0x2  }
0x9e: {  	_ =	swait.ge @!p0 [sflag:s0], s1  }
0x9f: {  	s1 =	ssub.s32 @!p0 $0x0, s1;
	[sflag:s0] =	ssyncset.done @!p0 $0x0  }
0xa0: {  	[sflag:s0] =	ssyncadd.s32 @!p0 s1  }
0xa1: {  	[bflag:$0x3] =	sbarrier.arrive $0xFFFF  }
0xa2: {  	_ =	shalt  }

// kernel: kernel.9.cloned.1.call-start
scs
__scs_entry_jumppad:
0x0: {  	(pc) =	sbr.rel $0x88, $3  }
0x1: {  	(tag) =	ssettag $0x0;
	lr =	simm.s32 $0x1  }
0x2: {  	[smem:$0x3F9A] =	sst lr;
	_ =	strace $0xD0000000  }
0x3: {  	_ = 	snop  }
0x4: {  	_ = 	snop  }
0x5: {  	_ = 	snop  }
0x6: {  	_ = 	snop  }
0x7: {  	_ = 	snop  }
__scs_overlays_trampoline_lowered:
0x8: {  	[smem:$0x3FA9] =	sst s0  }
0x9: {  	[smem:$0x3FAA] =	sst s1  }
0xa: {  	[smem:$0x3FAB] =	sst s2  }
0xb: {  	[smem:$0x3FAC] =	sst s3  }
0xc: {  	[smem:$0x3FAD] =	sst s4  }
0xd: {  	[smem:$0x3FAE] =	sst s5  }
0xe: {  	[smem:$0x3FAF] =	sst s6  }
0xf: {  	[smem:$0x3FB0] =	sst s7  }
0x10: {  	[smem:$0x3FB1] =	sst s8  }
0x11: {  	[smem:$0x3FB2] =	sst s9;
	s0 =	simm.s32 @!p0 $0x0  }
0x12: {  	s1 =	sld [smem:$0x3F98];
	s0 =	simm.s32 @p0 $0x1  }
0x13: {  	[smem:$0x3FB3] =	sst s0;
	s0 =	simm.s32 @!p1 $0x0  }
0x14: {  	s2 =	sld [smem:$0x3F97];
	s0 =	simm.s32 @p1 $0x1  }
0x15: {  	[smem:$0x3FB4] =	sst s0;
	s0 =	simm.s32 @!p2 $0x0  }
0x16: {  	s3 =	sld [smem:$0x3FDB];
	s0 =	simm.s32 @p2 $0x1  }
0x17: {  	s4 =	simm.s32 $0x1BF5;
	[smem:$0x3FB6] =	sst s0  }
0x18: {  	s0 =	sld [smem:$0x3F99];
	_ =	swait.ge [sflag:s4], $0x0  }
0x19: {  	s7 =	sld [smem:$0x3F9A]  }
0x1a: {  	s8 =	sadd.s32 $0xFFFFE003, lr  }
0x1b: {  	s9 =	sadd.s32 $0xFFFFFEF7, lr;
	s5 =	simm.s32 $0xFFFFFFFF;
	p2 =	slt.u32 s8, $0xFFFFF086  }
0x1c: {  	p1 =	slt.u32 s9, $0xF7A;
	s5 =	simm.s32 @!p2 $0x0  }
0x1d: {  	s5 =	simm.s32 @p1 $0x1;
	p0 =	seq.s32 s7, s2  }
0x1e: {  	s7 =	smul.u32 @!p0 $0xF7A, s2;
	p2 =	seq.s32 @!p0 s5, $0x0  }
0x1f: {  	s9 =	smul.u32 $0xF7A, s1;
	s8 =	simm.s32 @!p0 $0x1BF5;
	p2 =	por !p2, p0  }
0x20: {  	[sflag:s8] =	ssyncset.s32 @!p0 $0xFFFFF086;
	s6 =	sadd.s32 @!p0 s3, s7;
	s7 =	simm.s32 @!p0 $0x108  }
0x21: {  	s3 =	sadd.s32 s3, s9;
	s6 =	sadd.s32 @!p0 $0x88, s6;
	s7 =	simm.s32 @p2 $0x1082  }
0x22: {  	[simem:s7], [sflag:s8] =	dma.local @!p0 [hbm:s6], $0xF7A  }
0x23: {  	s9 =	sor.u32 $0xD0000000, s2;
	s6 =	simm.s32 $0x108;
	_ =	swait.ge @!p0 [sflag:s8], $0x0  }
0x24: {  	s3 =	sadd.s32 $0x88, s3;
	s6 =	simm.s32 @!p1 $0x1082;
	[sflag:s4] =	ssyncset.s32 $0xFFFFF086  }
0x25: {  	[simem:s6], [sflag:s4] =	dma.local [hbm:s3], $0xF7A  }
0x26: {  	[smem:$0x3F9A] =	sst s1;
	(tag) =	ssettag s2;
	_ =	strace s9  }
0x27: {  	s1 =	sld [smem:$0x3FAA]  }
0x28: {  	s2 =	sld [smem:$0x3FAB]  }
0x29: {  	s4 =	sld [smem:$0x3FAD]  }
0x2a: {  	p0 =	seq.s32 s5, $0x0;
	s5 =	sld [smem:$0x3FAE]  }
0x2b: {  	s6 =	sld [smem:$0x3FAF]  }
0x2c: {  	s7 =	sld [smem:$0x3FB0]  }
0x2d: {  	s3 =	simm.s32 $0x108;
	s8 =	sld [smem:$0x3FB1]  }
0x2e: {  	s3 =	simm.s32 @!p0 $0x1082;
	s9 =	sld [smem:$0x3FB2]  }
0x2f: {  	lr =	sadd.s32 s0, s3;
	s0 =	sld [smem:$0x3FA9]  }
0x30: {  	s3 =	sld [smem:$0x3FAC]  }
0x31: {  	[smem:$0x3FB5] =	sst s10  }
0x32: {  	s10 =	sld [smem:$0x3FB3];
	_ =	sdelay $0x3  }
0x33: {  	p0 =	seq.s32 s10, $0x1;
	s10 =	sld [smem:$0x3FB5];
	_ =	sdelay $0x3  }
0x34: {  	[smem:$0x3FB5] =	sst s10  }
0x35: {  	s10 =	sld [smem:$0x3FB4];
	_ =	sdelay $0x3  }
0x36: {  	p1 =	seq.s32 s10, $0x1;
	s10 =	sld [smem:$0x3FB5];
	_ =	sdelay $0x3  }
0x37: {  	[smem:$0x3FB5] =	sst s10  }
0x38: {  	s10 =	sld [smem:$0x3FB6]  }
0x39: {  	_ = 	snop;
	(pc) =	sbr.ind lr, $3  }
0x3a: {  	_ = 	snop  }
0x3b: {  	_ = 	snop  }
0x3c: {  	p2 =	seq.s32 s10, $0x1;
	s10 =	sld [smem:$0x3FB5]  }
0x3d: {  	_ =	shalt  }
0x3e: {  	_ =	shalt  }
0x3f: {  	_ =	shalt  }
0x40: {  	_ =	shalt  }
0x41: {  	_ =	shalt  }
0x42: {  	_ =	shalt  }
0x43: {  	_ =	shalt  }
0x44: {  	_ =	shalt  }
0x45: {  	_ =	shalt  }
0x46: {  	_ =	shalt  }
0x47: {  	_ =	shalt  }
0x48: {  	_ =	shalt  }
0x49: {  	_ =	shalt  }
0x4a: {  	_ =	shalt  }
0x4b: {  	_ =	shalt  }
0x4c: {  	_ =	shalt  }
0x4d: {  	_ =	shalt  }
0x4e: {  	_ =	shalt  }
0x4f: {  	_ =	shalt  }
0x50: {  	_ =	shalt  }
0x51: {  	_ =	shalt  }
0x52: {  	_ =	shalt  }
0x53: {  	_ =	shalt  }
0x54: {  	_ =	shalt  }
0x55: {  	_ =	shalt  }
0x56: {  	_ =	shalt  }
0x57: {  	_ =	shalt  }
0x58: {  	_ =	shalt  }
0x59: {  	_ =	shalt  }
0x5a: {  	_ =	shalt  }
0x5b: {  	_ =	shalt  }
0x5c: {  	_ =	shalt  }
0x5d: {  	_ =	shalt  }
0x5e: {  	_ =	shalt  }
0x5f: {  	_ =	shalt  }
0x60: {  	_ =	shalt  }
0x61: {  	_ =	shalt  }
0x62: {  	_ =	shalt  }
0x63: {  	_ =	shalt  }
0x64: {  	_ =	shalt  }
0x65: {  	_ =	shalt  }
0x66: {  	_ =	shalt  }
0x67: {  	_ =	shalt  }
0x68: {  	_ =	shalt  }
0x69: {  	_ =	shalt  }
0x6a: {  	_ =	shalt  }
0x6b: {  	_ =	shalt  }
0x6c: {  	_ =	shalt  }
0x6d: {  	_ =	shalt  }
0x6e: {  	_ =	shalt  }
0x6f: {  	_ =	shalt  }
0x70: {  	_ =	shalt  }
0x71: {  	_ =	shalt  }
0x72: {  	_ =	shalt  }
0x73: {  	_ =	shalt  }
0x74: {  	_ =	shalt  }
0x75: {  	_ =	shalt  }
0x76: {  	_ =	shalt  }
0x77: {  	_ =	shalt  }
0x78: {  	_ =	shalt  }
0x79: {  	_ =	shalt  }
0x7a: {  	_ =	shalt  }
0x7b: {  	_ =	shalt  }
0x7c: {  	_ =	shalt  }
0x7d: {  	_ =	shalt  }
0x7e: {  	_ =	shalt  }
0x7f: {  	_ =	shalt  }
0x80: {  	_ =	shalt  }
0x81: {  	_ =	shalt  }
0x82: {  	_ =	shalt  }
0x83: {  	_ =	shalt  }
0x84: {  	_ =	shalt  }
0x85: {  	_ =	shalt  }
0x86: {  	_ =	shalt  }
0x87: {  	_ =	shalt  }
.Lfunc_end0:
.L_simem_size_0:
called_computation_lowered:
.L_overlay_start_0:
0x88: {  	s2 =	sld [smem:$0x3FD9]  }
0x89: {  	s3 =	sld [smem:$0x3FFE];
	_ =	sdelay $0x1  }
0x8a: {  	s1 =	srdreg.scid  }
0x8b: {  	s0 =	sand.u32 $0x1, s1  }
0x8c: {  	s16 =	sshll.u32 s0, $0xA;
	s2 =	sadd.s32 s3, s2  }
0x8d: {  	s2 =	sadd.s32 s2, s16  }
0x8e: {  	[smem:$0x3FC1] =	sst s2  }
0x8f: {  	_ = 	snop  }
0x90: {  	(tm) =	ssettm $0x1  }
0x91: {  	s17 =	sld [smem:$0x3FFB];
	_ =	sdelay $0x3  }
0x92: {  	_ =	strace s17  }
0x93: {  	s2 =	sld [smem:$0x3FFC];
	_ =	sdelay $0x3  }
0x94: {  	_ =	strace s2  }
0x95: {  	s2 =	sld [smem:$0x3FFD];
	_ =	sdelay $0x3  }
0x96: {  	_ =	strace s2  }
0x97: {  	_ =	strace $0x8FFFFFFF  }
0x98: {  	s18 =	sld [smem:$0x3FDB];
	_ =	sdelay $0x1  }
0x99: {  	s19 =	simm.s32 $_scs_section_size  }
0x9a: {  	s4 =	simm.s32 $_size__tile_overlayer_lowered;
	s5 =	simm.s32 $_tile_overlayer_lowered  }
0x9b: {  	s22 =	simm.s32 $0x1BFF;
	s21 =	sshll.u32 s5, $0x1;
	s2 =	sadd.s32 s19, s18  }
0x9c: {  	s6 =	simm.s32 $0x0;
	s20 =	sshll.u32 s4, $0x1;
	s4 =	sadd.s32 s21, s2  }
0x9d: {  	[timem:s6], [sflag:s22] =	dma.local [hbm:s4], s20  }
0x9e: {  	_ =	swait.ge [sflag:s22], s20  }
0x9f: {  	s3 =	ssub.s32 $0x0, s20;
	[sflag:s22] =	ssyncset.done $0x0  }
0xa0: {  	[sflag:s22] =	ssyncadd.s32 s3;
	_ =	sdelay $0x1  }
0xa1: {  	s23 =	simm.s32 $0x1B8B  }
0xa2: {  	_ =	swait.ge [sflag:s23], $0x1  }
0xa3: {  	[sflag:s23] =	ssyncset.done $0x0  }
0xa4: {  	s25 =	simm.s32 $0x1B8E;
	s24 =	sld [smem:$0x3FFE];
	[sflag:s23] =	ssyncadd.s32 $0xFFFFFFFF  }
0xa5: {  	s26 =	simm.s32 $execute0_lowered;
	[smem:$0x3FD2] =	sst s25  }
0xa6: {  	s4 =	sshll.u32 s26, $0x1;
	_ =	strace $0x80000046;
	[dreg:$0x1] =	wrdreg $0xFFFFFFFF  }
0xa7: {  	s28 =	simm.s32 $_size_execute0_lowered;
	s2 =	sadd.s32 s2, s4;
	[dreg:$0x0] =	wrdreg $0x0  }
0xa8: {  	s4 =	sshll.u32 s28, $0x1;
	[dreg:$0x2] =	wrdreg s2  }
0xa9: {  	[dreg:$0x3] =	wrdreg s4  }
0xaa: {  	[dreg:$0x4] =	wrdreg $0xC0  }
0xab: {  	_ =	task [dreg:s6], $0x5FFFF  }
0xac: {  	[dreg:$0x1] =	wrdreg $0xFFFFFFFF  }
0xad: {  	[dreg:$0x0] =	wrdreg $0x60  }
0xae: {  	[dreg:$0x2] =	wrdreg s24  }
0xaf: {  	[dreg:$0x3] =	wrdreg $0xA8000  }
0xb0: {  	[dreg:$0x4] =	wrdreg $0x9  }
0xb1: {  	_ =	task.clear_ibuf [dreg:s6], $0x5FFFF;
	_ =	strace $0x90000046  }
0xb2: {  	s29 =	simm.s32 $0x9;
	_ =	strace $0x80000048  }
0xb3: {  	_ =	swait.ge [sflag:s29], $0x1  }
0xb4: {  	[sflag:s29] =	ssyncadd.s32 $0xFFFFFFFF  }
0xb5: {  	_ =	strace $0x90000048  }
0xb6: {  	_ =	sfence  }
0xb7: {  	s30 =	sld [smem:$0x0];
	_ =	sdelay $0x2  }
0xb8: {  	s31 =	sshll.u32 s1, $0xD;
	s1 =	sshrl.u32 s1, $0x2  }
0xb9: {  	s3 =	sand.u32 $0x4000, s31;
	s1 =	sadd.s32 s1, s30  }
0xba: {  	s0 =	sor.u32 s3, s0;
	s1 =	sshll.u32 s1, $0x11  }
0xbb: {  	s0 =	sor.u32 s1, s0  }
0xbc: {  	s0 =	sadd.s32 $0x8F2B, s0  }
0xbd: {  	[sflag:s0] =	ssyncadd.remote.s32 $0x1  }
0xbe: {  	_ =	sfence.sel $0xFFFF  }
0xbf: {  	[dreg:$0x0] =	wrdreg $0xFFFFFFFF;
	(pc) =	sbr.abs _section_cstart, $3  }
0xc0: {  	[dreg:$0x1] =	wrdreg $0xFFFFFFFF  }
0xc1: {  	_ =	task.clear_ibuf [dreg:s6], $0x2FFFF;
	_ =	strace $0x9FFFFFFF  }
0xc2: {  	(tm) =	ssettm $0x7FFFFFFF  }
0xc3: {  	_ =	shalt  }
tec
execute0_lowered:
.L_overlay_start_1:
0x0: {  	(tag) =	ssettag $0x1  }
0x1: {  	s0 =	srdreg.scid;
	s4 =	rddreg [dreg:$0x0]  }
0x2: {  	s2 =	rddreg [dreg:$0x1];
	s1 =	stileid.u32;
	s3 =	simm.s32 $0x0  }
0x3: {  	s15 =	simm.s32 $0x6800;
	s16 =	simm.s32 $0x80;
	s17 =	simm.s32 $0x2800  }
0x4: {  	s20 =	simm.s32 $0x0;
	s5 =	sand.u32 $0x1, s0;
	s0 =	rddreg [dreg:$0x2]  }
0x5: {  	[smem:$0x7FF] =	sst s3;
	s8 =	smul.u32 $0x4E000, s1;
	s11 =	sadd.s32 $0x16C00, s4  }
0x6: {  	s12 =	smul.u32 $0x13800, s1;
	p0 =	seq.s32 s1, $0xF;
	s6 =	sshll.u32 s5, $0x4  }
0x7: {  	_ =	strace $0x80000047;
	s7 =	ssub.s32 $0x2, s5;
	s10 =	smul.u32 $0x138800, s5  }
0x8: {  	s19 =	sshll.u32 @!p0 s1, $0x6;
	s6 =	sor.u32 s1, s6;
	s30 =	sshrl.u32 s7, $0x1  }
0x9: {  	s31 =	sshrl.u32 s8, $0x2;
	s19 =	sor.u32 @!p0 $0x1C01, s19;
	s6 =	smul.u32 $0x500, s6  }
0xa: {  	s13 =	ssub.s32 s7, s30;
	s5 =	sadd.s32 s31, s2;
	s12 =	sadd.s32 s12, s10  }
0xb: {  	s14 =	sshrl.u32 s10, $0x3;
	s10 =	sadd.s32 $0x134800, s2;
	s7 =	sadd.s32 $0x8000, s5  }
0xc: {  	s8 =	sadd.s32 $0xC000, s5;
	s9 =	sadd.s32 $0x10000, s5;
	s12 =	sshrl.u32 s12, $0x3  }
0xd: {  	s14 =	sadd.s32 s11, s14;
	s13 =	smax.u32 s13, $0x1;
	s18 =	sshrl.u32 @p0 s5, $0x3  }
0xe: {  	v0 =	vimm.f32 $0.0e+00;
	vm0 =	vcmask $0x300;
	s6 =	sadd.s32 s6, s4;
	s11 =	sadd.s32 s11, s12;
	s12 =	sadd.s32 $0x24900, s14  }
0xf: {  	v1 =	vsel vm0, $0x3F800000, v0;
	s14 =	simm.s32 $0x1;
	s4 =	sadd.s32 $0xCC00, s6;
	s6 =	sadd.s32 $0x4000, s5  }
.LBB2_1:
0x10: {  	[tilespmem:s3], [sflag:$0x1] =	stream.linear.gather [hbm4b:s4+s3], $0x2800, $0x38;
	[tilespmem:$0xCF20] =	vst v63  }
0x11: {  	_ =	swait.ge [sflag:s14], $0x2800  }
0x12: {  	[sflag:s14] =	ssyncset.done $0x0  }
0x13: {  	s21 =	simm.s32 $0x0;
	[sflag:s14] =	ssyncadd.s32 $0xFFFFD800  }
.LBB2_2:
0x14: {  	p1 =	sne.s32 s21, $0xFE00  }
.Ltmp0:
0x15: {  	_ = 	snop;
	(pc) =	sbr.rel @p1 .LBB2_2-.Ltmp0, $3  }
0x16: {  	_ =	sdelay $0x1  }
0x17: {  	s22 =	sshra.s32 s21, $0x2  }
0x18: {  	s21 =	sadd.s32 $0x200, s21;
	[tilespmem:s22+$0x2800] =	vst v1  }
0x19: {  	s21 =	simm.s32 $0x200;
	s22 =	simm.s32 $0x0  }
.LBB2_4:
0x1a: {  	p1 =	sne.s32 s21, $0xFE00;
	[tilespmem:s22+$0x6800] =	vst v0;
	s22 =	smov.u32 s21;
	s21 =	sadd.s32 $0x200, s21  }
.Ltmp1:
0x1b: {  	(pc) =	sbr.rel @p1 .LBB2_4-.Ltmp1, $2  }
0x1c: {  	_ =	sdelay $0x2  }
0x1d: {  	s22 =	sshra.s32 s22, $0x2  }
0x1e: {  	[tilespmem:s22+$0x6800] =	vst v0  }
0x1f: {  	[spmem:s5] =	stream.linear.scatter [tilespmem:s15], [sflag:$0x1], $0x4000, $0x38;
	[tilespmem:$0xCF20] =	vst v63  }
0x20: {  	_ =	swait.ge [sflag:s14], $0x4000  }
0x21: {  	[sflag:s14] =	ssyncset.done $0x0  }
0x22: {  	[sflag:s14] =	ssyncadd.s32 $0xFFFFC000  }
0x23: {  	[spmem:s6] =	stream.linear.scatter [tilespmem:s15], [sflag:$0x1], $0x4000, $0x38;
	[tilespmem:$0xCF20] =	vst v63  }
0x24: {  	_ =	swait.ge [sflag:s14], $0x4000  }
0x25: {  	[sflag:s14] =	ssyncset.done $0x0  }
0x26: {  	[sflag:s14] =	ssyncadd.s32 $0xFFFFC000  }
0x27: {  	[spmem:s7] =	stream.linear.scatter [tilespmem:s15], [sflag:$0x1], $0x4000, $0x38;
	[tilespmem:$0xCF20] =	vst v63  }
0x28: {  	_ =	swait.ge [sflag:s14], $0x4000  }
0x29: {  	[sflag:s14] =	ssyncset.done $0x0  }
0x2a: {  	[sflag:s14] =	ssyncadd.s32 $0xFFFFC000  }
0x2b: {  	[spmem:s8] =	stream.linear.scatter [tilespmem:s15], [sflag:$0x1], $0x4000, $0x38;
	[tilespmem:$0xCF20] =	vst v63  }
0x2c: {  	_ =	swait.ge [sflag:s14], $0x4000  }
0x2d: {  	[sflag:s14] =	ssyncset.done $0x0  }
0x2e: {  	s21 =	simm.s32 @p0 $0x6800;
	[sflag:s14] =	ssyncadd.s32 $0xFFFFC000  }
0x2f: {  	[spmem:s10] =	stream.linear.scatter @p0 [tilespmem:s21], [sflag:$0x1], $0x4000, $0x38;
	[tilespmem:$0xCF20] =	vst v63  }
0x30: {  	s21 =	simm.s32 @p0 $0x1  }
0x31: {  	_ =	swait.ge @p0 [sflag:s21], $0x4000  }
0x32: {  	[sflag:s21] =	ssyncset.done @p0 $0x0  }
0x33: {  	[sflag:s21] =	ssyncadd.s32 @p0 $0xFFFFC000;
	s21 =	simm.s32 @!p0 $0x6800  }
0x34: {  	[spmem:s9] =	stream.linear.scatter @!p0 [tilespmem:s21], [sflag:$0x1], $0x3800, $0x38;
	[tilespmem:$0xCF20] =	vst v63  }
0x35: {  	s21 =	simm.s32 @!p0 $0x1  }
0x36: {  	_ =	swait.ge @!p0 [sflag:s21], $0x3800  }
0x37: {  	[sflag:s21] =	ssyncset.done @!p0 $0x0  }
0x38: {  	[sflag:s21] =	ssyncadd.s32 @!p0 $0xFFFFC800  }
0x39: {  	s31 =	simm.s32 $0x0;
	[bflag:$0x0] =	sbarrier.arrive $0xFFFF  }
0x3a: {  	[spmem:s2] =	stream.indirect.scatter.add.f32 [tilespmem:s17], [sflag:$0x1], $0x10, s31, s16, $0xb8;
	[tilespmem:$0xCF20] =	vst v63  }
0x3b: {  	_ =	swait.ge [sflag:s14], $0x800  }
0x3c: {  	s21 =	simm.s32 $0x200;
	[sflag:s14] =	ssyncset.done $0x0  }
.LBB2_6:
0x3d: {  	s22 =	sshra.s32 s21, $0x2;
	[sflag:s14] =	ssyncadd.s32 $0xFFFFF800;
	p1 =	sne.s32 s21, $0x9E00  }
0x3e: {  	[spmem:s2] =	stream.indirect.scatter.add.f32 [tilespmem:s17], [sflag:$0x1], $0x10, s22, s16, $0xb8;
	[tilespmem:$0xCF20] =	vst v63  }
.Ltmp2:
0x3f: {  	_ = 	snop;
	(pc) =	sbr.rel @p1 .LBB2_6-.Ltmp2, $4  }
0x40: {  	_ = 	snop  }
0x41: {  	s21 =	sadd.s32 $0x200, s21  }
0x42: {  	_ =	swait.ge [sflag:s14], $0x800  }
0x43: {  	[sflag:s14] =	ssyncset.done $0x0  }
0x44: {  	[sflag:s14] =	ssyncadd.s32 $0xFFFFF800  }
0x45: {  	s21 =	simm.s32 @p0 $0x1FC1;
	[bflag:$0x0] =	sbarrier.arrive $0xFFFF  }
0x46: {  	[hbm:s12], [sflag:s21] =	dma.local @p0 [spmem:s18], $0x2800  }
0x47: {  	s21 =	simm.s32 @p0 $0x1  }
0x48: {  	_ =	swait.ge @p0 [sflag:s21], $0x2800  }
0x49: {  	s20 =	sadd.s32 $0x1, s20;
	[sflag:s21] =	ssyncset.done @p0 $0x0  }
0x4a: {  	p1 =	sne.s32 s20, s13;
	[sflag:s21] =	ssyncadd.s32 @p0 $0xFFFFD800;
	s21 =	sshrl.u32 @!p0 s5, $0x3  }
0x4b: {  	[hbm:s11], [sflag:s19] =	dma.local @!p0 [spmem:s21], $0x2700  }
.Ltmp3:
0x4c: {  	_ = 	snop;
	(pc) =	sbr.rel @p1 .LBB2_1-.Ltmp3, $4  }
0x4d: {  	s21 =	simm.s32 @!p0 $0x1  }
0x4e: {  	_ =	swait.ge @!p0 [sflag:s21], $0x2700  }
0x4f: {  	[sflag:s21] =	ssyncset.done @!p0 $0x0  }
0x50: {  	[sflag:s21] =	ssyncadd.s32 @!p0 $0xFFFFD900  }
0x51: {  	_ =	sfence.sel $0x180000  }
0x52: {  	[bflag:$0x0] =	sbarrier.arrive $0xFFFF  }
0x53: {  	p0 =	sne.s32 s1, $0x0;
	_ =	strace $0x90000047  }
0x54: {  	s0 =	sadd.s32 @!p0 $0x100000, s0;
	[bflag:$0x2] =	sbarrier.arrive $0xFFFF  }
0x55: {  	[sflag:s0] =	ssyncadd.tile.s32 @!p0 $0x1;
	_ =	shalt  }
.Lfunc_end2:
_tile_overlayer_lowered:
.L_overlay_start_2:
0x56: {  	(tag) =	ssettag $0x2  }
0x57: {  	s0 =	rddreg [dreg:$0x0];
	s2 =	stileid.u32  }
0x58: {  	s1 =	rddreg [dreg:$0x1];
	p0 =	sne.s32 s2, $0x0  }
0x59: {  	s3 =	rddreg [dreg:$0x2];
	[bflag:$0x3] =	sbarrier.arrive $0xFFFF;
	s2 =	simm.s32 @!p0 $0x1C01  }
0x5a: {  	[timem:s3], [sflag:s2] =	dma.local @!p0 [hbm:s0], s1  }
0x5b: {  	s0 =	simm.s32 @!p0 $0x1  }
0x5c: {  	_ =	swait.ge @!p0 [sflag:s0], s1  }
0x5d: {  	s1 =	ssub.s32 @!p0 $0x0, s1;
	[sflag:s0] =	ssyncset.done @!p0 $0x0  }
0x5e: {  	[sflag:s0] =	ssyncadd.s32 @!p0 s1  }
0x5f: {  	[bflag:$0x3] =	sbarrier.arrive $0xFFFF  }
0x60: {  	_ =	shalt  }

</sc_bundles>
